<compile_context>
chip_gen: v7x
topology: tpu7x:2x2x1
jax: 0.10.2.dev20260603
libtpu: 0.0.44.dev20260713+nightly
codegen_flags: <defaults>
</compile_context>

<pallas_src>
import functools

import jax
import jax.numpy as jnp
from jax import lax
from jax.experimental import pallas as pl
from jax.experimental.pallas import tpu as pltpu
from jax.experimental.pallas import tpu_sc as plsc

_NC = 2
_NS = 16
_NW = _NC * _NS
_BB = 128
_TP = 129


def _gather_t(n_s, n_b, v, d):
    db_n, di_n = d // 8, 8
    bb_n = n_b // _BB
    n_units = n_s * bb_n
    u_per_w = n_units // _NW
    stage = v // _NS

    mesh = plsc.VectorSubcoreMesh(core_axis_name="c", subcore_axis_name="s")

    scratch = (
        [pltpu.VMEM((u_per_w * _BB,), jnp.int32)]
        + [pltpu.VMEM((_BB, d), jnp.float32) for _ in range(2)]
        + [pltpu.VMEM((db_n, di_n, _TP), jnp.float32) for _ in range(2)]
        + [pltpu.SemaphoreType.DMA for _ in range(4)]
        + [pltpu.VMEM_SHARED((v, d), jnp.float32)]
    )

    @functools.partial(
        pl.kernel,
        mesh=mesh,
        out_type=jax.ShapeDtypeStruct((n_s, db_n, bb_n, di_n, _BB),
                                      jnp.float32),
        scratch_types=scratch,
        compiler_params=pltpu.CompilerParams(use_tc_tiling_on_sc=False,
                                             needs_layout_passes=False),
    )
    def gather_k(idx_hbm, pe_hbm, out_hbm, idx_all, rows0, rows1,
                 outt0, outt1, gsem0, gsem1, ssem0, ssem1, pe_sh):
        rows_v = (rows0, rows1)
        outt_v = (outt0, outt1)
        gsem = (gsem0, gsem1)
        ssem = (ssem0, ssem1)

        sid = lax.axis_index("s")
        wid = sid * _NC + lax.axis_index("c")
        base = wid * u_per_w

        pltpu.sync_copy(
            idx_hbm.at[pl.ds(pl.multiple_of(base * _BB, 8), u_per_w * _BB)],
            idx_all)

        srow = pl.multiple_of(sid * stage, 8)
        pltpu.sync_copy(pe_hbm.at[pl.ds(srow, stage)],
                        rows0.at[pl.ds(0, stage)])
        pltpu.sync_copy(rows0.at[pl.ds(0, stage)],
                        pe_sh.at[pl.ds(srow, stage)])
        plsc.subcore_barrier()

        iota = lax.iota(jnp.int32, 16)
        db_ids = [(iota + 16 * g) // di_n for g in range(d // 16)]
        di_ids = lax.rem(iota, di_n)

        def unit_su(u):
            return u // bb_n, u % bb_n

        def idx_slice(u):
            k = u - base
            return idx_all.at[pl.ds(pl.multiple_of(k * _BB, 8), _BB)]

        def load_and_gather(u, b):
            pltpu.async_copy(pe_sh.at[idx_slice(u)], rows_v[b], gsem[b])

        def wait_gather(u, b):
            pltpu.make_async_copy(pe_sh.at[idx_slice(u)], rows_v[b],
                                  gsem[b]).wait()

        def transpose(b):
            @plsc.parallel_loop(0, _BB, 2, unroll=8)
            def bbody(bi):
                batch = []
                for k in range(2):
                    bid = jnp.full((16,), bi + k, dtype=jnp.int32)
                    for g in range(d // 16):
                        batch.append((rows_v[b][bi + k, pl.ds(g * 16, 16)],
                                      g, bid))
                for x, g, bid in batch:
                    plsc.store_scatter(outt_v[b], [db_ids[g], di_ids, bid], x)

        def start_store(u, b):
            s, bb = unit_su(u)
            pltpu.async_copy(outt_v[b].at[:, :, pl.ds(0, _BB)],
                             out_hbm.at[s, :, bb], ssem[b])

        def wait_store(u, b):
            s, bb = unit_su(u)
            pltpu.make_async_copy(outt_v[b].at[:, :, pl.ds(0, _BB)],
                                  out_hbm.at[s, :, bb], ssem[b]).wait()

        load_and_gather(base + 0, 0)
        load_and_gather(base + 1, 1)
        for sub in range(2):
            u = base + sub
            wait_gather(u, sub)
            transpose(sub)
            start_store(u, sub)
            load_and_gather(u + 2, sub)

        def body(g, carry):
            for sub in range(2):
                u = base + 2 * g + sub
                wait_gather(u, sub)
                wait_store(u - 2, sub)
                transpose(sub)
                start_store(u, sub)
                load_and_gather(u + 2, sub)
            return carry

        lax.fori_loop(1, u_per_w // 2 - 1, body, 0)

        for sub in range(2):
            u = base + u_per_w - 2 + sub
            wait_gather(u, sub)
            wait_store(u - 2, sub)
            transpose(sub)
            start_store(u, sub)
        for sub in range(2):
            wait_store(base + u_per_w - 2 + sub, sub)

    return gather_k


def kernel(positions, pe):
    b, s = positions.shape
    v, d = pe.shape
    posT = jnp.transpose(positions).reshape(s * b).astype(jnp.int32)
    out5 = _gather_t(s, b, v, d)(posT, pe)
    return jnp.transpose(out5, (2, 4, 0, 1, 3)).reshape(b, s, d)

# --- scband reference (transcript-rebuilt; emitter-appended) ---
"""Pipeline reference for scband-positional-encoding1d-84439057039747 (READ-ONLY COPY).

The authoritative reference and input builder live on the scoring server;
editing this copy changes nothing except your own understanding.
"""

import jax, jax.numpy as jnp
import numpy as np

D_MODEL = 64
MAX_LEN = 2048
BATCH = 4096
SEQ = 200


def _build_pe(max_len, d_model):
    i = jnp.arange(d_model // 2, dtype=jnp.float32)
    x = jnp.arange(max_len, dtype=jnp.float32)
    inv_freq = 1.0 / (10000.0 ** (2.0 * i / d_model))
    ang = x[:, None] * inv_freq[None, :]
    pe = jnp.zeros((max_len, d_model), dtype=jnp.float32)
    pe = pe.at[:, 0::2].set(jnp.sin(ang))
    pe = pe.at[:, 1::2].set(jnp.cos(ang))
    return pe


def setup_inputs(seed: int = 0) -> dict:
    key = jax.random.key(seed)
    k1, _ = jax.random.split(key)
    positions = jax.random.randint(k1, (BATCH, SEQ), 0, MAX_LEN, dtype=jnp.int64 if jax.config.jax_enable_x64 else jnp.int32)
    pe = _build_pe(MAX_LEN, D_MODEL)
    return {"positions": positions, "pe": pe}


def reference(positions, pe):
    # valid_positions = positions != -1; gather pe rows at valid positions, zeros elsewhere
    mask = positions != -1
    safe_idx = jnp.where(mask, positions, 0)
    enc = jnp.take(pe, safe_idx, axis=0)  # [B, S, d_model]
    pos_enc = jnp.where(mask[..., None], enc, jnp.zeros((), dtype=pe.dtype))
    return pos_enc

if __name__ == "__main__":
    import jax
    _d = setup_inputs()
    print(jax.jit(kernel)(*tuple(_d.values())))

</pallas_src>

<mosaic_0001>
#map = affine_map<(d0, d1) -> (0)>
#map1 = affine_map<(d0, d1) -> (0, 0)>
#map2 = affine_map<(d0, d1) -> (0, 0, 0, 0, 0)>
module attributes {stable_mosaic.version = 14 : i64} {
  func.func @gather_k(%arg0: i32, %arg1: i32, %arg2: memref<819200xi32, #tpu.memory_space<hbm>>, %arg3: memref<2048x64xf32, #tpu.memory_space<hbm>>, %arg4: memref<200x8x32x8x128xf32, #tpu.memory_space<hbm>>, %arg5: memref<25600xi32, #tpu.memory_space<vmem>>, %arg6: memref<128x64xf32, #tpu.memory_space<vmem>>, %arg7: memref<128x64xf32, #tpu.memory_space<vmem>>, %arg8: memref<8x8x129xf32, #tpu.memory_space<vmem>>, %arg9: memref<8x8x129xf32, #tpu.memory_space<vmem>>, %arg10: memref<!tpu.dma_semaphore, #tpu.memory_space<semaphore_mem>>, %arg11: memref<!tpu.dma_semaphore, #tpu.memory_space<semaphore_mem>>, %arg12: memref<!tpu.dma_semaphore, #tpu.memory_space<semaphore_mem>>, %arg13: memref<!tpu.dma_semaphore, #tpu.memory_space<semaphore_mem>>, %arg14: memref<2048x64xf32, #tpu.memory_space<vmem_shared>>) attributes {dimension_semantics = [#tpu.dimension_semantics<core_parallel>, #tpu.dimension_semantics<subcore_parallel>], iteration_bounds = array<i64: 2, 16>, scalar_prefetch = 0 : i64, scratch_operands = 10 : i64, tpu.core_type = #tpu.core_type<sc_vector_subcore>, window_params = [{transform_indices = #map}, {transform_indices = #map1}, {transform_indices = #map2}]} {
    %mul3A = arith.constant 2 : i32
    %mul3A_0 = arith.muli %arg1, %mul3A : i32
    %add3A = arith.addi %mul3A_0, %arg0 : i32
    %mul3A_1 = arith.constant 200 : i32
    %mul3A_2 = arith.muli %add3A, %mul3A_1 : i32
    %mul3A_3 = arith.constant 128 : i32
    %mul3A_4 = arith.muli %mul3A_2, %mul3A_3 : i32
    %multiple_of3A = tpu.assume_multiple %mul3A_4, 8 : i32
    "tpu.region"() ({
      %run_scoped3A = tpu.sem_alloc : memref<!tpu.dma_semaphore, #tpu.memory_space<semaphore_mem>>
      %dma_start3A_719 = tpu.memref_slice %arg2[%multiple_of3A] : memref<819200xi32, #tpu.memory_space<hbm>> -> memref<25600xi32, #tpu.memory_space<hbm>>
      %dma_start3A_720 = tpu.memref_slice %arg2[%multiple_of3A] : memref<819200xi32, #tpu.memory_space<hbm>> -> memref<25600xi32, #tpu.memory_space<hbm>>
      tpu.enqueue_dma source(%dma_start3A_720 : memref<25600xi32, #tpu.memory_space<hbm>>) target(%arg5 : memref<25600xi32, #tpu.memory_space<vmem>>) target_semaphore(%run_scoped3A : memref<!tpu.dma_semaphore, #tpu.memory_space<semaphore_mem>>)
      %dma_wait3A_721 = tpu.memref_slice %arg2[%multiple_of3A] : memref<819200xi32, #tpu.memory_space<hbm>> -> memref<25600xi32, #tpu.memory_space<hbm>>
      %dma_wait3A_722 = tpu.memref_slice %arg2[%multiple_of3A] : memref<819200xi32, #tpu.memory_space<hbm>> -> memref<25600xi32, #tpu.memory_space<hbm>>
      tpu.wait_dma2 semaphore(%run_scoped3A : memref<!tpu.dma_semaphore, #tpu.memory_space<semaphore_mem>>) src(%dma_wait3A_722 : memref<25600xi32, #tpu.memory_space<hbm>>) dst(%arg5 : memref<25600xi32, #tpu.memory_space<vmem>>)
      tpu.yield
    }) : () -> ()
    %mul3A_5 = arith.constant 128 : i32
    %mul3A_6 = arith.muli %arg1, %mul3A_5 : i32
    %multiple_of3A_7 = tpu.assume_multiple %mul3A_6, 8 : i32
    "tpu.region"() ({
      %run_scoped3A = tpu.sem_alloc : memref<!tpu.dma_semaphore, #tpu.memory_space<semaphore_mem>>
      %dma_start3A_719 = arith.constant 0 : i32
      %dma_start3A_720 = arith.constant 0 : i32
      %dma_start3A_721 = tpu.memref_slice %arg6[%dma_start3A_719, %dma_start3A_720] : memref<128x64xf32, #tpu.memory_space<vmem>> -> memref<128x64xf32, #tpu.memory_space<vmem>>
      %dma_start3A_722 = arith.constant 0 : i32
      %dma_start3A_723 = tpu.memref_slice %arg3[%multiple_of3A_7, %dma_start3A_722] : memref<2048x64xf32, #tpu.memory_space<hbm>> -> memref<128x64xf32, #tpu.memory_space<hbm>>
      %dma_start3A_724 = arith.constant 0 : i32
      %dma_start3A_725 = arith.constant 0 : i32
      %dma_start3A_726 = tpu.memref_slice %arg6[%dma_start3A_724, %dma_start3A_725] : memref<128x64xf32, #tpu.memory_space<vmem>> -> memref<128x64xf32, #tpu.memory_space<vmem>>
      %dma_start3A_727 = arith.constant 0 : i32
      %dma_start3A_728 = tpu.memref_slice %arg3[%multiple_of3A_7, %dma_start3A_727] : memref<2048x64xf32, #tpu.memory_space<hbm>> -> memref<128x64xf32, #tpu.memory_space<hbm>>
      tpu.enqueue_dma source(%dma_start3A_728 : memref<128x64xf32, #tpu.memory_space<hbm>>) target(%dma_start3A_726 : memref<128x64xf32, #tpu.memory_space<vmem>>) target_semaphore(%run_scoped3A : memref<!tpu.dma_semaphore, #tpu.memory_space<semaphore_mem>>)
      %dma_wait3A_729 = arith.constant 0 : i32
      %dma_wait3A_730 = arith.constant 0 : i32
      %dma_wait3A_731 = tpu.memref_slice %arg6[%dma_wait3A_729, %dma_wait3A_730] : memref<128x64xf32, #tpu.memory_space<vmem>> -> memref<128x64xf32, #tpu.memory_space<vmem>>
      %dma_wait3A_732 = arith.constant 0 : i32
      %dma_wait3A_733 = tpu.memref_slice %arg3[%multiple_of3A_7, %dma_wait3A_732] : memref<2048x64xf32, #tpu.memory_space<hbm>> -> memref<128x64xf32, #tpu.memory_space<hbm>>
      %dma_wait3A_734 = arith.constant 0 : i32
      %dma_wait3A_735 = arith.constant 0 : i32
      %dma_wait3A_736 = tpu.memref_slice %arg6[%dma_wait3A_734, %dma_wait3A_735] : memref<128x64xf32, #tpu.memory_space<vmem>> -> memref<128x64xf32, #tpu.memory_space<vmem>>
      %dma_wait3A_737 = arith.constant 0 : i32
      %dma_wait3A_738 = tpu.memref_slice %arg3[%multiple_of3A_7, %dma_wait3A_737] : memref<2048x64xf32, #tpu.memory_space<hbm>> -> memref<128x64xf32, #tpu.memory_space<hbm>>
      tpu.wait_dma2 semaphore(%run_scoped3A : memref<!tpu.dma_semaphore, #tpu.memory_space<semaphore_mem>>) src(%dma_wait3A_738 : memref<128x64xf32, #tpu.memory_space<hbm>>) dst(%dma_wait3A_736 : memref<128x64xf32, #tpu.memory_space<vmem>>)
      tpu.yield
    }) : () -> ()
    "tpu.region"() ({
      %run_scoped3A = tpu.sem_alloc : memref<!tpu.dma_semaphore, #tpu.memory_space<semaphore_mem>>
      %dma_start3A_719 = arith.constant 0 : i32
      %dma_start3A_720 = arith.constant 0 : i32
      %dma_start3A_721 = tpu.memref_slice %arg6[%dma_start3A_719, %dma_start3A_720] : memref<128x64xf32, #tpu.memory_space<vmem>> -> memref<128x64xf32, #tpu.memory_space<vmem>>
      %dma_start3A_722 = arith.constant 0 : i32
      %dma_start3A_723 = tpu.memref_slice %arg14[%multiple_of3A_7, %dma_start3A_722] : memref<2048x64xf32, #tpu.memory_space<vmem_shared>> -> memref<128x64xf32, #tpu.memory_space<vmem_shared>>
      %dma_start3A_724 = arith.constant 0 : i32
      %dma_start3A_725 = tpu.memref_slice %arg14[%multiple_of3A_7, %dma_start3A_724] : memref<2048x64xf32, #tpu.memory_space<vmem_shared>> -> memref<128x64xf32, #tpu.memory_space<vmem_shared>>
      %dma_start3A_726 = arith.constant 0 : i32
      %dma_start3A_727 = arith.constant 0 : i32
      %dma_start3A_728 = tpu.memref_slice %arg6[%dma_start3A_726, %dma_start3A_727] : memref<128x64xf32, #tpu.memory_space<vmem>> -> memref<128x64xf32, #tpu.memory_space<vmem>>
      tpu.enqueue_dma source(%dma_start3A_728 : memref<128x64xf32, #tpu.memory_space<vmem>>) target(%dma_start3A_725 : memref<128x64xf32, #tpu.memory_space<vmem_shared>>) target_semaphore(%run_scoped3A : memref<!tpu.dma_semaphore, #tpu.memory_space<semaphore_mem>>)
      %dma_wait3A_729 = arith.constant 0 : i32
      %dma_wait3A_730 = arith.constant 0 : i32
      %dma_wait3A_731 = tpu.memref_slice %arg6[%dma_wait3A_729, %dma_wait3A_730] : memref<128x64xf32, #tpu.memory_space<vmem>> -> memref<128x64xf32, #tpu.memory_space<vmem>>
      %dma_wait3A_732 = arith.constant 0 : i32
      %dma_wait3A_733 = tpu.memref_slice %arg14[%multiple_of3A_7, %dma_wait3A_732] : memref<2048x64xf32, #tpu.memory_space<vmem_shared>> -> memref<128x64xf32, #tpu.memory_space<vmem_shared>>
      %dma_wait3A_734 = arith.constant 0 : i32
      %dma_wait3A_735 = tpu.memref_slice %arg14[%multiple_of3A_7, %dma_wait3A_734] : memref<2048x64xf32, #tpu.memory_space<vmem_shared>> -> memref<128x64xf32, #tpu.memory_space<vmem_shared>>
      %dma_wait3A_736 = arith.constant 0 : i32
      %dma_wait3A_737 = arith.constant 0 : i32
      %dma_wait3A_738 = tpu.memref_slice %arg6[%dma_wait3A_736, %dma_wait3A_737] : memref<128x64xf32, #tpu.memory_space<vmem>> -> memref<128x64xf32, #tpu.memory_space<vmem>>
      tpu.wait_dma2 semaphore(%run_scoped3A : memref<!tpu.dma_semaphore, #tpu.memory_space<semaphore_mem>>) src(%dma_wait3A_738 : memref<128x64xf32, #tpu.memory_space<vmem>>) dst(%dma_wait3A_735 : memref<128x64xf32, #tpu.memory_space<vmem_shared>>)
      tpu.yield
    }) : () -> ()
    %barrier3A = arith.constant 0 : index
    tpu.barrier barrier_id(%barrier3A)
    %iota3A = tpu.iota {dimensions = array<i32: 0>} : vector<16xi32>
    %add3A_8 = arith.constant 0 : i32
    %add3A_9 = vector.broadcast %add3A_8 : i32 to vector<16xi32>
    %add3A_10 = arith.addi %iota3A, %add3A_9 : vector<16xi32>
    %jit3A = arith.constant 8 : i32
    %div3A = vector.broadcast %jit3A : i32 to vector<16xi32>
    %div3A_11 = arith.divsi %add3A_10, %div3A : vector<16xi32>
    %sign3A = arith.constant 0 : i32
    %sign3A_12 = vector.broadcast %sign3A : i32 to vector<16xi32>
    %sign3A_13 = arith.cmpi sgt, %add3A_10, %sign3A_12 : vector<16xi32>
    %sign3A_14 = arith.extui %sign3A_13 : vector<16xi1> to vector<16xi32>
    %sign3A_15 = arith.constant 0 : i32
    %sign3A_16 = vector.broadcast %sign3A_15 : i32 to vector<16xi32>
    %sign3A_17 = arith.cmpi slt, %add3A_10, %sign3A_16 : vector<16xi32>
    %sign3A_18 = arith.extui %sign3A_17 : vector<16xi1> to vector<16xi32>
    %sign3A_19 = arith.subi %sign3A_14, %sign3A_18 : vector<16xi32>
    %sign3A_20 = arith.constant 0 : i32
    %sign3A_21 = arith.cmpi sgt, %jit3A, %sign3A_20 : i32
    %sign3A_22 = arith.extui %sign3A_21 : i1 to i32
    %sign3A_23 = arith.constant 0 : i32
    %sign3A_24 = arith.cmpi slt, %jit3A, %sign3A_23 : i32
    %sign3A_25 = arith.extui %sign3A_24 : i1 to i32
    %sign3A_26 = arith.subi %sign3A_22, %sign3A_25 : i32
    %ne3A = vector.broadcast %sign3A_26 : i32 to vector<16xi32>
    %ne3A_27 = arith.cmpi ne, %sign3A_19, %ne3A : vector<16xi32>
    %rem3A = vector.broadcast %jit3A : i32 to vector<16xi32>
    %rem3A_28 = arith.remsi %add3A_10, %rem3A : vector<16xi32>
    %ne3A_29 = arith.constant 0 : i32
    %ne3A_30 = vector.broadcast %ne3A_29 : i32 to vector<16xi32>
    %ne3A_31 = arith.cmpi ne, %rem3A_28, %ne3A_30 : vector<16xi32>
    %and3A = arith.andi %ne3A_27, %ne3A_31 : vector<16xi1>
    %sub3A = arith.constant 1 : i32
    %sub3A_32 = vector.broadcast %sub3A : i32 to vector<16xi32>
    %sub3A_33 = arith.subi %div3A_11, %sub3A_32 : vector<16xi32>
    %select_n3A = arith.select %and3A, %sub3A_33, %div3A_11 : vector<16xi1>, vector<16xi32>
    %add3A_34 = arith.constant 16 : i32
    %add3A_35 = vector.broadcast %add3A_34 : i32 to vector<16xi32>
    %add3A_36 = arith.addi %iota3A, %add3A_35 : vector<16xi32>
    %jit3A_37 = arith.constant 8 : i32
    %div3A_38 = vector.broadcast %jit3A_37 : i32 to vector<16xi32>
    %div3A_39 = arith.divsi %add3A_36, %div3A_38 : vector<16xi32>
    %sign3A_40 = arith.constant 0 : i32
    %sign3A_41 = vector.broadcast %sign3A_40 : i32 to vector<16xi32>
    %sign3A_42 = arith.cmpi sgt, %add3A_36, %sign3A_41 : vector<16xi32>
    %sign3A_43 = arith.extui %sign3A_42 : vector<16xi1> to vector<16xi32>
    %sign3A_44 = arith.constant 0 : i32
    %sign3A_45 = vector.broadcast %sign3A_44 : i32 to vector<16xi32>
    %sign3A_46 = arith.cmpi slt, %add3A_36, %sign3A_45 : vector<16xi32>
    %sign3A_47 = arith.extui %sign3A_46 : vector<16xi1> to vector<16xi32>
    %sign3A_48 = arith.subi %sign3A_43, %sign3A_47 : vector<16xi32>
    %sign3A_49 = arith.constant 0 : i32
    %sign3A_50 = arith.cmpi sgt, %jit3A_37, %sign3A_49 : i32
    %sign3A_51 = arith.extui %sign3A_50 : i1 to i32
    %sign3A_52 = arith.constant 0 : i32
    %sign3A_53 = arith.cmpi slt, %jit3A_37, %sign3A_52 : i32
    %sign3A_54 = arith.extui %sign3A_53 : i1 to i32
    %sign3A_55 = arith.subi %sign3A_51, %sign3A_54 : i32
    %ne3A_56 = vector.broadcast %sign3A_55 : i32 to vector<16xi32>
    %ne3A_57 = arith.cmpi ne, %sign3A_48, %ne3A_56 : vector<16xi32>
    %rem3A_58 = vector.broadcast %jit3A_37 : i32 to vector<16xi32>
    %rem3A_59 = arith.remsi %add3A_36, %rem3A_58 : vector<16xi32>
    %ne3A_60 = arith.constant 0 : i32
    %ne3A_61 = vector.broadcast %ne3A_60 : i32 to vector<16xi32>
    %ne3A_62 = arith.cmpi ne, %rem3A_59, %ne3A_61 : vector<16xi32>
    %and3A_63 = arith.andi %ne3A_57, %ne3A_62 : vector<16xi1>
    %sub3A_64 = arith.constant 1 : i32
    %sub3A_65 = vector.broadcast %sub3A_64 : i32 to vector<16xi32>
    %sub3A_66 = arith.subi %div3A_39, %sub3A_65 : vector<16xi32>
    %select_n3A_67 = arith.select %and3A_63, %sub3A_66, %div3A_39 : vector<16xi1>, vector<16xi32>
    %add3A_68 = arith.constant 32 : i32
    %add3A_69 = vector.broadcast %add3A_68 : i32 to vector<16xi32>
    %add3A_70 = arith.addi %iota3A, %add3A_69 : vector<16xi32>
    %jit3A_71 = arith.constant 8 : i32
    %div3A_72 = vector.broadcast %jit3A_71 : i32 to vector<16xi32>
    %div3A_73 = arith.divsi %add3A_70, %div3A_72 : vector<16xi32>
    %sign3A_74 = arith.constant 0 : i32
    %sign3A_75 = vector.broadcast %sign3A_74 : i32 to vector<16xi32>
    %sign3A_76 = arith.cmpi sgt, %add3A_70, %sign3A_75 : vector<16xi32>
    %sign3A_77 = arith.extui %sign3A_76 : vector<16xi1> to vector<16xi32>
    %sign3A_78 = arith.constant 0 : i32
    %sign3A_79 = vector.broadcast %sign3A_78 : i32 to vector<16xi32>
    %sign3A_80 = arith.cmpi slt, %add3A_70, %sign3A_79 : vector<16xi32>
    %sign3A_81 = arith.extui %sign3A_80 : vector<16xi1> to vector<16xi32>
    %sign3A_82 = arith.subi %sign3A_77, %sign3A_81 : vector<16xi32>
    %sign3A_83 = arith.constant 0 : i32
    %sign3A_84 = arith.cmpi sgt, %jit3A_71, %sign3A_83 : i32
    %sign3A_85 = arith.extui %sign3A_84 : i1 to i32
    %sign3A_86 = arith.constant 0 : i32
    %sign3A_87 = arith.cmpi slt, %jit3A_71, %sign3A_86 : i32
    %sign3A_88 = arith.extui %sign3A_87 : i1 to i32
    %sign3A_89 = arith.subi %sign3A_85, %sign3A_88 : i32
    %ne3A_90 = vector.broadcast %sign3A_89 : i32 to vector<16xi32>
    %ne3A_91 = arith.cmpi ne, %sign3A_82, %ne3A_90 : vector<16xi32>
    %rem3A_92 = vector.broadcast %jit3A_71 : i32 to vector<16xi32>
    %rem3A_93 = arith.remsi %add3A_70, %rem3A_92 : vector<16xi32>
    %ne3A_94 = arith.constant 0 : i32
    %ne3A_95 = vector.broadcast %ne3A_94 : i32 to vector<16xi32>
    %ne3A_96 = arith.cmpi ne, %rem3A_93, %ne3A_95 : vector<16xi32>
    %and3A_97 = arith.andi %ne3A_91, %ne3A_96 : vector<16xi1>
    %sub3A_98 = arith.constant 1 : i32
    %sub3A_99 = vector.broadcast %sub3A_98 : i32 to vector<16xi32>
    %sub3A_100 = arith.subi %div3A_73, %sub3A_99 : vector<16xi32>
    %select_n3A_101 = arith.select %and3A_97, %sub3A_100, %div3A_73 : vector<16xi1>, vector<16xi32>
    %add3A_102 = arith.constant 48 : i32
    %add3A_103 = vector.broadcast %add3A_102 : i32 to vector<16xi32>
    %add3A_104 = arith.addi %iota3A, %add3A_103 : vector<16xi32>
    %jit3A_105 = arith.constant 8 : i32
    %div3A_106 = vector.broadcast %jit3A_105 : i32 to vector<16xi32>
    %div3A_107 = arith.divsi %add3A_104, %div3A_106 : vector<16xi32>
    %sign3A_108 = arith.constant 0 : i32
    %sign3A_109 = vector.broadcast %sign3A_108 : i32 to vector<16xi32>
    %sign3A_110 = arith.cmpi sgt, %add3A_104, %sign3A_109 : vector<16xi32>
    %sign3A_111 = arith.extui %sign3A_110 : vector<16xi1> to vector<16xi32>
    %sign3A_112 = arith.constant 0 : i32
    %sign3A_113 = vector.broadcast %sign3A_112 : i32 to vector<16xi32>
    %sign3A_114 = arith.cmpi slt, %add3A_104, %sign3A_113 : vector<16xi32>
    %sign3A_115 = arith.extui %sign3A_114 : vector<16xi1> to vector<16xi32>
    %sign3A_116 = arith.subi %sign3A_111, %sign3A_115 : vector<16xi32>
    %sign3A_117 = arith.constant 0 : i32
    %sign3A_118 = arith.cmpi sgt, %jit3A_105, %sign3A_117 : i32
    %sign3A_119 = arith.extui %sign3A_118 : i1 to i32
    %sign3A_120 = arith.constant 0 : i32
    %sign3A_121 = arith.cmpi slt, %jit3A_105, %sign3A_120 : i32
    %sign3A_122 = arith.extui %sign3A_121 : i1 to i32
    %sign3A_123 = arith.subi %sign3A_119, %sign3A_122 : i32
    %ne3A_124 = vector.broadcast %sign3A_123 : i32 to vector<16xi32>
    %ne3A_125 = arith.cmpi ne, %sign3A_116, %ne3A_124 : vector<16xi32>
    %rem3A_126 = vector.broadcast %jit3A_105 : i32 to vector<16xi32>
    %rem3A_127 = arith.remsi %add3A_104, %rem3A_126 : vector<16xi32>
    %ne3A_128 = arith.constant 0 : i32
    %ne3A_129 = vector.broadcast %ne3A_128 : i32 to vector<16xi32>
    %ne3A_130 = arith.cmpi ne, %rem3A_127, %ne3A_129 : vector<16xi32>
    %and3A_131 = arith.andi %ne3A_125, %ne3A_130 : vector<16xi1>
    %sub3A_132 = arith.constant 1 : i32
    %sub3A_133 = vector.broadcast %sub3A_132 : i32 to vector<16xi32>
    %sub3A_134 = arith.subi %div3A_107, %sub3A_133 : vector<16xi32>
    %select_n3A_135 = arith.select %and3A_131, %sub3A_134, %div3A_107 : vector<16xi1>, vector<16xi32>
    %rem3A_136 = arith.constant 8 : i32
    %rem3A_137 = vector.broadcast %rem3A_136 : i32 to vector<16xi32>
    %rem3A_138 = arith.remsi %iota3A, %rem3A_137 : vector<16xi32>
    %add3A_139 = arith.constant 0 : i32
    %add3A_140 = arith.addi %mul3A_2, %add3A_139 : i32
    %sub3A_141 = arith.subi %add3A_140, %mul3A_2 : i32
    %mul3A_142 = arith.constant 128 : i32
    %mul3A_143 = arith.muli %sub3A_141, %mul3A_142 : i32
    %multiple_of3A_144 = tpu.assume_multiple %mul3A_143, 8 : i32
    %dma_start3A = tpu.memref_slice %arg5[%multiple_of3A_144] : memref<25600xi32, #tpu.memory_space<vmem>> -> memref<128xi32, #tpu.memory_space<vmem>>
    %dma_start3A_145 = arith.constant 0 : i32
    %dma_start3A_146 = arith.constant 0 : i32
    %dma_start3A_147 = tpu.memref_slice %arg14[%dma_start3A_145, %dma_start3A_146] : memref<2048x64xf32, #tpu.memory_space<vmem_shared>> -> memref<2048x64xf32, #tpu.memory_space<vmem_shared>>
    tpu.enqueue_indirect_dma source(%dma_start3A_147 : memref<2048x64xf32, #tpu.memory_space<vmem_shared>>) target(%arg6 : memref<128x64xf32, #tpu.memory_space<vmem>>) offsets(%dma_start3A : memref<128xi32, #tpu.memory_space<vmem>>) semaphore(%arg10 : memref<!tpu.dma_semaphore, #tpu.memory_space<semaphore_mem>>)
    %add3A_148 = arith.constant 1 : i32
    %add3A_149 = arith.addi %mul3A_2, %add3A_148 : i32
    %sub3A_150 = arith.subi %add3A_149, %mul3A_2 : i32
    %mul3A_151 = arith.constant 128 : i32
    %mul3A_152 = arith.muli %sub3A_150, %mul3A_151 : i32
    %multiple_of3A_153 = tpu.assume_multiple %mul3A_152, 8 : i32
    %dma_start3A_154 = tpu.memref_slice %arg5[%multiple_of3A_153] : memref<25600xi32, #tpu.memory_space<vmem>> -> memref<128xi32, #tpu.memory_space<vmem>>
    %dma_start3A_155 = arith.constant 0 : i32
    %dma_start3A_156 = arith.constant 0 : i32
    %dma_start3A_157 = tpu.memref_slice %arg14[%dma_start3A_155, %dma_start3A_156] : memref<2048x64xf32, #tpu.memory_space<vmem_shared>> -> memref<2048x64xf32, #tpu.memory_space<vmem_shared>>
    tpu.enqueue_indirect_dma source(%dma_start3A_157 : memref<2048x64xf32, #tpu.memory_space<vmem_shared>>) target(%arg7 : memref<128x64xf32, #tpu.memory_space<vmem>>) offsets(%dma_start3A_154 : memref<128xi32, #tpu.memory_space<vmem>>) semaphore(%arg11 : memref<!tpu.dma_semaphore, #tpu.memory_space<semaphore_mem>>)
    %add3A_158 = arith.constant 0 : i32
    %add3A_159 = arith.addi %mul3A_2, %add3A_158 : i32
    %sub3A_160 = arith.subi %add3A_159, %mul3A_2 : i32
    %mul3A_161 = arith.constant 128 : i32
    %mul3A_162 = arith.muli %sub3A_160, %mul3A_161 : i32
    %multiple_of3A_163 = tpu.assume_multiple %mul3A_162, 8 : i32
    %dma_wait3A = tpu.memref_slice %arg5[%multiple_of3A_163] : memref<25600xi32, #tpu.memory_space<vmem>> -> memref<128xi32, #tpu.memory_space<vmem>>
    %dma_wait3A_164 = arith.constant 0 : i32
    %dma_wait3A_165 = arith.constant 0 : i32
    %dma_wait3A_166 = tpu.memref_slice %arg14[%dma_wait3A_164, %dma_wait3A_165] : memref<2048x64xf32, #tpu.memory_space<vmem_shared>> -> memref<2048x64xf32, #tpu.memory_space<vmem_shared>>
    tpu.wait_indirect_dma semaphore(%arg10 : memref<!tpu.dma_semaphore, #tpu.memory_space<semaphore_mem>>) src(%dma_wait3A_166 : memref<2048x64xf32, #tpu.memory_space<vmem_shared>>) dst(%arg6 : memref<128x64xf32, #tpu.memory_space<vmem>>)
    %parallel_loop3A = arith.constant 0 : i32
    %parallel_loop3A_167 = arith.constant 128 : i32
    %parallel_loop3A_168 = arith.constant 2 : i32
    scf.for %parallel_loop3A_719 = %parallel_loop3A to %parallel_loop3A_167 step %parallel_loop3A_168  : i32 {
      %parallel_loop3A_720 = arith.constant 0 : i32
      %parallel_loop3A_721 = arith.addi %parallel_loop3A_719, %parallel_loop3A_720 : i32
      %parallel_loop3A_722 = vector.broadcast %parallel_loop3A_721 : i32 to vector<16xi32>
      %parallel_loop3A_723 = arith.constant 0 : i32
      %parallel_loop3A_724 = arith.addi %parallel_loop3A_719, %parallel_loop3A_723 : i32
      %parallel_loop3A_725 = arith.index_cast %parallel_loop3A_724 : i32 to index
      %parallel_loop3A_726 = arith.constant 0 : index
      %parallel_loop3A_727 = tpu.vector_load %arg6[%parallel_loop3A_725, %parallel_loop3A_726] {strides = array<i32>} : memref<128x64xf32, #tpu.memory_space<vmem>>, vector<16xf32>,
      %parallel_loop3A_728 = arith.constant 0 : i32
      %parallel_loop3A_729 = arith.addi %parallel_loop3A_719, %parallel_loop3A_728 : i32
      %parallel_loop3A_730 = arith.index_cast %parallel_loop3A_729 : i32 to index
      %parallel_loop3A_731 = arith.constant 16 : index
      %parallel_loop3A_732 = tpu.vector_load %arg6[%parallel_loop3A_730, %parallel_loop3A_731] {strides = array<i32>} : memref<128x64xf32, #tpu.memory_space<vmem>>, vector<16xf32>,
      %parallel_loop3A_733 = arith.constant 0 : i32
      %parallel_loop3A_734 = arith.addi %parallel_loop3A_719, %parallel_loop3A_733 : i32
      %parallel_loop3A_735 = arith.index_cast %parallel_loop3A_734 : i32 to index
      %parallel_loop3A_736 = arith.constant 32 : index
      %parallel_loop3A_737 = tpu.vector_load %arg6[%parallel_loop3A_735, %parallel_loop3A_736] {strides = array<i32>} : memref<128x64xf32, #tpu.memory_space<vmem>>, vector<16xf32>,
      %parallel_loop3A_738 = arith.constant 0 : i32
      %parallel_loop3A_739 = arith.addi %parallel_loop3A_719, %parallel_loop3A_738 : i32
      %parallel_loop3A_740 = arith.index_cast %parallel_loop3A_739 : i32 to index
      %parallel_loop3A_741 = arith.constant 48 : index
      %parallel_loop3A_742 = tpu.vector_load %arg6[%parallel_loop3A_740, %parallel_loop3A_741] {strides = array<i32>} : memref<128x64xf32, #tpu.memory_space<vmem>>, vector<16xf32>,
      %parallel_loop3A_743 = arith.constant 1 : i32
      %parallel_loop3A_744 = arith.addi %parallel_loop3A_719, %parallel_loop3A_743 : i32
      %parallel_loop3A_745 = vector.broadcast %parallel_loop3A_744 : i32 to vector<16xi32>
      %parallel_loop3A_746 = arith.constant 1 : i32
      %parallel_loop3A_747 = arith.addi %parallel_loop3A_719, %parallel_loop3A_746 : i32
      %parallel_loop3A_748 = arith.index_cast %parallel_loop3A_747 : i32 to index
      %parallel_loop3A_749 = arith.constant 0 : index
      %parallel_loop3A_750 = tpu.vector_load %arg6[%parallel_loop3A_748, %parallel_loop3A_749] {strides = array<i32>} : memref<128x64xf32, #tpu.memory_space<vmem>>, vector<16xf32>,
      %parallel_loop3A_751 = arith.constant 1 : i32
      %parallel_loop3A_752 = arith.addi %parallel_loop3A_719, %parallel_loop3A_751 : i32
      %parallel_loop3A_753 = arith.index_cast %parallel_loop3A_752 : i32 to index
      %parallel_loop3A_754 = arith.constant 16 : index
      %parallel_loop3A_755 = tpu.vector_load %arg6[%parallel_loop3A_753, %parallel_loop3A_754] {strides = array<i32>} : memref<128x64xf32, #tpu.memory_space<vmem>>, vector<16xf32>,
      %parallel_loop3A_756 = arith.constant 1 : i32
      %parallel_loop3A_757 = arith.addi %parallel_loop3A_719, %parallel_loop3A_756 : i32
      %parallel_loop3A_758 = arith.index_cast %parallel_loop3A_757 : i32 to index
      %parallel_loop3A_759 = arith.constant 32 : index
      %parallel_loop3A_760 = tpu.vector_load %arg6[%parallel_loop3A_758, %parallel_loop3A_759] {strides = array<i32>} : memref<128x64xf32, #tpu.memory_space<vmem>>, vector<16xf32>,
      %parallel_loop3A_761 = arith.constant 1 : i32
      %parallel_loop3A_762 = arith.addi %parallel_loop3A_719, %parallel_loop3A_761 : i32
      %parallel_loop3A_763 = arith.index_cast %parallel_loop3A_762 : i32 to index
      %parallel_loop3A_764 = arith.constant 48 : index
      %parallel_loop3A_765 = tpu.vector_load %arg6[%parallel_loop3A_763, %parallel_loop3A_764] {strides = array<i32>} : memref<128x64xf32, #tpu.memory_space<vmem>>, vector<16xf32>,
      tpu.vector_store_idx %arg8[%select_n3A, %rem3A_138, %parallel_loop3A_722], %parallel_loop3A_727 : memref<8x8x129xf32, #tpu.memory_space<vmem>>[vector<16xi32>, vector<16xi32>, vector<16xi32>], vector<16xf32>,
      tpu.vector_store_idx %arg8[%select_n3A_67, %rem3A_138, %parallel_loop3A_722], %parallel_loop3A_732 : memref<8x8x129xf32, #tpu.memory_space<vmem>>[vector<16xi32>, vector<16xi32>, vector<16xi32>], vector<16xf32>,
      tpu.vector_store_idx %arg8[%select_n3A_101, %rem3A_138, %parallel_loop3A_722], %parallel_loop3A_737 : memref<8x8x129xf32, #tpu.memory_space<vmem>>[vector<16xi32>, vector<16xi32>, vector<16xi32>], vector<16xf32>,
      tpu.vector_store_idx %arg8[%select_n3A_135, %rem3A_138, %parallel_loop3A_722], %parallel_loop3A_742 : memref<8x8x129xf32, #tpu.memory_space<vmem>>[vector<16xi32>, vector<16xi32>, vector<16xi32>], vector<16xf32>,
      tpu.vector_store_idx %arg8[%select_n3A, %rem3A_138, %parallel_loop3A_745], %parallel_loop3A_750 : memref<8x8x129xf32, #tpu.memory_space<vmem>>[vector<16xi32>, vector<16xi32>, vector<16xi32>], vector<16xf32>,
      tpu.vector_store_idx %arg8[%select_n3A_67, %rem3A_138, %parallel_loop3A_745], %parallel_loop3A_755 : memref<8x8x129xf32, #tpu.memory_space<vmem>>[vector<16xi32>, vector<16xi32>, vector<16xi32>], vector<16xf32>,
      tpu.vector_store_idx %arg8[%select_n3A_101, %rem3A_138, %parallel_loop3A_745], %parallel_loop3A_760 : memref<8x8x129xf32, #tpu.memory_space<vmem>>[vector<16xi32>, vector<16xi32>, vector<16xi32>], vector<16xf32>,
      tpu.vector_store_idx %arg8[%select_n3A_135, %rem3A_138, %parallel_loop3A_745], %parallel_loop3A_765 : memref<8x8x129xf32, #tpu.memory_space<vmem>>[vector<16xi32>, vector<16xi32>, vector<16xi32>], vector<16xf32>,
    } {sc.loop_unroll_factor = 8 : i64, sc.parallel_access}
    %jit3A_169 = arith.constant 32 : i32
    %div3A_170 = arith.divsi %add3A_159, %jit3A_169 : i32
    %sign3A_171 = arith.constant 0 : i32
    %sign3A_172 = arith.cmpi sgt, %add3A_159, %sign3A_171 : i32
    %sign3A_173 = arith.extui %sign3A_172 : i1 to i32
    %sign3A_174 = arith.constant 0 : i32
    %sign3A_175 = arith.cmpi slt, %add3A_159, %sign3A_174 : i32
    %sign3A_176 = arith.extui %sign3A_175 : i1 to i32
    %sign3A_177 = arith.subi %sign3A_173, %sign3A_176 : i32
    %sign3A_178 = arith.constant 0 : i32
    %sign3A_179 = arith.cmpi sgt, %jit3A_169, %sign3A_178 : i32
    %sign3A_180 = arith.extui %sign3A_179 : i1 to i32
    %sign3A_181 = arith.constant 0 : i32
    %sign3A_182 = arith.cmpi slt, %jit3A_169, %sign3A_181 : i32
    %sign3A_183 = arith.extui %sign3A_182 : i1 to i32
    %sign3A_184 = arith.subi %sign3A_180, %sign3A_183 : i32
    %ne3A_185 = arith.cmpi ne, %sign3A_177, %sign3A_184 : i32
    %rem3A_186 = arith.remsi %add3A_159, %jit3A_169 : i32
    %ne3A_187 = arith.constant 0 : i32
    %ne3A_188 = arith.cmpi ne, %rem3A_186, %ne3A_187 : i32
    %and3A_189 = arith.andi %ne3A_185, %ne3A_188 : i1
    %sub3A_190 = arith.constant 1 : i32
    %sub3A_191 = arith.subi %div3A_170, %sub3A_190 : i32
    %select_n3A_192 = arith.select %and3A_189, %sub3A_191, %div3A_170 : i32
    %jit3A_193 = arith.constant 32 : i32
    %eq3A = arith.constant 0 : i32
    %eq3A_194 = arith.cmpi eq, %jit3A_193, %eq3A : i32
    %jit3A_195 = arith.constant 1 : i32
    %select_n3A_196 = arith.select %eq3A_194, %jit3A_195, %jit3A_193 : i32
    %rem3A_197 = arith.remsi %add3A_159, %select_n3A_196 : i32
    %ne3A_198 = arith.constant 0 : i32
    %ne3A_199 = arith.cmpi ne, %rem3A_197, %ne3A_198 : i32
    %lt3A = arith.constant 0 : i32
    %lt3A_200 = arith.cmpi slt, %rem3A_197, %lt3A : i32
    %lt3A_201 = arith.constant 0 : i32
    %lt3A_202 = arith.cmpi slt, %select_n3A_196, %lt3A_201 : i32
    %ne3A_203 = arith.xori %lt3A_200, %lt3A_202 : i1
    %and3A_204 = arith.andi %ne3A_203, %ne3A_199 : i1
    %add3A_205 = arith.addi %rem3A_197, %select_n3A_196 : i32
    %select_n3A_206 = arith.select %and3A_204, %add3A_205, %rem3A_197 : i32
    %dma_start3A_207 = arith.constant 0 : i32
    %dma_start3A_208 = arith.constant 0 : i32
    %dma_start3A_209 = arith.constant 0 : i32
    %dma_start3A_210 = tpu.memref_slice %arg8[%dma_start3A_207, %dma_start3A_208, %dma_start3A_209] : memref<8x8x129xf32, #tpu.memory_space<vmem>> -> memref<8x8x128xf32, #tpu.memory_space<vmem>>
    %dma_start3A_211 = arith.constant 0 : i32
    %dma_start3A_212 = arith.constant 0 : i32
    %dma_start3A_213 = arith.constant 0 : i32
    %dma_start3A_214 = tpu.memref_slice %arg4[%select_n3A_192, %dma_start3A_211, %select_n3A_206, %dma_start3A_212, %dma_start3A_213] : memref<200x8x32x8x128xf32, #tpu.memory_space<hbm>> -> memref<1x8x1x8x128xf32, #tpu.memory_space<hbm>>
    %dma_start3A_215 = tpu.memref_squeeze %dma_start3A_214 : memref<1x8x1x8x128xf32, #tpu.memory_space<hbm>> -> memref<8x8x128xf32, #tpu.memory_space<hbm>>
    %dma_start3A_216 = arith.constant 0 : i32
    %dma_start3A_217 = arith.constant 0 : i32
    %dma_start3A_218 = arith.constant 0 : i32
    %dma_start3A_219 = tpu.memref_slice %arg4[%select_n3A_192, %dma_start3A_216, %select_n3A_206, %dma_start3A_217, %dma_start3A_218] : memref<200x8x32x8x128xf32, #tpu.memory_space<hbm>> -> memref<1x8x1x8x128xf32, #tpu.memory_space<hbm>>
    %dma_start3A_220 = tpu.memref_squeeze %dma_start3A_219 : memref<1x8x1x8x128xf32, #tpu.memory_space<hbm>> -> memref<8x8x128xf32, #tpu.memory_space<hbm>>
    %dma_start3A_221 = arith.constant 0 : i32
    %dma_start3A_222 = arith.constant 0 : i32
    %dma_start3A_223 = arith.constant 0 : i32
    %dma_start3A_224 = tpu.memref_slice %arg8[%dma_start3A_221, %dma_start3A_222, %dma_start3A_223] : memref<8x8x129xf32, #tpu.memory_space<vmem>> -> memref<8x8x128xf32, #tpu.memory_space<vmem>>
    tpu.enqueue_dma source(%dma_start3A_224 : memref<8x8x128xf32, #tpu.memory_space<vmem>>) target(%dma_start3A_220 : memref<8x8x128xf32, #tpu.memory_space<hbm>>) target_semaphore(%arg12 : memref<!tpu.dma_semaphore, #tpu.memory_space<semaphore_mem>>)
    %add3A_225 = arith.constant 2 : i32
    %add3A_226 = arith.addi %add3A_159, %add3A_225 : i32
    %sub3A_227 = arith.subi %add3A_226, %mul3A_2 : i32
    %mul3A_228 = arith.constant 128 : i32
    %mul3A_229 = arith.muli %sub3A_227, %mul3A_228 : i32
    %multiple_of3A_230 = tpu.assume_multiple %mul3A_229, 8 : i32
    %dma_start3A_231 = tpu.memref_slice %arg5[%multiple_of3A_230] : memref<25600xi32, #tpu.memory_space<vmem>> -> memref<128xi32, #tpu.memory_space<vmem>>
    %dma_start3A_232 = arith.constant 0 : i32
    %dma_start3A_233 = arith.constant 0 : i32
    %dma_start3A_234 = tpu.memref_slice %arg14[%dma_start3A_232, %dma_start3A_233] : memref<2048x64xf32, #tpu.memory_space<vmem_shared>> -> memref<2048x64xf32, #tpu.memory_space<vmem_shared>>
    tpu.enqueue_indirect_dma source(%dma_start3A_234 : memref<2048x64xf32, #tpu.memory_space<vmem_shared>>) target(%arg6 : memref<128x64xf32, #tpu.memory_space<vmem>>) offsets(%dma_start3A_231 : memref<128xi32, #tpu.memory_space<vmem>>) semaphore(%arg10 : memref<!tpu.dma_semaphore, #tpu.memory_space<semaphore_mem>>)
    %add3A_235 = arith.constant 1 : i32
    %add3A_236 = arith.addi %mul3A_2, %add3A_235 : i32
    %sub3A_237 = arith.subi %add3A_236, %mul3A_2 : i32
    %mul3A_238 = arith.constant 128 : i32
    %mul3A_239 = arith.muli %sub3A_237, %mul3A_238 : i32
    %multiple_of3A_240 = tpu.assume_multiple %mul3A_239, 8 : i32
    %dma_wait3A_241 = tpu.memref_slice %arg5[%multiple_of3A_240] : memref<25600xi32, #tpu.memory_space<vmem>> -> memref<128xi32, #tpu.memory_space<vmem>>
    %dma_wait3A_242 = arith.constant 0 : i32
    %dma_wait3A_243 = arith.constant 0 : i32
    %dma_wait3A_244 = tpu.memref_slice %arg14[%dma_wait3A_242, %dma_wait3A_243] : memref<2048x64xf32, #tpu.memory_space<vmem_shared>> -> memref<2048x64xf32, #tpu.memory_space<vmem_shared>>
    tpu.wait_indirect_dma semaphore(%arg11 : memref<!tpu.dma_semaphore, #tpu.memory_space<semaphore_mem>>) src(%dma_wait3A_244 : memref<2048x64xf32, #tpu.memory_space<vmem_shared>>) dst(%arg7 : memref<128x64xf32, #tpu.memory_space<vmem>>)
    %parallel_loop3A_245 = arith.constant 0 : i32
    %parallel_loop3A_246 = arith.constant 128 : i32
    %parallel_loop3A_247 = arith.constant 2 : i32
    scf.for %parallel_loop3A_719 = %parallel_loop3A_245 to %parallel_loop3A_246 step %parallel_loop3A_247  : i32 {
      %parallel_loop3A_720 = arith.constant 0 : i32
      %parallel_loop3A_721 = arith.addi %parallel_loop3A_719, %parallel_loop3A_720 : i32
      %parallel_loop3A_722 = vector.broadcast %parallel_loop3A_721 : i32 to vector<16xi32>
      %parallel_loop3A_723 = arith.constant 0 : i32
      %parallel_loop3A_724 = arith.addi %parallel_loop3A_719, %parallel_loop3A_723 : i32
      %parallel_loop3A_725 = arith.index_cast %parallel_loop3A_724 : i32 to index
      %parallel_loop3A_726 = arith.constant 0 : index
      %parallel_loop3A_727 = tpu.vector_load %arg7[%parallel_loop3A_725, %parallel_loop3A_726] {strides = array<i32>} : memref<128x64xf32, #tpu.memory_space<vmem>>, vector<16xf32>,
      %parallel_loop3A_728 = arith.constant 0 : i32
      %parallel_loop3A_729 = arith.addi %parallel_loop3A_719, %parallel_loop3A_728 : i32
      %parallel_loop3A_730 = arith.index_cast %parallel_loop3A_729 : i32 to index
      %parallel_loop3A_731 = arith.constant 16 : index
      %parallel_loop3A_732 = tpu.vector_load %arg7[%parallel_loop3A_730, %parallel_loop3A_731] {strides = array<i32>} : memref<128x64xf32, #tpu.memory_space<vmem>>, vector<16xf32>,
      %parallel_loop3A_733 = arith.constant 0 : i32
      %parallel_loop3A_734 = arith.addi %parallel_loop3A_719, %parallel_loop3A_733 : i32
      %parallel_loop3A_735 = arith.index_cast %parallel_loop3A_734 : i32 to index
      %parallel_loop3A_736 = arith.constant 32 : index
      %parallel_loop3A_737 = tpu.vector_load %arg7[%parallel_loop3A_735, %parallel_loop3A_736] {strides = array<i32>} : memref<128x64xf32, #tpu.memory_space<vmem>>, vector<16xf32>,
      %parallel_loop3A_738 = arith.constant 0 : i32
      %parallel_loop3A_739 = arith.addi %parallel_loop3A_719, %parallel_loop3A_738 : i32
      %parallel_loop3A_740 = arith.index_cast %parallel_loop3A_739 : i32 to index
      %parallel_loop3A_741 = arith.constant 48 : index
      %parallel_loop3A_742 = tpu.vector_load %arg7[%parallel_loop3A_740, %parallel_loop3A_741] {strides = array<i32>} : memref<128x64xf32, #tpu.memory_space<vmem>>, vector<16xf32>,
      %parallel_loop3A_743 = arith.constant 1 : i32
      %parallel_loop3A_744 = arith.addi %parallel_loop3A_719, %parallel_loop3A_743 : i32
      %parallel_loop3A_745 = vector.broadcast %parallel_loop3A_744 : i32 to vector<16xi32>
      %parallel_loop3A_746 = arith.constant 1 : i32
      %parallel_loop3A_747 = arith.addi %parallel_loop3A_719, %parallel_loop3A_746 : i32
      %parallel_loop3A_748 = arith.index_cast %parallel_loop3A_747 : i32 to index
      %parallel_loop3A_749 = arith.constant 0 : index
      %parallel_loop3A_750 = tpu.vector_load %arg7[%parallel_loop3A_748, %parallel_loop3A_749] {strides = array<i32>} : memref<128x64xf32, #tpu.memory_space<vmem>>, vector<16xf32>,
      %parallel_loop3A_751 = arith.constant 1 : i32
      %parallel_loop3A_752 = arith.addi %parallel_loop3A_719, %parallel_loop3A_751 : i32
      %parallel_loop3A_753 = arith.index_cast %parallel_loop3A_752 : i32 to index
      %parallel_loop3A_754 = arith.constant 16 : index
      %parallel_loop3A_755 = tpu.vector_load %arg7[%parallel_loop3A_753, %parallel_loop3A_754] {strides = array<i32>} : memref<128x64xf32, #tpu.memory_space<vmem>>, vector<16xf32>,
      %parallel_loop3A_756 = arith.constant 1 : i32
      %parallel_loop3A_757 = arith.addi %parallel_loop3A_719, %parallel_loop3A_756 : i32
      %parallel_loop3A_758 = arith.index_cast %parallel_loop3A_757 : i32 to index
      %parallel_loop3A_759 = arith.constant 32 : index
      %parallel_loop3A_760 = tpu.vector_load %arg7[%parallel_loop3A_758, %parallel_loop3A_759] {strides = array<i32>} : memref<128x64xf32, #tpu.memory_space<vmem>>, vector<16xf32>,
      %parallel_loop3A_761 = arith.constant 1 : i32
      %parallel_loop3A_762 = arith.addi %parallel_loop3A_719, %parallel_loop3A_761 : i32
      %parallel_loop3A_763 = arith.index_cast %parallel_loop3A_762 : i32 to index
      %parallel_loop3A_764 = arith.constant 48 : index
      %parallel_loop3A_765 = tpu.vector_load %arg7[%parallel_loop3A_763, %parallel_loop3A_764] {strides = array<i32>} : memref<128x64xf32, #tpu.memory_space<vmem>>, vector<16xf32>,
      tpu.vector_store_idx %arg9[%select_n3A, %rem3A_138, %parallel_loop3A_722], %parallel_loop3A_727 : memref<8x8x129xf32, #tpu.memory_space<vmem>>[vector<16xi32>, vector<16xi32>, vector<16xi32>], vector<16xf32>,
      tpu.vector_store_idx %arg9[%select_n3A_67, %rem3A_138, %parallel_loop3A_722], %parallel_loop3A_732 : memref<8x8x129xf32, #tpu.memory_space<vmem>>[vector<16xi32>, vector<16xi32>, vector<16xi32>], vector<16xf32>,
      tpu.vector_store_idx %arg9[%select_n3A_101, %rem3A_138, %parallel_loop3A_722], %parallel_loop3A_737 : memref<8x8x129xf32, #tpu.memory_space<vmem>>[vector<16xi32>, vector<16xi32>, vector<16xi32>], vector<16xf32>,
      tpu.vector_store_idx %arg9[%select_n3A_135, %rem3A_138, %parallel_loop3A_722], %parallel_loop3A_742 : memref<8x8x129xf32, #tpu.memory_space<vmem>>[vector<16xi32>, vector<16xi32>, vector<16xi32>], vector<16xf32>,
      tpu.vector_store_idx %arg9[%select_n3A, %rem3A_138, %parallel_loop3A_745], %parallel_loop3A_750 : memref<8x8x129xf32, #tpu.memory_space<vmem>>[vector<16xi32>, vector<16xi32>, vector<16xi32>], vector<16xf32>,
      tpu.vector_store_idx %arg9[%select_n3A_67, %rem3A_138, %parallel_loop3A_745], %parallel_loop3A_755 : memref<8x8x129xf32, #tpu.memory_space<vmem>>[vector<16xi32>, vector<16xi32>, vector<16xi32>], vector<16xf32>,
      tpu.vector_store_idx %arg9[%select_n3A_101, %rem3A_138, %parallel_loop3A_745], %parallel_loop3A_760 : memref<8x8x129xf32, #tpu.memory_space<vmem>>[vector<16xi32>, vector<16xi32>, vector<16xi32>], vector<16xf32>,
      tpu.vector_store_idx %arg9[%select_n3A_135, %rem3A_138, %parallel_loop3A_745], %parallel_loop3A_765 : memref<8x8x129xf32, #tpu.memory_space<vmem>>[vector<16xi32>, vector<16xi32>, vector<16xi32>], vector<16xf32>,
    } {sc.loop_unroll_factor = 8 : i64, sc.parallel_access}
    %jit3A_248 = arith.constant 32 : i32
    %div3A_249 = arith.divsi %add3A_236, %jit3A_248 : i32
    %sign3A_250 = arith.constant 0 : i32
    %sign3A_251 = arith.cmpi sgt, %add3A_236, %sign3A_250 : i32
    %sign3A_252 = arith.extui %sign3A_251 : i1 to i32
    %sign3A_253 = arith.constant 0 : i32
    %sign3A_254 = arith.cmpi slt, %add3A_236, %sign3A_253 : i32
    %sign3A_255 = arith.extui %sign3A_254 : i1 to i32
    %sign3A_256 = arith.subi %sign3A_252, %sign3A_255 : i32
    %sign3A_257 = arith.constant 0 : i32
    %sign3A_258 = arith.cmpi sgt, %jit3A_248, %sign3A_257 : i32
    %sign3A_259 = arith.extui %sign3A_258 : i1 to i32
    %sign3A_260 = arith.constant 0 : i32
    %sign3A_261 = arith.cmpi slt, %jit3A_248, %sign3A_260 : i32
    %sign3A_262 = arith.extui %sign3A_261 : i1 to i32
    %sign3A_263 = arith.subi %sign3A_259, %sign3A_262 : i32
    %ne3A_264 = arith.cmpi ne, %sign3A_256, %sign3A_263 : i32
    %rem3A_265 = arith.remsi %add3A_236, %jit3A_248 : i32
    %ne3A_266 = arith.constant 0 : i32
    %ne3A_267 = arith.cmpi ne, %rem3A_265, %ne3A_266 : i32
    %and3A_268 = arith.andi %ne3A_264, %ne3A_267 : i1
    %sub3A_269 = arith.constant 1 : i32
    %sub3A_270 = arith.subi %div3A_249, %sub3A_269 : i32
    %select_n3A_271 = arith.select %and3A_268, %sub3A_270, %div3A_249 : i32
    %jit3A_272 = arith.constant 32 : i32
    %eq3A_273 = arith.constant 0 : i32
    %eq3A_274 = arith.cmpi eq, %jit3A_272, %eq3A_273 : i32
    %jit3A_275 = arith.constant 1 : i32
    %select_n3A_276 = arith.select %eq3A_274, %jit3A_275, %jit3A_272 : i32
    %rem3A_277 = arith.remsi %add3A_236, %select_n3A_276 : i32
    %ne3A_278 = arith.constant 0 : i32
    %ne3A_279 = arith.cmpi ne, %rem3A_277, %ne3A_278 : i32
    %lt3A_280 = arith.constant 0 : i32
    %lt3A_281 = arith.cmpi slt, %rem3A_277, %lt3A_280 : i32
    %lt3A_282 = arith.constant 0 : i32
    %lt3A_283 = arith.cmpi slt, %select_n3A_276, %lt3A_282 : i32
    %ne3A_284 = arith.xori %lt3A_281, %lt3A_283 : i1
    %and3A_285 = arith.andi %ne3A_284, %ne3A_279 : i1
    %add3A_286 = arith.addi %rem3A_277, %select_n3A_276 : i32
    %select_n3A_287 = arith.select %and3A_285, %add3A_286, %rem3A_277 : i32
    %dma_start3A_288 = arith.constant 0 : i32
    %dma_start3A_289 = arith.constant 0 : i32
    %dma_start3A_290 = arith.constant 0 : i32
    %dma_start3A_291 = tpu.memref_slice %arg9[%dma_start3A_288, %dma_start3A_289, %dma_start3A_290] : memref<8x8x129xf32, #tpu.memory_space<vmem>> -> memref<8x8x128xf32, #tpu.memory_space<vmem>>
    %dma_start3A_292 = arith.constant 0 : i32
    %dma_start3A_293 = arith.constant 0 : i32
    %dma_start3A_294 = arith.constant 0 : i32
    %dma_start3A_295 = tpu.memref_slice %arg4[%select_n3A_271, %dma_start3A_292, %select_n3A_287, %dma_start3A_293, %dma_start3A_294] : memref<200x8x32x8x128xf32, #tpu.memory_space<hbm>> -> memref<1x8x1x8x128xf32, #tpu.memory_space<hbm>>
    %dma_start3A_296 = tpu.memref_squeeze %dma_start3A_295 : memref<1x8x1x8x128xf32, #tpu.memory_space<hbm>> -> memref<8x8x128xf32, #tpu.memory_space<hbm>>
    %dma_start3A_297 = arith.constant 0 : i32
    %dma_start3A_298 = arith.constant 0 : i32
    %dma_start3A_299 = arith.constant 0 : i32
    %dma_start3A_300 = tpu.memref_slice %arg4[%select_n3A_271, %dma_start3A_297, %select_n3A_287, %dma_start3A_298, %dma_start3A_299] : memref<200x8x32x8x128xf32, #tpu.memory_space<hbm>> -> memref<1x8x1x8x128xf32, #tpu.memory_space<hbm>>
    %dma_start3A_301 = tpu.memref_squeeze %dma_start3A_300 : memref<1x8x1x8x128xf32, #tpu.memory_space<hbm>> -> memref<8x8x128xf32, #tpu.memory_space<hbm>>
    %dma_start3A_302 = arith.constant 0 : i32
    %dma_start3A_303 = arith.constant 0 : i32
    %dma_start3A_304 = arith.constant 0 : i32
    %dma_start3A_305 = tpu.memref_slice %arg9[%dma_start3A_302, %dma_start3A_303, %dma_start3A_304] : memref<8x8x129xf32, #tpu.memory_space<vmem>> -> memref<8x8x128xf32, #tpu.memory_space<vmem>>
    tpu.enqueue_dma source(%dma_start3A_305 : memref<8x8x128xf32, #tpu.memory_space<vmem>>) target(%dma_start3A_301 : memref<8x8x128xf32, #tpu.memory_space<hbm>>) target_semaphore(%arg13 : memref<!tpu.dma_semaphore, #tpu.memory_space<semaphore_mem>>)
    %add3A_306 = arith.constant 2 : i32
    %add3A_307 = arith.addi %add3A_236, %add3A_306 : i32
    %sub3A_308 = arith.subi %add3A_307, %mul3A_2 : i32
    %mul3A_309 = arith.constant 128 : i32
    %mul3A_310 = arith.muli %sub3A_308, %mul3A_309 : i32
    %multiple_of3A_311 = tpu.assume_multiple %mul3A_310, 8 : i32
    %dma_start3A_312 = tpu.memref_slice %arg5[%multiple_of3A_311] : memref<25600xi32, #tpu.memory_space<vmem>> -> memref<128xi32, #tpu.memory_space<vmem>>
    %dma_start3A_313 = arith.constant 0 : i32
    %dma_start3A_314 = arith.constant 0 : i32
    %dma_start3A_315 = tpu.memref_slice %arg14[%dma_start3A_313, %dma_start3A_314] : memref<2048x64xf32, #tpu.memory_space<vmem_shared>> -> memref<2048x64xf32, #tpu.memory_space<vmem_shared>>
    tpu.enqueue_indirect_dma source(%dma_start3A_315 : memref<2048x64xf32, #tpu.memory_space<vmem_shared>>) target(%arg7 : memref<128x64xf32, #tpu.memory_space<vmem>>) offsets(%dma_start3A_312 : memref<128xi32, #tpu.memory_space<vmem>>) semaphore(%arg11 : memref<!tpu.dma_semaphore, #tpu.memory_space<semaphore_mem>>)
    %scan3A = arith.constant 0 : i32
    %scan3A_316 = arith.constant 1 : i32
    %scan3A_317 = arith.constant 98 : i32
    %scan3A_318 = arith.addi %scan3A_316, %scan3A_317 : i32
    %scan3A_319 = arith.constant 1 : i32
    scf.for %scan3A_719 = %scan3A_316 to %scan3A_318 step %scan3A_319  : i32 {
      %mul3A_720 = arith.constant 2 : i32
      %mul3A_721 = arith.muli %mul3A_720, %scan3A_719 : i32
      %add3A_722 = arith.addi %mul3A_2, %mul3A_721 : i32
      %add3A_723 = arith.constant 0 : i32
      %add3A_724 = arith.addi %add3A_722, %add3A_723 : i32
      %sub3A_725 = arith.subi %add3A_724, %mul3A_2 : i32
      %mul3A_726 = arith.constant 128 : i32
      %mul3A_727 = arith.muli %sub3A_725, %mul3A_726 : i32
      %multiple_of3A_728 = tpu.assume_multiple %mul3A_727, 8 : i32
      %dma_wait3A_729 = tpu.memref_slice %arg5[%multiple_of3A_728] : memref<25600xi32, #tpu.memory_space<vmem>> -> memref<128xi32, #tpu.memory_space<vmem>>
      %dma_wait3A_730 = arith.constant 0 : i32
      %dma_wait3A_731 = arith.constant 0 : i32
      %dma_wait3A_732 = tpu.memref_slice %arg14[%dma_wait3A_730, %dma_wait3A_731] : memref<2048x64xf32, #tpu.memory_space<vmem_shared>> -> memref<2048x64xf32, #tpu.memory_space<vmem_shared>>
      tpu.wait_indirect_dma semaphore(%arg10 : memref<!tpu.dma_semaphore, #tpu.memory_space<semaphore_mem>>) src(%dma_wait3A_732 : memref<2048x64xf32, #tpu.memory_space<vmem_shared>>) dst(%arg6 : memref<128x64xf32, #tpu.memory_space<vmem>>)
      %sub3A_733 = arith.constant 2 : i32
      %sub3A_734 = arith.subi %add3A_724, %sub3A_733 : i32
      %jit3A_735 = arith.constant 32 : i32
      %div3A_736 = arith.divsi %sub3A_734, %jit3A_735 : i32
      %sign3A_737 = arith.constant 0 : i32
      %sign3A_738 = arith.cmpi sgt, %sub3A_734, %sign3A_737 : i32
      %sign3A_739 = arith.extui %sign3A_738 : i1 to i32
      %sign3A_740 = arith.constant 0 : i32
      %sign3A_741 = arith.cmpi slt, %sub3A_734, %sign3A_740 : i32
      %sign3A_742 = arith.extui %sign3A_741 : i1 to i32
      %sign3A_743 = arith.subi %sign3A_739, %sign3A_742 : i32
      %sign3A_744 = arith.constant 0 : i32
      %sign3A_745 = arith.cmpi sgt, %jit3A_735, %sign3A_744 : i32
      %sign3A_746 = arith.extui %sign3A_745 : i1 to i32
      %sign3A_747 = arith.constant 0 : i32
      %sign3A_748 = arith.cmpi slt, %jit3A_735, %sign3A_747 : i32
      %sign3A_749 = arith.extui %sign3A_748 : i1 to i32
      %sign3A_750 = arith.subi %sign3A_746, %sign3A_749 : i32
      %ne3A_751 = arith.cmpi ne, %sign3A_743, %sign3A_750 : i32
      %rem3A_752 = arith.remsi %sub3A_734, %jit3A_735 : i32
      %ne3A_753 = arith.constant 0 : i32
      %ne3A_754 = arith.cmpi ne, %rem3A_752, %ne3A_753 : i32
      %and3A_755 = arith.andi %ne3A_751, %ne3A_754 : i1
      %sub3A_756 = arith.constant 1 : i32
      %sub3A_757 = arith.subi %div3A_736, %sub3A_756 : i32
      %select_n3A_758 = arith.select %and3A_755, %sub3A_757, %div3A_736 : i32
      %jit3A_759 = arith.constant 32 : i32
      %eq3A_760 = arith.constant 0 : i32
      %eq3A_761 = arith.cmpi eq, %jit3A_759, %eq3A_760 : i32
      %jit3A_762 = arith.constant 1 : i32
      %select_n3A_763 = arith.select %eq3A_761, %jit3A_762, %jit3A_759 : i32
      %rem3A_764 = arith.remsi %sub3A_734, %select_n3A_763 : i32
      %ne3A_765 = arith.constant 0 : i32
      %ne3A_766 = arith.cmpi ne, %rem3A_764, %ne3A_765 : i32
      %lt3A_767 = arith.constant 0 : i32
      %lt3A_768 = arith.cmpi slt, %rem3A_764, %lt3A_767 : i32
      %lt3A_769 = arith.constant 0 : i32
      %lt3A_770 = arith.cmpi slt, %select_n3A_763, %lt3A_769 : i32
      %ne3A_771 = arith.xori %lt3A_768, %lt3A_770 : i1
      %and3A_772 = arith.andi %ne3A_771, %ne3A_766 : i1
      %add3A_773 = arith.addi %rem3A_764, %select_n3A_763 : i32
      %select_n3A_774 = arith.select %and3A_772, %add3A_773, %rem3A_764 : i32
      %dma_wait3A_775 = arith.constant 0 : i32
      %dma_wait3A_776 = arith.constant 0 : i32
      %dma_wait3A_777 = arith.constant 0 : i32
      %dma_wait3A_778 = tpu.memref_slice %arg8[%dma_wait3A_775, %dma_wait3A_776, %dma_wait3A_777] : memref<8x8x129xf32, #tpu.memory_space<vmem>> -> memref<8x8x128xf32, #tpu.memory_space<vmem>>
      %dma_wait3A_779 = arith.constant 0 : i32
      %dma_wait3A_780 = arith.constant 0 : i32
      %dma_wait3A_781 = arith.constant 0 : i32
      %dma_wait3A_782 = tpu.memref_slice %arg4[%select_n3A_758, %dma_wait3A_779, %select_n3A_774, %dma_wait3A_780, %dma_wait3A_781] : memref<200x8x32x8x128xf32, #tpu.memory_space<hbm>> -> memref<1x8x1x8x128xf32, #tpu.memory_space<hbm>>
      %dma_wait3A_783 = tpu.memref_squeeze %dma_wait3A_782 : memref<1x8x1x8x128xf32, #tpu.memory_space<hbm>> -> memref<8x8x128xf32, #tpu.memory_space<hbm>>
      %dma_wait3A_784 = arith.constant 0 : i32
      %dma_wait3A_785 = arith.constant 0 : i32
      %dma_wait3A_786 = arith.constant 0 : i32
      %dma_wait3A_787 = tpu.memref_slice %arg4[%select_n3A_758, %dma_wait3A_784, %select_n3A_774, %dma_wait3A_785, %dma_wait3A_786] : memref<200x8x32x8x128xf32, #tpu.memory_space<hbm>> -> memref<1x8x1x8x128xf32, #tpu.memory_space<hbm>>
      %dma_wait3A_788 = tpu.memref_squeeze %dma_wait3A_787 : memref<1x8x1x8x128xf32, #tpu.memory_space<hbm>> -> memref<8x8x128xf32, #tpu.memory_space<hbm>>
      %dma_wait3A_789 = arith.constant 0 : i32
      %dma_wait3A_790 = arith.constant 0 : i32
      %dma_wait3A_791 = arith.constant 0 : i32
      %dma_wait3A_792 = tpu.memref_slice %arg8[%dma_wait3A_789, %dma_wait3A_790, %dma_wait3A_791] : memref<8x8x129xf32, #tpu.memory_space<vmem>> -> memref<8x8x128xf32, #tpu.memory_space<vmem>>
      tpu.wait_dma2 semaphore(%arg12 : memref<!tpu.dma_semaphore, #tpu.memory_space<semaphore_mem>>) src(%dma_wait3A_792 : memref<8x8x128xf32, #tpu.memory_space<vmem>>) dst(%dma_wait3A_788 : memref<8x8x128xf32, #tpu.memory_space<hbm>>)
      %parallel_loop3A_793 = arith.constant 0 : i32
      %parallel_loop3A_794 = arith.constant 128 : i32
      %parallel_loop3A_795 = arith.constant 2 : i32
      scf.for %parallel_loop3A_1008 = %parallel_loop3A_793 to %parallel_loop3A_794 step %parallel_loop3A_795  : i32 {
        %parallel_loop3A_1009 = arith.constant 0 : i32
        %parallel_loop3A_1010 = arith.addi %parallel_loop3A_1008, %parallel_loop3A_1009 : i32
        %parallel_loop3A_1011 = vector.broadcast %parallel_loop3A_1010 : i32 to vector<16xi32>
        %parallel_loop3A_1012 = arith.constant 0 : i32
        %parallel_loop3A_1013 = arith.addi %parallel_loop3A_1008, %parallel_loop3A_1012 : i32
        %parallel_loop3A_1014 = arith.index_cast %parallel_loop3A_1013 : i32 to index
        %parallel_loop3A_1015 = arith.constant 0 : index
        %parallel_loop3A_1016 = tpu.vector_load %arg6[%parallel_loop3A_1014, %parallel_loop3A_1015] {strides = array<i32>} : memref<128x64xf32, #tpu.memory_space<vmem>>, vector<16xf32>,
        %parallel_loop3A_1017 = arith.constant 0 : i32
        %parallel_loop3A_1018 = arith.addi %parallel_loop3A_1008, %parallel_loop3A_1017 : i32
        %parallel_loop3A_1019 = arith.index_cast %parallel_loop3A_1018 : i32 to index
        %parallel_loop3A_1020 = arith.constant 16 : index
        %parallel_loop3A_1021 = tpu.vector_load %arg6[%parallel_loop3A_1019, %parallel_loop3A_1020] {strides = array<i32>} : memref<128x64xf32, #tpu.memory_space<vmem>>, vector<16xf32>,
        %parallel_loop3A_1022 = arith.constant 0 : i32
        %parallel_loop3A_1023 = arith.addi %parallel_loop3A_1008, %parallel_loop3A_1022 : i32
        %parallel_loop3A_1024 = arith.index_cast %parallel_loop3A_1023 : i32 to index
        %parallel_loop3A_1025 = arith.constant 32 : index
        %parallel_loop3A_1026 = tpu.vector_load %arg6[%parallel_loop3A_1024, %parallel_loop3A_1025] {strides = array<i32>} : memref<128x64xf32, #tpu.memory_space<vmem>>, vector<16xf32>,
        %parallel_loop3A_1027 = arith.constant 0 : i32
        %parallel_loop3A_1028 = arith.addi %parallel_loop3A_1008, %parallel_loop3A_1027 : i32
        %parallel_loop3A_1029 = arith.index_cast %parallel_loop3A_1028 : i32 to index
        %parallel_loop3A_1030 = arith.constant 48 : index
        %parallel_loop3A_1031 = tpu.vector_load %arg6[%parallel_loop3A_1029, %parallel_loop3A_1030] {strides = array<i32>} : memref<128x64xf32, #tpu.memory_space<vmem>>, vector<16xf32>,
        %parallel_loop3A_1032 = arith.constant 1 : i32
        %parallel_loop3A_1033 = arith.addi %parallel_loop3A_1008, %parallel_loop3A_1032 : i32
        %parallel_loop3A_1034 = vector.broadcast %parallel_loop3A_1033 : i32 to vector<16xi32>
        %parallel_loop3A_1035 = arith.constant 1 : i32
        %parallel_loop3A_1036 = arith.addi %parallel_loop3A_1008, %parallel_loop3A_1035 : i32
        %parallel_loop3A_1037 = arith.index_cast %parallel_loop3A_1036 : i32 to index
        %parallel_loop3A_1038 = arith.constant 0 : index
        %parallel_loop3A_1039 = tpu.vector_load %arg6[%parallel_loop3A_1037, %parallel_loop3A_1038] {strides = array<i32>} : memref<128x64xf32, #tpu.memory_space<vmem>>, vector<16xf32>,
        %parallel_loop3A_1040 = arith.constant 1 : i32
        %parallel_loop3A_1041 = arith.addi %parallel_loop3A_1008, %parallel_loop3A_1040 : i32
        %parallel_loop3A_1042 = arith.index_cast %parallel_loop3A_1041 : i32 to index
        %parallel_loop3A_1043 = arith.constant 16 : index
        %parallel_loop3A_1044 = tpu.vector_load %arg6[%parallel_loop3A_1042, %parallel_loop3A_1043] {strides = array<i32>} : memref<128x64xf32, #tpu.memory_space<vmem>>, vector<16xf32>,
        %parallel_loop3A_1045 = arith.constant 1 : i32
        %parallel_loop3A_1046 = arith.addi %parallel_loop3A_1008, %parallel_loop3A_1045 : i32
        %parallel_loop3A_1047 = arith.index_cast %parallel_loop3A_1046 : i32 to index
        %parallel_loop3A_1048 = arith.constant 32 : index
        %parallel_loop3A_1049 = tpu.vector_load %arg6[%parallel_loop3A_1047, %parallel_loop3A_1048] {strides = array<i32>} : memref<128x64xf32, #tpu.memory_space<vmem>>, vector<16xf32>,
        %parallel_loop3A_1050 = arith.constant 1 : i32
        %parallel_loop3A_1051 = arith.addi %parallel_loop3A_1008, %parallel_loop3A_1050 : i32
        %parallel_loop3A_1052 = arith.index_cast %parallel_loop3A_1051 : i32 to index
        %parallel_loop3A_1053 = arith.constant 48 : index
        %parallel_loop3A_1054 = tpu.vector_load %arg6[%parallel_loop3A_1052, %parallel_loop3A_1053] {strides = array<i32>} : memref<128x64xf32, #tpu.memory_space<vmem>>, vector<16xf32>,
        tpu.vector_store_idx %arg8[%select_n3A, %rem3A_138, %parallel_loop3A_1011], %parallel_loop3A_1016 : memref<8x8x129xf32, #tpu.memory_space<vmem>>[vector<16xi32>, vector<16xi32>, vector<16xi32>], vector<16xf32>,
        tpu.vector_store_idx %arg8[%select_n3A_67, %rem3A_138, %parallel_loop3A_1011], %parallel_loop3A_1021 : memref<8x8x129xf32, #tpu.memory_space<vmem>>[vector<16xi32>, vector<16xi32>, vector<16xi32>], vector<16xf32>,
        tpu.vector_store_idx %arg8[%select_n3A_101, %rem3A_138, %parallel_loop3A_1011], %parallel_loop3A_1026 : memref<8x8x129xf32, #tpu.memory_space<vmem>>[vector<16xi32>, vector<16xi32>, vector<16xi32>], vector<16xf32>,
        tpu.vector_store_idx %arg8[%select_n3A_135, %rem3A_138, %parallel_loop3A_1011], %parallel_loop3A_1031 : memref<8x8x129xf32, #tpu.memory_space<vmem>>[vector<16xi32>, vector<16xi32>, vector<16xi32>], vector<16xf32>,
        tpu.vector_store_idx %arg8[%select_n3A, %rem3A_138, %parallel_loop3A_1034], %parallel_loop3A_1039 : memref<8x8x129xf32, #tpu.memory_space<vmem>>[vector<16xi32>, vector<16xi32>, vector<16xi32>], vector<16xf32>,
        tpu.vector_store_idx %arg8[%select_n3A_67, %rem3A_138, %parallel_loop3A_1034], %parallel_loop3A_1044 : memref<8x8x129xf32, #tpu.memory_space<vmem>>[vector<16xi32>, vector<16xi32>, vector<16xi32>], vector<16xf32>,
        tpu.vector_store_idx %arg8[%select_n3A_101, %rem3A_138, %parallel_loop3A_1034], %parallel_loop3A_1049 : memref<8x8x129xf32, #tpu.memory_space<vmem>>[vector<16xi32>, vector<16xi32>, vector<16xi32>], vector<16xf32>,
        tpu.vector_store_idx %arg8[%select_n3A_135, %rem3A_138, %parallel_loop3A_1034], %parallel_loop3A_1054 : memref<8x8x129xf32, #tpu.memory_space<vmem>>[vector<16xi32>, vector<16xi32>, vector<16xi32>], vector<16xf32>,
      } {sc.loop_unroll_factor = 8 : i64, sc.parallel_access}
      %jit3A_796 = arith.constant 32 : i32
      %div3A_797 = arith.divsi %add3A_724, %jit3A_796 : i32
      %sign3A_798 = arith.constant 0 : i32
      %sign3A_799 = arith.cmpi sgt, %add3A_724, %sign3A_798 : i32
      %sign3A_800 = arith.extui %sign3A_799 : i1 to i32
      %sign3A_801 = arith.constant 0 : i32
      %sign3A_802 = arith.cmpi slt, %add3A_724, %sign3A_801 : i32
      %sign3A_803 = arith.extui %sign3A_802 : i1 to i32
      %sign3A_804 = arith.subi %sign3A_800, %sign3A_803 : i32
      %sign3A_805 = arith.constant 0 : i32
      %sign3A_806 = arith.cmpi sgt, %jit3A_796, %sign3A_805 : i32
      %sign3A_807 = arith.extui %sign3A_806 : i1 to i32
      %sign3A_808 = arith.constant 0 : i32
      %sign3A_809 = arith.cmpi slt, %jit3A_796, %sign3A_808 : i32
      %sign3A_810 = arith.extui %sign3A_809 : i1 to i32
      %sign3A_811 = arith.subi %sign3A_807, %sign3A_810 : i32
      %ne3A_812 = arith.cmpi ne, %sign3A_804, %sign3A_811 : i32
      %rem3A_813 = arith.remsi %add3A_724, %jit3A_796 : i32
      %ne3A_814 = arith.constant 0 : i32
      %ne3A_815 = arith.cmpi ne, %rem3A_813, %ne3A_814 : i32
      %and3A_816 = arith.andi %ne3A_812, %ne3A_815 : i1
      %sub3A_817 = arith.constant 1 : i32
      %sub3A_818 = arith.subi %div3A_797, %sub3A_817 : i32
      %select_n3A_819 = arith.select %and3A_816, %sub3A_818, %div3A_797 : i32
      %jit3A_820 = arith.constant 32 : i32
      %eq3A_821 = arith.constant 0 : i32
      %eq3A_822 = arith.cmpi eq, %jit3A_820, %eq3A_821 : i32
      %jit3A_823 = arith.constant 1 : i32
      %select_n3A_824 = arith.select %eq3A_822, %jit3A_823, %jit3A_820 : i32
      %rem3A_825 = arith.remsi %add3A_724, %select_n3A_824 : i32
      %ne3A_826 = arith.constant 0 : i32
      %ne3A_827 = arith.cmpi ne, %rem3A_825, %ne3A_826 : i32
      %lt3A_828 = arith.constant 0 : i32
      %lt3A_829 = arith.cmpi slt, %rem3A_825, %lt3A_828 : i32
      %lt3A_830 = arith.constant 0 : i32
      %lt3A_831 = arith.cmpi slt, %select_n3A_824, %lt3A_830 : i32
      %ne3A_832 = arith.xori %lt3A_829, %lt3A_831 : i1
      %and3A_833 = arith.andi %ne3A_832, %ne3A_827 : i1
      %add3A_834 = arith.addi %rem3A_825, %select_n3A_824 : i32
      %select_n3A_835 = arith.select %and3A_833, %add3A_834, %rem3A_825 : i32
      %dma_start3A_836 = arith.constant 0 : i32
      %dma_start3A_837 = arith.constant 0 : i32
      %dma_start3A_838 = arith.constant 0 : i32
      %dma_start3A_839 = tpu.memref_slice %arg8[%dma_start3A_836, %dma_start3A_837, %dma_start3A_838] : memref<8x8x129xf32, #tpu.memory_space<vmem>> -> memref<8x8x128xf32, #tpu.memory_space<vmem>>
      %dma_start3A_840 = arith.constant 0 : i32
      %dma_start3A_841 = arith.constant 0 : i32
      %dma_start3A_842 = arith.constant 0 : i32
      %dma_start3A_843 = tpu.memref_slice %arg4[%select_n3A_819, %dma_start3A_840, %select_n3A_835, %dma_start3A_841, %dma_start3A_842] : memref<200x8x32x8x128xf32, #tpu.memory_space<hbm>> -> memref<1x8x1x8x128xf32, #tpu.memory_space<hbm>>
      %dma_start3A_844 = tpu.memref_squeeze %dma_start3A_843 : memref<1x8x1x8x128xf32, #tpu.memory_space<hbm>> -> memref<8x8x128xf32, #tpu.memory_space<hbm>>
      %dma_start3A_845 = arith.constant 0 : i32
      %dma_start3A_846 = arith.constant 0 : i32
      %dma_start3A_847 = arith.constant 0 : i32
      %dma_start3A_848 = tpu.memref_slice %arg4[%select_n3A_819, %dma_start3A_845, %select_n3A_835, %dma_start3A_846, %dma_start3A_847] : memref<200x8x32x8x128xf32, #tpu.memory_space<hbm>> -> memref<1x8x1x8x128xf32, #tpu.memory_space<hbm>>
      %dma_start3A_849 = tpu.memref_squeeze %dma_start3A_848 : memref<1x8x1x8x128xf32, #tpu.memory_space<hbm>> -> memref<8x8x128xf32, #tpu.memory_space<hbm>>
      %dma_start3A_850 = arith.constant 0 : i32
      %dma_start3A_851 = arith.constant 0 : i32
      %dma_start3A_852 = arith.constant 0 : i32
      %dma_start3A_853 = tpu.memref_slice %arg8[%dma_start3A_850, %dma_start3A_851, %dma_start3A_852] : memref<8x8x129xf32, #tpu.memory_space<vmem>> -> memref<8x8x128xf32, #tpu.memory_space<vmem>>
      tpu.enqueue_dma source(%dma_start3A_853 : memref<8x8x128xf32, #tpu.memory_space<vmem>>) target(%dma_start3A_849 : memref<8x8x128xf32, #tpu.memory_space<hbm>>) target_semaphore(%arg12 : memref<!tpu.dma_semaphore, #tpu.memory_space<semaphore_mem>>)
      %add3A_854 = arith.constant 2 : i32
      %add3A_855 = arith.addi %add3A_724, %add3A_854 : i32
      %sub3A_856 = arith.subi %add3A_855, %mul3A_2 : i32
      %mul3A_857 = arith.constant 128 : i32
      %mul3A_858 = arith.muli %sub3A_856, %mul3A_857 : i32
      %multiple_of3A_859 = tpu.assume_multiple %mul3A_858, 8 : i32
      %dma_start3A_860 = tpu.memref_slice %arg5[%multiple_of3A_859] : memref<25600xi32, #tpu.memory_space<vmem>> -> memref<128xi32, #tpu.memory_space<vmem>>
      %dma_start3A_861 = arith.constant 0 : i32
      %dma_start3A_862 = arith.constant 0 : i32
      %dma_start3A_863 = tpu.memref_slice %arg14[%dma_start3A_861, %dma_start3A_862] : memref<2048x64xf32, #tpu.memory_space<vmem_shared>> -> memref<2048x64xf32, #tpu.memory_space<vmem_shared>>
      tpu.enqueue_indirect_dma source(%dma_start3A_863 : memref<2048x64xf32, #tpu.memory_space<vmem_shared>>) target(%arg6 : memref<128x64xf32, #tpu.memory_space<vmem>>) offsets(%dma_start3A_860 : memref<128xi32, #tpu.memory_space<vmem>>) semaphore(%arg10 : memref<!tpu.dma_semaphore, #tpu.memory_space<semaphore_mem>>)
      %mul3A_864 = arith.constant 2 : i32
      %mul3A_865 = arith.muli %mul3A_864, %scan3A_719 : i32
      %add3A_866 = arith.addi %mul3A_2, %mul3A_865 : i32
      %add3A_867 = arith.constant 1 : i32
      %add3A_868 = arith.addi %add3A_866, %add3A_867 : i32
      %sub3A_869 = arith.subi %add3A_868, %mul3A_2 : i32
      %mul3A_870 = arith.constant 128 : i32
      %mul3A_871 = arith.muli %sub3A_869, %mul3A_870 : i32
      %multiple_of3A_872 = tpu.assume_multiple %mul3A_871, 8 : i32
      %dma_wait3A_873 = tpu.memref_slice %arg5[%multiple_of3A_872] : memref<25600xi32, #tpu.memory_space<vmem>> -> memref<128xi32, #tpu.memory_space<vmem>>
      %dma_wait3A_874 = arith.constant 0 : i32
      %dma_wait3A_875 = arith.constant 0 : i32
      %dma_wait3A_876 = tpu.memref_slice %arg14[%dma_wait3A_874, %dma_wait3A_875] : memref<2048x64xf32, #tpu.memory_space<vmem_shared>> -> memref<2048x64xf32, #tpu.memory_space<vmem_shared>>
      tpu.wait_indirect_dma semaphore(%arg11 : memref<!tpu.dma_semaphore, #tpu.memory_space<semaphore_mem>>) src(%dma_wait3A_876 : memref<2048x64xf32, #tpu.memory_space<vmem_shared>>) dst(%arg7 : memref<128x64xf32, #tpu.memory_space<vmem>>)
      %sub3A_877 = arith.constant 2 : i32
      %sub3A_878 = arith.subi %add3A_868, %sub3A_877 : i32
      %jit3A_879 = arith.constant 32 : i32
      %div3A_880 = arith.divsi %sub3A_878, %jit3A_879 : i32
      %sign3A_881 = arith.constant 0 : i32
      %sign3A_882 = arith.cmpi sgt, %sub3A_878, %sign3A_881 : i32
      %sign3A_883 = arith.extui %sign3A_882 : i1 to i32
      %sign3A_884 = arith.constant 0 : i32
      %sign3A_885 = arith.cmpi slt, %sub3A_878, %sign3A_884 : i32
      %sign3A_886 = arith.extui %sign3A_885 : i1 to i32
      %sign3A_887 = arith.subi %sign3A_883, %sign3A_886 : i32
      %sign3A_888 = arith.constant 0 : i32
      %sign3A_889 = arith.cmpi sgt, %jit3A_879, %sign3A_888 : i32
      %sign3A_890 = arith.extui %sign3A_889 : i1 to i32
      %sign3A_891 = arith.constant 0 : i32
      %sign3A_892 = arith.cmpi slt, %jit3A_879, %sign3A_891 : i32
      %sign3A_893 = arith.extui %sign3A_892 : i1 to i32
      %sign3A_894 = arith.subi %sign3A_890, %sign3A_893 : i32
      %ne3A_895 = arith.cmpi ne, %sign3A_887, %sign3A_894 : i32
      %rem3A_896 = arith.remsi %sub3A_878, %jit3A_879 : i32
      %ne3A_897 = arith.constant 0 : i32
      %ne3A_898 = arith.cmpi ne, %rem3A_896, %ne3A_897 : i32
      %and3A_899 = arith.andi %ne3A_895, %ne3A_898 : i1
      %sub3A_900 = arith.constant 1 : i32
      %sub3A_901 = arith.subi %div3A_880, %sub3A_900 : i32
      %select_n3A_902 = arith.select %and3A_899, %sub3A_901, %div3A_880 : i32
      %jit3A_903 = arith.constant 32 : i32
      %eq3A_904 = arith.constant 0 : i32
      %eq3A_905 = arith.cmpi eq, %jit3A_903, %eq3A_904 : i32
      %jit3A_906 = arith.constant 1 : i32
      %select_n3A_907 = arith.select %eq3A_905, %jit3A_906, %jit3A_903 : i32
      %rem3A_908 = arith.remsi %sub3A_878, %select_n3A_907 : i32
      %ne3A_909 = arith.constant 0 : i32
      %ne3A_910 = arith.cmpi ne, %rem3A_908, %ne3A_909 : i32
      %lt3A_911 = arith.constant 0 : i32
      %lt3A_912 = arith.cmpi slt, %rem3A_908, %lt3A_911 : i32
      %lt3A_913 = arith.constant 0 : i32
      %lt3A_914 = arith.cmpi slt, %select_n3A_907, %lt3A_913 : i32
      %ne3A_915 = arith.xori %lt3A_912, %lt3A_914 : i1
      %and3A_916 = arith.andi %ne3A_915, %ne3A_910 : i1
      %add3A_917 = arith.addi %rem3A_908, %select_n3A_907 : i32
      %select_n3A_918 = arith.select %and3A_916, %add3A_917, %rem3A_908 : i32
      %dma_wait3A_919 = arith.constant 0 : i32
      %dma_wait3A_920 = arith.constant 0 : i32
      %dma_wait3A_921 = arith.constant 0 : i32
      %dma_wait3A_922 = tpu.memref_slice %arg9[%dma_wait3A_919, %dma_wait3A_920, %dma_wait3A_921] : memref<8x8x129xf32, #tpu.memory_space<vmem>> -> memref<8x8x128xf32, #tpu.memory_space<vmem>>
      %dma_wait3A_923 = arith.constant 0 : i32
      %dma_wait3A_924 = arith.constant 0 : i32
      %dma_wait3A_925 = arith.constant 0 : i32
      %dma_wait3A_926 = tpu.memref_slice %arg4[%select_n3A_902, %dma_wait3A_923, %select_n3A_918, %dma_wait3A_924, %dma_wait3A_925] : memref<200x8x32x8x128xf32, #tpu.memory_space<hbm>> -> memref<1x8x1x8x128xf32, #tpu.memory_space<hbm>>
      %dma_wait3A_927 = tpu.memref_squeeze %dma_wait3A_926 : memref<1x8x1x8x128xf32, #tpu.memory_space<hbm>> -> memref<8x8x128xf32, #tpu.memory_space<hbm>>
      %dma_wait3A_928 = arith.constant 0 : i32
      %dma_wait3A_929 = arith.constant 0 : i32
      %dma_wait3A_930 = arith.constant 0 : i32
      %dma_wait3A_931 = tpu.memref_slice %arg4[%select_n3A_902, %dma_wait3A_928, %select_n3A_918, %dma_wait3A_929, %dma_wait3A_930] : memref<200x8x32x8x128xf32, #tpu.memory_space<hbm>> -> memref<1x8x1x8x128xf32, #tpu.memory_space<hbm>>
      %dma_wait3A_932 = tpu.memref_squeeze %dma_wait3A_931 : memref<1x8x1x8x128xf32, #tpu.memory_space<hbm>> -> memref<8x8x128xf32, #tpu.memory_space<hbm>>
      %dma_wait3A_933 = arith.constant 0 : i32
      %dma_wait3A_934 = arith.constant 0 : i32
      %dma_wait3A_935 = arith.constant 0 : i32
      %dma_wait3A_936 = tpu.memref_slice %arg9[%dma_wait3A_933, %dma_wait3A_934, %dma_wait3A_935] : memref<8x8x129xf32, #tpu.memory_space<vmem>> -> memref<8x8x128xf32, #tpu.memory_space<vmem>>
      tpu.wait_dma2 semaphore(%arg13 : memref<!tpu.dma_semaphore, #tpu.memory_space<semaphore_mem>>) src(%dma_wait3A_936 : memref<8x8x128xf32, #tpu.memory_space<vmem>>) dst(%dma_wait3A_932 : memref<8x8x128xf32, #tpu.memory_space<hbm>>)
      %parallel_loop3A_937 = arith.constant 0 : i32
      %parallel_loop3A_938 = arith.constant 128 : i32
      %parallel_loop3A_939 = arith.constant 2 : i32
      scf.for %parallel_loop3A_1008 = %parallel_loop3A_937 to %parallel_loop3A_938 step %parallel_loop3A_939  : i32 {
        %parallel_loop3A_1009 = arith.constant 0 : i32
        %parallel_loop3A_1010 = arith.addi %parallel_loop3A_1008, %parallel_loop3A_1009 : i32
        %parallel_loop3A_1011 = vector.broadcast %parallel_loop3A_1010 : i32 to vector<16xi32>
        %parallel_loop3A_1012 = arith.constant 0 : i32
        %parallel_loop3A_1013 = arith.addi %parallel_loop3A_1008, %parallel_loop3A_1012 : i32
        %parallel_loop3A_1014 = arith.index_cast %parallel_loop3A_1013 : i32 to index
        %parallel_loop3A_1015 = arith.constant 0 : index
        %parallel_loop3A_1016 = tpu.vector_load %arg7[%parallel_loop3A_1014, %parallel_loop3A_1015] {strides = array<i32>} : memref<128x64xf32, #tpu.memory_space<vmem>>, vector<16xf32>,
        %parallel_loop3A_1017 = arith.constant 0 : i32
        %parallel_loop3A_1018 = arith.addi %parallel_loop3A_1008, %parallel_loop3A_1017 : i32
        %parallel_loop3A_1019 = arith.index_cast %parallel_loop3A_1018 : i32 to index
        %parallel_loop3A_1020 = arith.constant 16 : index
        %parallel_loop3A_1021 = tpu.vector_load %arg7[%parallel_loop3A_1019, %parallel_loop3A_1020] {strides = array<i32>} : memref<128x64xf32, #tpu.memory_space<vmem>>, vector<16xf32>,
        %parallel_loop3A_1022 = arith.constant 0 : i32
        %parallel_loop3A_1023 = arith.addi %parallel_loop3A_1008, %parallel_loop3A_1022 : i32
        %parallel_loop3A_1024 = arith.index_cast %parallel_loop3A_1023 : i32 to index
        %parallel_loop3A_1025 = arith.constant 32 : index
        %parallel_loop3A_1026 = tpu.vector_load %arg7[%parallel_loop3A_1024, %parallel_loop3A_1025] {strides = array<i32>} : memref<128x64xf32, #tpu.memory_space<vmem>>, vector<16xf32>,
        %parallel_loop3A_1027 = arith.constant 0 : i32
        %parallel_loop3A_1028 = arith.addi %parallel_loop3A_1008, %parallel_loop3A_1027 : i32
        %parallel_loop3A_1029 = arith.index_cast %parallel_loop3A_1028 : i32 to index
        %parallel_loop3A_1030 = arith.constant 48 : index
        %parallel_loop3A_1031 = tpu.vector_load %arg7[%parallel_loop3A_1029, %parallel_loop3A_1030] {strides = array<i32>} : memref<128x64xf32, #tpu.memory_space<vmem>>, vector<16xf32>,
        %parallel_loop3A_1032 = arith.constant 1 : i32
        %parallel_loop3A_1033 = arith.addi %parallel_loop3A_1008, %parallel_loop3A_1032 : i32
        %parallel_loop3A_1034 = vector.broadcast %parallel_loop3A_1033 : i32 to vector<16xi32>
        %parallel_loop3A_1035 = arith.constant 1 : i32
        %parallel_loop3A_1036 = arith.addi %parallel_loop3A_1008, %parallel_loop3A_1035 : i32
        %parallel_loop3A_1037 = arith.index_cast %parallel_loop3A_1036 : i32 to index
        %parallel_loop3A_1038 = arith.constant 0 : index
        %parallel_loop3A_1039 = tpu.vector_load %arg7[%parallel_loop3A_1037, %parallel_loop3A_1038] {strides = array<i32>} : memref<128x64xf32, #tpu.memory_space<vmem>>, vector<16xf32>,
        %parallel_loop3A_1040 = arith.constant 1 : i32
        %parallel_loop3A_1041 = arith.addi %parallel_loop3A_1008, %parallel_loop3A_1040 : i32
        %parallel_loop3A_1042 = arith.index_cast %parallel_loop3A_1041 : i32 to index
        %parallel_loop3A_1043 = arith.constant 16 : index
        %parallel_loop3A_1044 = tpu.vector_load %arg7[%parallel_loop3A_1042, %parallel_loop3A_1043] {strides = array<i32>} : memref<128x64xf32, #tpu.memory_space<vmem>>, vector<16xf32>,
        %parallel_loop3A_1045 = arith.constant 1 : i32
        %parallel_loop3A_1046 = arith.addi %parallel_loop3A_1008, %parallel_loop3A_1045 : i32
        %parallel_loop3A_1047 = arith.index_cast %parallel_loop3A_1046 : i32 to index
        %parallel_loop3A_1048 = arith.constant 32 : index
        %parallel_loop3A_1049 = tpu.vector_load %arg7[%parallel_loop3A_1047, %parallel_loop3A_1048] {strides = array<i32>} : memref<128x64xf32, #tpu.memory_space<vmem>>, vector<16xf32>,
        %parallel_loop3A_1050 = arith.constant 1 : i32
        %parallel_loop3A_1051 = arith.addi %parallel_loop3A_1008, %parallel_loop3A_1050 : i32
        %parallel_loop3A_1052 = arith.index_cast %parallel_loop3A_1051 : i32 to index
        %parallel_loop3A_1053 = arith.constant 48 : index
        %parallel_loop3A_1054 = tpu.vector_load %arg7[%parallel_loop3A_1052, %parallel_loop3A_1053] {strides = array<i32>} : memref<128x64xf32, #tpu.memory_space<vmem>>, vector<16xf32>,
        tpu.vector_store_idx %arg9[%select_n3A, %rem3A_138, %parallel_loop3A_1011], %parallel_loop3A_1016 : memref<8x8x129xf32, #tpu.memory_space<vmem>>[vector<16xi32>, vector<16xi32>, vector<16xi32>], vector<16xf32>,
        tpu.vector_store_idx %arg9[%select_n3A_67, %rem3A_138, %parallel_loop3A_1011], %parallel_loop3A_1021 : memref<8x8x129xf32, #tpu.memory_space<vmem>>[vector<16xi32>, vector<16xi32>, vector<16xi32>], vector<16xf32>,
        tpu.vector_store_idx %arg9[%select_n3A_101, %rem3A_138, %parallel_loop3A_1011], %parallel_loop3A_1026 : memref<8x8x129xf32, #tpu.memory_space<vmem>>[vector<16xi32>, vector<16xi32>, vector<16xi32>], vector<16xf32>,
        tpu.vector_store_idx %arg9[%select_n3A_135, %rem3A_138, %parallel_loop3A_1011], %parallel_loop3A_1031 : memref<8x8x129xf32, #tpu.memory_space<vmem>>[vector<16xi32>, vector<16xi32>, vector<16xi32>], vector<16xf32>,
        tpu.vector_store_idx %arg9[%select_n3A, %rem3A_138, %parallel_loop3A_1034], %parallel_loop3A_1039 : memref<8x8x129xf32, #tpu.memory_space<vmem>>[vector<16xi32>, vector<16xi32>, vector<16xi32>], vector<16xf32>,
        tpu.vector_store_idx %arg9[%select_n3A_67, %rem3A_138, %parallel_loop3A_1034], %parallel_loop3A_1044 : memref<8x8x129xf32, #tpu.memory_space<vmem>>[vector<16xi32>, vector<16xi32>, vector<16xi32>], vector<16xf32>,
        tpu.vector_store_idx %arg9[%select_n3A_101, %rem3A_138, %parallel_loop3A_1034], %parallel_loop3A_1049 : memref<8x8x129xf32, #tpu.memory_space<vmem>>[vector<16xi32>, vector<16xi32>, vector<16xi32>], vector<16xf32>,
        tpu.vector_store_idx %arg9[%select_n3A_135, %rem3A_138, %parallel_loop3A_1034], %parallel_loop3A_1054 : memref<8x8x129xf32, #tpu.memory_space<vmem>>[vector<16xi32>, vector<16xi32>, vector<16xi32>], vector<16xf32>,
      } {sc.loop_unroll_factor = 8 : i64, sc.parallel_access}
      %jit3A_940 = arith.constant 32 : i32
      %div3A_941 = arith.divsi %add3A_868, %jit3A_940 : i32
      %sign3A_942 = arith.constant 0 : i32
      %sign3A_943 = arith.cmpi sgt, %add3A_868, %sign3A_942 : i32
      %sign3A_944 = arith.extui %sign3A_943 : i1 to i32
      %sign3A_945 = arith.constant 0 : i32
      %sign3A_946 = arith.cmpi slt, %add3A_868, %sign3A_945 : i32
      %sign3A_947 = arith.extui %sign3A_946 : i1 to i32
      %sign3A_948 = arith.subi %sign3A_944, %sign3A_947 : i32
      %sign3A_949 = arith.constant 0 : i32
      %sign3A_950 = arith.cmpi sgt, %jit3A_940, %sign3A_949 : i32
      %sign3A_951 = arith.extui %sign3A_950 : i1 to i32
      %sign3A_952 = arith.constant 0 : i32
      %sign3A_953 = arith.cmpi slt, %jit3A_940, %sign3A_952 : i32
      %sign3A_954 = arith.extui %sign3A_953 : i1 to i32
      %sign3A_955 = arith.subi %sign3A_951, %sign3A_954 : i32
      %ne3A_956 = arith.cmpi ne, %sign3A_948, %sign3A_955 : i32
      %rem3A_957 = arith.remsi %add3A_868, %jit3A_940 : i32
      %ne3A_958 = arith.constant 0 : i32
      %ne3A_959 = arith.cmpi ne, %rem3A_957, %ne3A_958 : i32
      %and3A_960 = arith.andi %ne3A_956, %ne3A_959 : i1
      %sub3A_961 = arith.constant 1 : i32
      %sub3A_962 = arith.subi %div3A_941, %sub3A_961 : i32
      %select_n3A_963 = arith.select %and3A_960, %sub3A_962, %div3A_941 : i32
      %jit3A_964 = arith.constant 32 : i32
      %eq3A_965 = arith.constant 0 : i32
      %eq3A_966 = arith.cmpi eq, %jit3A_964, %eq3A_965 : i32
      %jit3A_967 = arith.constant 1 : i32
      %select_n3A_968 = arith.select %eq3A_966, %jit3A_967, %jit3A_964 : i32
      %rem3A_969 = arith.remsi %add3A_868, %select_n3A_968 : i32
      %ne3A_970 = arith.constant 0 : i32
      %ne3A_971 = arith.cmpi ne, %rem3A_969, %ne3A_970 : i32
      %lt3A_972 = arith.constant 0 : i32
      %lt3A_973 = arith.cmpi slt, %rem3A_969, %lt3A_972 : i32
      %lt3A_974 = arith.constant 0 : i32
      %lt3A_975 = arith.cmpi slt, %select_n3A_968, %lt3A_974 : i32
      %ne3A_976 = arith.xori %lt3A_973, %lt3A_975 : i1
      %and3A_977 = arith.andi %ne3A_976, %ne3A_971 : i1
      %add3A_978 = arith.addi %rem3A_969, %select_n3A_968 : i32
      %select_n3A_979 = arith.select %and3A_977, %add3A_978, %rem3A_969 : i32
      %dma_start3A_980 = arith.constant 0 : i32
      %dma_start3A_981 = arith.constant 0 : i32
      %dma_start3A_982 = arith.constant 0 : i32
      %dma_start3A_983 = tpu.memref_slice %arg9[%dma_start3A_980, %dma_start3A_981, %dma_start3A_982] : memref<8x8x129xf32, #tpu.memory_space<vmem>> -> memref<8x8x128xf32, #tpu.memory_space<vmem>>
      %dma_start3A_984 = arith.constant 0 : i32
      %dma_start3A_985 = arith.constant 0 : i32
      %dma_start3A_986 = arith.constant 0 : i32
      %dma_start3A_987 = tpu.memref_slice %arg4[%select_n3A_963, %dma_start3A_984, %select_n3A_979, %dma_start3A_985, %dma_start3A_986] : memref<200x8x32x8x128xf32, #tpu.memory_space<hbm>> -> memref<1x8x1x8x128xf32, #tpu.memory_space<hbm>>
      %dma_start3A_988 = tpu.memref_squeeze %dma_start3A_987 : memref<1x8x1x8x128xf32, #tpu.memory_space<hbm>> -> memref<8x8x128xf32, #tpu.memory_space<hbm>>
      %dma_start3A_989 = arith.constant 0 : i32
      %dma_start3A_990 = arith.constant 0 : i32
      %dma_start3A_991 = arith.constant 0 : i32
      %dma_start3A_992 = tpu.memref_slice %arg4[%select_n3A_963, %dma_start3A_989, %select_n3A_979, %dma_start3A_990, %dma_start3A_991] : memref<200x8x32x8x128xf32, #tpu.memory_space<hbm>> -> memref<1x8x1x8x128xf32, #tpu.memory_space<hbm>>
      %dma_start3A_993 = tpu.memref_squeeze %dma_start3A_992 : memref<1x8x1x8x128xf32, #tpu.memory_space<hbm>> -> memref<8x8x128xf32, #tpu.memory_space<hbm>>
      %dma_start3A_994 = arith.constant 0 : i32
      %dma_start3A_995 = arith.constant 0 : i32
      %dma_start3A_996 = arith.constant 0 : i32
      %dma_start3A_997 = tpu.memref_slice %arg9[%dma_start3A_994, %dma_start3A_995, %dma_start3A_996] : memref<8x8x129xf32, #tpu.memory_space<vmem>> -> memref<8x8x128xf32, #tpu.memory_space<vmem>>
      tpu.enqueue_dma source(%dma_start3A_997 : memref<8x8x128xf32, #tpu.memory_space<vmem>>) target(%dma_start3A_993 : memref<8x8x128xf32, #tpu.memory_space<hbm>>) target_semaphore(%arg13 : memref<!tpu.dma_semaphore, #tpu.memory_space<semaphore_mem>>)
      %add3A_998 = arith.constant 2 : i32
      %add3A_999 = arith.addi %add3A_868, %add3A_998 : i32
      %sub3A_1000 = arith.subi %add3A_999, %mul3A_2 : i32
      %mul3A_1001 = arith.constant 128 : i32
      %mul3A_1002 = arith.muli %sub3A_1000, %mul3A_1001 : i32
      %multiple_of3A_1003 = tpu.assume_multiple %mul3A_1002, 8 : i32
      %dma_start3A_1004 = tpu.memref_slice %arg5[%multiple_of3A_1003] : memref<25600xi32, #tpu.memory_space<vmem>> -> memref<128xi32, #tpu.memory_space<vmem>>
      %dma_start3A_1005 = arith.constant 0 : i32
      %dma_start3A_1006 = arith.constant 0 : i32
      %dma_start3A_1007 = tpu.memref_slice %arg14[%dma_start3A_1005, %dma_start3A_1006] : memref<2048x64xf32, #tpu.memory_space<vmem_shared>> -> memref<2048x64xf32, #tpu.memory_space<vmem_shared>>
      tpu.enqueue_indirect_dma source(%dma_start3A_1007 : memref<2048x64xf32, #tpu.memory_space<vmem_shared>>) target(%arg7 : memref<128x64xf32, #tpu.memory_space<vmem>>) offsets(%dma_start3A_1004 : memref<128xi32, #tpu.memory_space<vmem>>) semaphore(%arg11 : memref<!tpu.dma_semaphore, #tpu.memory_space<semaphore_mem>>)
    }
    %scan3A_320 = arith.constant 98 : i32
    %add3A_321 = arith.constant 200 : i32
    %add3A_322 = arith.addi %mul3A_2, %add3A_321 : i32
    %sub3A_323 = arith.constant 2 : i32
    %sub3A_324 = arith.subi %add3A_322, %sub3A_323 : i32
    %add3A_325 = arith.constant 0 : i32
    %add3A_326 = arith.addi %sub3A_324, %add3A_325 : i32
    %sub3A_327 = arith.subi %add3A_326, %mul3A_2 : i32
    %mul3A_328 = arith.constant 128 : i32
    %mul3A_329 = arith.muli %sub3A_327, %mul3A_328 : i32
    %multiple_of3A_330 = tpu.assume_multiple %mul3A_329, 8 : i32
    %dma_wait3A_331 = tpu.memref_slice %arg5[%multiple_of3A_330] : memref<25600xi32, #tpu.memory_space<vmem>> -> memref<128xi32, #tpu.memory_space<vmem>>
    %dma_wait3A_332 = arith.constant 0 : i32
    %dma_wait3A_333 = arith.constant 0 : i32
    %dma_wait3A_334 = tpu.memref_slice %arg14[%dma_wait3A_332, %dma_wait3A_333] : memref<2048x64xf32, #tpu.memory_space<vmem_shared>> -> memref<2048x64xf32, #tpu.memory_space<vmem_shared>>
    tpu.wait_indirect_dma semaphore(%arg10 : memref<!tpu.dma_semaphore, #tpu.memory_space<semaphore_mem>>) src(%dma_wait3A_334 : memref<2048x64xf32, #tpu.memory_space<vmem_shared>>) dst(%arg6 : memref<128x64xf32, #tpu.memory_space<vmem>>)
    %sub3A_335 = arith.constant 2 : i32
    %sub3A_336 = arith.subi %add3A_326, %sub3A_335 : i32
    %jit3A_337 = arith.constant 32 : i32
    %div3A_338 = arith.divsi %sub3A_336, %jit3A_337 : i32
    %sign3A_339 = arith.constant 0 : i32
    %sign3A_340 = arith.cmpi sgt, %sub3A_336, %sign3A_339 : i32
    %sign3A_341 = arith.extui %sign3A_340 : i1 to i32
    %sign3A_342 = arith.constant 0 : i32
    %sign3A_343 = arith.cmpi slt, %sub3A_336, %sign3A_342 : i32
    %sign3A_344 = arith.extui %sign3A_343 : i1 to i32
    %sign3A_345 = arith.subi %sign3A_341, %sign3A_344 : i32
    %sign3A_346 = arith.constant 0 : i32
    %sign3A_347 = arith.cmpi sgt, %jit3A_337, %sign3A_346 : i32
    %sign3A_348 = arith.extui %sign3A_347 : i1 to i32
    %sign3A_349 = arith.constant 0 : i32
    %sign3A_350 = arith.cmpi slt, %jit3A_337, %sign3A_349 : i32
    %sign3A_351 = arith.extui %sign3A_350 : i1 to i32
    %sign3A_352 = arith.subi %sign3A_348, %sign3A_351 : i32
    %ne3A_353 = arith.cmpi ne, %sign3A_345, %sign3A_352 : i32
    %rem3A_354 = arith.remsi %sub3A_336, %jit3A_337 : i32
    %ne3A_355 = arith.constant 0 : i32
    %ne3A_356 = arith.cmpi ne, %rem3A_354, %ne3A_355 : i32
    %and3A_357 = arith.andi %ne3A_353, %ne3A_356 : i1
    %sub3A_358 = arith.constant 1 : i32
    %sub3A_359 = arith.subi %div3A_338, %sub3A_358 : i32
    %select_n3A_360 = arith.select %and3A_357, %sub3A_359, %div3A_338 : i32
    %jit3A_361 = arith.constant 32 : i32
    %eq3A_362 = arith.constant 0 : i32
    %eq3A_363 = arith.cmpi eq, %jit3A_361, %eq3A_362 : i32
    %jit3A_364 = arith.constant 1 : i32
    %select_n3A_365 = arith.select %eq3A_363, %jit3A_364, %jit3A_361 : i32
    %rem3A_366 = arith.remsi %sub3A_336, %select_n3A_365 : i32
    %ne3A_367 = arith.constant 0 : i32
    %ne3A_368 = arith.cmpi ne, %rem3A_366, %ne3A_367 : i32
    %lt3A_369 = arith.constant 0 : i32
    %lt3A_370 = arith.cmpi slt, %rem3A_366, %lt3A_369 : i32
    %lt3A_371 = arith.constant 0 : i32
    %lt3A_372 = arith.cmpi slt, %select_n3A_365, %lt3A_371 : i32
    %ne3A_373 = arith.xori %lt3A_370, %lt3A_372 : i1
    %and3A_374 = arith.andi %ne3A_373, %ne3A_368 : i1
    %add3A_375 = arith.addi %rem3A_366, %select_n3A_365 : i32
    %select_n3A_376 = arith.select %and3A_374, %add3A_375, %rem3A_366 : i32
    %dma_wait3A_377 = arith.constant 0 : i32
    %dma_wait3A_378 = arith.constant 0 : i32
    %dma_wait3A_379 = arith.constant 0 : i32
    %dma_wait3A_380 = tpu.memref_slice %arg8[%dma_wait3A_377, %dma_wait3A_378, %dma_wait3A_379] : memref<8x8x129xf32, #tpu.memory_space<vmem>> -> memref<8x8x128xf32, #tpu.memory_space<vmem>>
    %dma_wait3A_381 = arith.constant 0 : i32
    %dma_wait3A_382 = arith.constant 0 : i32
    %dma_wait3A_383 = arith.constant 0 : i32
    %dma_wait3A_384 = tpu.memref_slice %arg4[%select_n3A_360, %dma_wait3A_381, %select_n3A_376, %dma_wait3A_382, %dma_wait3A_383] : memref<200x8x32x8x128xf32, #tpu.memory_space<hbm>> -> memref<1x8x1x8x128xf32, #tpu.memory_space<hbm>>
    %dma_wait3A_385 = tpu.memref_squeeze %dma_wait3A_384 : memref<1x8x1x8x128xf32, #tpu.memory_space<hbm>> -> memref<8x8x128xf32, #tpu.memory_space<hbm>>
    %dma_wait3A_386 = arith.constant 0 : i32
    %dma_wait3A_387 = arith.constant 0 : i32
    %dma_wait3A_388 = arith.constant 0 : i32
    %dma_wait3A_389 = tpu.memref_slice %arg4[%select_n3A_360, %dma_wait3A_386, %select_n3A_376, %dma_wait3A_387, %dma_wait3A_388] : memref<200x8x32x8x128xf32, #tpu.memory_space<hbm>> -> memref<1x8x1x8x128xf32, #tpu.memory_space<hbm>>
    %dma_wait3A_390 = tpu.memref_squeeze %dma_wait3A_389 : memref<1x8x1x8x128xf32, #tpu.memory_space<hbm>> -> memref<8x8x128xf32, #tpu.memory_space<hbm>>
    %dma_wait3A_391 = arith.constant 0 : i32
    %dma_wait3A_392 = arith.constant 0 : i32
    %dma_wait3A_393 = arith.constant 0 : i32
    %dma_wait3A_394 = tpu.memref_slice %arg8[%dma_wait3A_391, %dma_wait3A_392, %dma_wait3A_393] : memref<8x8x129xf32, #tpu.memory_space<vmem>> -> memref<8x8x128xf32, #tpu.memory_space<vmem>>
    tpu.wait_dma2 semaphore(%arg12 : memref<!tpu.dma_semaphore, #tpu.memory_space<semaphore_mem>>) src(%dma_wait3A_394 : memref<8x8x128xf32, #tpu.memory_space<vmem>>) dst(%dma_wait3A_390 : memref<8x8x128xf32, #tpu.memory_space<hbm>>)
    %parallel_loop3A_395 = arith.constant 0 : i32
    %parallel_loop3A_396 = arith.constant 128 : i32
    %parallel_loop3A_397 = arith.constant 2 : i32
    scf.for %parallel_loop3A_719 = %parallel_loop3A_395 to %parallel_loop3A_396 step %parallel_loop3A_397  : i32 {
      %parallel_loop3A_720 = arith.constant 0 : i32
      %parallel_loop3A_721 = arith.addi %parallel_loop3A_719, %parallel_loop3A_720 : i32
      %parallel_loop3A_722 = vector.broadcast %parallel_loop3A_721 : i32 to vector<16xi32>
      %parallel_loop3A_723 = arith.constant 0 : i32
      %parallel_loop3A_724 = arith.addi %parallel_loop3A_719, %parallel_loop3A_723 : i32
      %parallel_loop3A_725 = arith.index_cast %parallel_loop3A_724 : i32 to index
      %parallel_loop3A_726 = arith.constant 0 : index
      %parallel_loop3A_727 = tpu.vector_load %arg6[%parallel_loop3A_725, %parallel_loop3A_726] {strides = array<i32>} : memref<128x64xf32, #tpu.memory_space<vmem>>, vector<16xf32>,
      %parallel_loop3A_728 = arith.constant 0 : i32
      %parallel_loop3A_729 = arith.addi %parallel_loop3A_719, %parallel_loop3A_728 : i32
      %parallel_loop3A_730 = arith.index_cast %parallel_loop3A_729 : i32 to index
      %parallel_loop3A_731 = arith.constant 16 : index
      %parallel_loop3A_732 = tpu.vector_load %arg6[%parallel_loop3A_730, %parallel_loop3A_731] {strides = array<i32>} : memref<128x64xf32, #tpu.memory_space<vmem>>, vector<16xf32>,
      %parallel_loop3A_733 = arith.constant 0 : i32
      %parallel_loop3A_734 = arith.addi %parallel_loop3A_719, %parallel_loop3A_733 : i32
      %parallel_loop3A_735 = arith.index_cast %parallel_loop3A_734 : i32 to index
      %parallel_loop3A_736 = arith.constant 32 : index
      %parallel_loop3A_737 = tpu.vector_load %arg6[%parallel_loop3A_735, %parallel_loop3A_736] {strides = array<i32>} : memref<128x64xf32, #tpu.memory_space<vmem>>, vector<16xf32>,
      %parallel_loop3A_738 = arith.constant 0 : i32
      %parallel_loop3A_739 = arith.addi %parallel_loop3A_719, %parallel_loop3A_738 : i32
      %parallel_loop3A_740 = arith.index_cast %parallel_loop3A_739 : i32 to index
      %parallel_loop3A_741 = arith.constant 48 : index
      %parallel_loop3A_742 = tpu.vector_load %arg6[%parallel_loop3A_740, %parallel_loop3A_741] {strides = array<i32>} : memref<128x64xf32, #tpu.memory_space<vmem>>, vector<16xf32>,
      %parallel_loop3A_743 = arith.constant 1 : i32
      %parallel_loop3A_744 = arith.addi %parallel_loop3A_719, %parallel_loop3A_743 : i32
      %parallel_loop3A_745 = vector.broadcast %parallel_loop3A_744 : i32 to vector<16xi32>
      %parallel_loop3A_746 = arith.constant 1 : i32
      %parallel_loop3A_747 = arith.addi %parallel_loop3A_719, %parallel_loop3A_746 : i32
      %parallel_loop3A_748 = arith.index_cast %parallel_loop3A_747 : i32 to index
      %parallel_loop3A_749 = arith.constant 0 : index
      %parallel_loop3A_750 = tpu.vector_load %arg6[%parallel_loop3A_748, %parallel_loop3A_749] {strides = array<i32>} : memref<128x64xf32, #tpu.memory_space<vmem>>, vector<16xf32>,
      %parallel_loop3A_751 = arith.constant 1 : i32
      %parallel_loop3A_752 = arith.addi %parallel_loop3A_719, %parallel_loop3A_751 : i32
      %parallel_loop3A_753 = arith.index_cast %parallel_loop3A_752 : i32 to index
      %parallel_loop3A_754 = arith.constant 16 : index
      %parallel_loop3A_755 = tpu.vector_load %arg6[%parallel_loop3A_753, %parallel_loop3A_754] {strides = array<i32>} : memref<128x64xf32, #tpu.memory_space<vmem>>, vector<16xf32>,
      %parallel_loop3A_756 = arith.constant 1 : i32
      %parallel_loop3A_757 = arith.addi %parallel_loop3A_719, %parallel_loop3A_756 : i32
      %parallel_loop3A_758 = arith.index_cast %parallel_loop3A_757 : i32 to index
      %parallel_loop3A_759 = arith.constant 32 : index
      %parallel_loop3A_760 = tpu.vector_load %arg6[%parallel_loop3A_758, %parallel_loop3A_759] {strides = array<i32>} : memref<128x64xf32, #tpu.memory_space<vmem>>, vector<16xf32>,
      %parallel_loop3A_761 = arith.constant 1 : i32
      %parallel_loop3A_762 = arith.addi %parallel_loop3A_719, %parallel_loop3A_761 : i32
      %parallel_loop3A_763 = arith.index_cast %parallel_loop3A_762 : i32 to index
      %parallel_loop3A_764 = arith.constant 48 : index
      %parallel_loop3A_765 = tpu.vector_load %arg6[%parallel_loop3A_763, %parallel_loop3A_764] {strides = array<i32>} : memref<128x64xf32, #tpu.memory_space<vmem>>, vector<16xf32>,
      tpu.vector_store_idx %arg8[%select_n3A, %rem3A_138, %parallel_loop3A_722], %parallel_loop3A_727 : memref<8x8x129xf32, #tpu.memory_space<vmem>>[vector<16xi32>, vector<16xi32>, vector<16xi32>], vector<16xf32>,
      tpu.vector_store_idx %arg8[%select_n3A_67, %rem3A_138, %parallel_loop3A_722], %parallel_loop3A_732 : memref<8x8x129xf32, #tpu.memory_space<vmem>>[vector<16xi32>, vector<16xi32>, vector<16xi32>], vector<16xf32>,
      tpu.vector_store_idx %arg8[%select_n3A_101, %rem3A_138, %parallel_loop3A_722], %parallel_loop3A_737 : memref<8x8x129xf32, #tpu.memory_space<vmem>>[vector<16xi32>, vector<16xi32>, vector<16xi32>], vector<16xf32>,
      tpu.vector_store_idx %arg8[%select_n3A_135, %rem3A_138, %parallel_loop3A_722], %parallel_loop3A_742 : memref<8x8x129xf32, #tpu.memory_space<vmem>>[vector<16xi32>, vector<16xi32>, vector<16xi32>], vector<16xf32>,
      tpu.vector_store_idx %arg8[%select_n3A, %rem3A_138, %parallel_loop3A_745], %parallel_loop3A_750 : memref<8x8x129xf32, #tpu.memory_space<vmem>>[vector<16xi32>, vector<16xi32>, vector<16xi32>], vector<16xf32>,
      tpu.vector_store_idx %arg8[%select_n3A_67, %rem3A_138, %parallel_loop3A_745], %parallel_loop3A_755 : memref<8x8x129xf32, #tpu.memory_space<vmem>>[vector<16xi32>, vector<16xi32>, vector<16xi32>], vector<16xf32>,
      tpu.vector_store_idx %arg8[%select_n3A_101, %rem3A_138, %parallel_loop3A_745], %parallel_loop3A_760 : memref<8x8x129xf32, #tpu.memory_space<vmem>>[vector<16xi32>, vector<16xi32>, vector<16xi32>], vector<16xf32>,
      tpu.vector_store_idx %arg8[%select_n3A_135, %rem3A_138, %parallel_loop3A_745], %parallel_loop3A_765 : memref<8x8x129xf32, #tpu.memory_space<vmem>>[vector<16xi32>, vector<16xi32>, vector<16xi32>], vector<16xf32>,
    } {sc.loop_unroll_factor = 8 : i64, sc.parallel_access}
    %jit3A_398 = arith.constant 32 : i32
    %div3A_399 = arith.divsi %add3A_326, %jit3A_398 : i32
    %sign3A_400 = arith.constant 0 : i32
    %sign3A_401 = arith.cmpi sgt, %add3A_326, %sign3A_400 : i32
    %sign3A_402 = arith.extui %sign3A_401 : i1 to i32
    %sign3A_403 = arith.constant 0 : i32
    %sign3A_404 = arith.cmpi slt, %add3A_326, %sign3A_403 : i32
    %sign3A_405 = arith.extui %sign3A_404 : i1 to i32
    %sign3A_406 = arith.subi %sign3A_402, %sign3A_405 : i32
    %sign3A_407 = arith.constant 0 : i32
    %sign3A_408 = arith.cmpi sgt, %jit3A_398, %sign3A_407 : i32
    %sign3A_409 = arith.extui %sign3A_408 : i1 to i32
    %sign3A_410 = arith.constant 0 : i32
    %sign3A_411 = arith.cmpi slt, %jit3A_398, %sign3A_410 : i32
    %sign3A_412 = arith.extui %sign3A_411 : i1 to i32
    %sign3A_413 = arith.subi %sign3A_409, %sign3A_412 : i32
    %ne3A_414 = arith.cmpi ne, %sign3A_406, %sign3A_413 : i32
    %rem3A_415 = arith.remsi %add3A_326, %jit3A_398 : i32
    %ne3A_416 = arith.constant 0 : i32
    %ne3A_417 = arith.cmpi ne, %rem3A_415, %ne3A_416 : i32
    %and3A_418 = arith.andi %ne3A_414, %ne3A_417 : i1
    %sub3A_419 = arith.constant 1 : i32
    %sub3A_420 = arith.subi %div3A_399, %sub3A_419 : i32
    %select_n3A_421 = arith.select %and3A_418, %sub3A_420, %div3A_399 : i32
    %jit3A_422 = arith.constant 32 : i32
    %eq3A_423 = arith.constant 0 : i32
    %eq3A_424 = arith.cmpi eq, %jit3A_422, %eq3A_423 : i32
    %jit3A_425 = arith.constant 1 : i32
    %select_n3A_426 = arith.select %eq3A_424, %jit3A_425, %jit3A_422 : i32
    %rem3A_427 = arith.remsi %add3A_326, %select_n3A_426 : i32
    %ne3A_428 = arith.constant 0 : i32
    %ne3A_429 = arith.cmpi ne, %rem3A_427, %ne3A_428 : i32
    %lt3A_430 = arith.constant 0 : i32
    %lt3A_431 = arith.cmpi slt, %rem3A_427, %lt3A_430 : i32
    %lt3A_432 = arith.constant 0 : i32
    %lt3A_433 = arith.cmpi slt, %select_n3A_426, %lt3A_432 : i32
    %ne3A_434 = arith.xori %lt3A_431, %lt3A_433 : i1
    %and3A_435 = arith.andi %ne3A_434, %ne3A_429 : i1
    %add3A_436 = arith.addi %rem3A_427, %select_n3A_426 : i32
    %select_n3A_437 = arith.select %and3A_435, %add3A_436, %rem3A_427 : i32
    %dma_start3A_438 = arith.constant 0 : i32
    %dma_start3A_439 = arith.constant 0 : i32
    %dma_start3A_440 = arith.constant 0 : i32
    %dma_start3A_441 = tpu.memref_slice %arg8[%dma_start3A_438, %dma_start3A_439, %dma_start3A_440] : memref<8x8x129xf32, #tpu.memory_space<vmem>> -> memref<8x8x128xf32, #tpu.memory_space<vmem>>
    %dma_start3A_442 = arith.constant 0 : i32
    %dma_start3A_443 = arith.constant 0 : i32
    %dma_start3A_444 = arith.constant 0 : i32
    %dma_start3A_445 = tpu.memref_slice %arg4[%select_n3A_421, %dma_start3A_442, %select_n3A_437, %dma_start3A_443, %dma_start3A_444] : memref<200x8x32x8x128xf32, #tpu.memory_space<hbm>> -> memref<1x8x1x8x128xf32, #tpu.memory_space<hbm>>
    %dma_start3A_446 = tpu.memref_squeeze %dma_start3A_445 : memref<1x8x1x8x128xf32, #tpu.memory_space<hbm>> -> memref<8x8x128xf32, #tpu.memory_space<hbm>>
    %dma_start3A_447 = arith.constant 0 : i32
    %dma_start3A_448 = arith.constant 0 : i32
    %dma_start3A_449 = arith.constant 0 : i32
    %dma_start3A_450 = tpu.memref_slice %arg4[%select_n3A_421, %dma_start3A_447, %select_n3A_437, %dma_start3A_448, %dma_start3A_449] : memref<200x8x32x8x128xf32, #tpu.memory_space<hbm>> -> memref<1x8x1x8x128xf32, #tpu.memory_space<hbm>>
    %dma_start3A_451 = tpu.memref_squeeze %dma_start3A_450 : memref<1x8x1x8x128xf32, #tpu.memory_space<hbm>> -> memref<8x8x128xf32, #tpu.memory_space<hbm>>
    %dma_start3A_452 = arith.constant 0 : i32
    %dma_start3A_453 = arith.constant 0 : i32
    %dma_start3A_454 = arith.constant 0 : i32
    %dma_start3A_455 = tpu.memref_slice %arg8[%dma_start3A_452, %dma_start3A_453, %dma_start3A_454] : memref<8x8x129xf32, #tpu.memory_space<vmem>> -> memref<8x8x128xf32, #tpu.memory_space<vmem>>
    tpu.enqueue_dma source(%dma_start3A_455 : memref<8x8x128xf32, #tpu.memory_space<vmem>>) target(%dma_start3A_451 : memref<8x8x128xf32, #tpu.memory_space<hbm>>) target_semaphore(%arg12 : memref<!tpu.dma_semaphore, #tpu.memory_space<semaphore_mem>>)
    %add3A_456 = arith.constant 200 : i32
    %add3A_457 = arith.addi %mul3A_2, %add3A_456 : i32
    %sub3A_458 = arith.constant 2 : i32
    %sub3A_459 = arith.subi %add3A_457, %sub3A_458 : i32
    %add3A_460 = arith.constant 1 : i32
    %add3A_461 = arith.addi %sub3A_459, %add3A_460 : i32
    %sub3A_462 = arith.subi %add3A_461, %mul3A_2 : i32
    %mul3A_463 = arith.constant 128 : i32
    %mul3A_464 = arith.muli %sub3A_462, %mul3A_463 : i32
    %multiple_of3A_465 = tpu.assume_multiple %mul3A_464, 8 : i32
    %dma_wait3A_466 = tpu.memref_slice %arg5[%multiple_of3A_465] : memref<25600xi32, #tpu.memory_space<vmem>> -> memref<128xi32, #tpu.memory_space<vmem>>
    %dma_wait3A_467 = arith.constant 0 : i32
    %dma_wait3A_468 = arith.constant 0 : i32
    %dma_wait3A_469 = tpu.memref_slice %arg14[%dma_wait3A_467, %dma_wait3A_468] : memref<2048x64xf32, #tpu.memory_space<vmem_shared>> -> memref<2048x64xf32, #tpu.memory_space<vmem_shared>>
    tpu.wait_indirect_dma semaphore(%arg11 : memref<!tpu.dma_semaphore, #tpu.memory_space<semaphore_mem>>) src(%dma_wait3A_469 : memref<2048x64xf32, #tpu.memory_space<vmem_shared>>) dst(%arg7 : memref<128x64xf32, #tpu.memory_space<vmem>>)
    %sub3A_470 = arith.constant 2 : i32
    %sub3A_471 = arith.subi %add3A_461, %sub3A_470 : i32
    %jit3A_472 = arith.constant 32 : i32
    %div3A_473 = arith.divsi %sub3A_471, %jit3A_472 : i32
    %sign3A_474 = arith.constant 0 : i32
    %sign3A_475 = arith.cmpi sgt, %sub3A_471, %sign3A_474 : i32
    %sign3A_476 = arith.extui %sign3A_475 : i1 to i32
    %sign3A_477 = arith.constant 0 : i32
    %sign3A_478 = arith.cmpi slt, %sub3A_471, %sign3A_477 : i32
    %sign3A_479 = arith.extui %sign3A_478 : i1 to i32
    %sign3A_480 = arith.subi %sign3A_476, %sign3A_479 : i32
    %sign3A_481 = arith.constant 0 : i32
    %sign3A_482 = arith.cmpi sgt, %jit3A_472, %sign3A_481 : i32
    %sign3A_483 = arith.extui %sign3A_482 : i1 to i32
    %sign3A_484 = arith.constant 0 : i32
    %sign3A_485 = arith.cmpi slt, %jit3A_472, %sign3A_484 : i32
    %sign3A_486 = arith.extui %sign3A_485 : i1 to i32
    %sign3A_487 = arith.subi %sign3A_483, %sign3A_486 : i32
    %ne3A_488 = arith.cmpi ne, %sign3A_480, %sign3A_487 : i32
    %rem3A_489 = arith.remsi %sub3A_471, %jit3A_472 : i32
    %ne3A_490 = arith.constant 0 : i32
    %ne3A_491 = arith.cmpi ne, %rem3A_489, %ne3A_490 : i32
    %and3A_492 = arith.andi %ne3A_488, %ne3A_491 : i1
    %sub3A_493 = arith.constant 1 : i32
    %sub3A_494 = arith.subi %div3A_473, %sub3A_493 : i32
    %select_n3A_495 = arith.select %and3A_492, %sub3A_494, %div3A_473 : i32
    %jit3A_496 = arith.constant 32 : i32
    %eq3A_497 = arith.constant 0 : i32
    %eq3A_498 = arith.cmpi eq, %jit3A_496, %eq3A_497 : i32
    %jit3A_499 = arith.constant 1 : i32
    %select_n3A_500 = arith.select %eq3A_498, %jit3A_499, %jit3A_496 : i32
    %rem3A_501 = arith.remsi %sub3A_471, %select_n3A_500 : i32
    %ne3A_502 = arith.constant 0 : i32
    %ne3A_503 = arith.cmpi ne, %rem3A_501, %ne3A_502 : i32
    %lt3A_504 = arith.constant 0 : i32
    %lt3A_505 = arith.cmpi slt, %rem3A_501, %lt3A_504 : i32
    %lt3A_506 = arith.constant 0 : i32
    %lt3A_507 = arith.cmpi slt, %select_n3A_500, %lt3A_506 : i32
    %ne3A_508 = arith.xori %lt3A_505, %lt3A_507 : i1
    %and3A_509 = arith.andi %ne3A_508, %ne3A_503 : i1
    %add3A_510 = arith.addi %rem3A_501, %select_n3A_500 : i32
    %select_n3A_511 = arith.select %and3A_509, %add3A_510, %rem3A_501 : i32
    %dma_wait3A_512 = arith.constant 0 : i32
    %dma_wait3A_513 = arith.constant 0 : i32
    %dma_wait3A_514 = arith.constant 0 : i32
    %dma_wait3A_515 = tpu.memref_slice %arg9[%dma_wait3A_512, %dma_wait3A_513, %dma_wait3A_514] : memref<8x8x129xf32, #tpu.memory_space<vmem>> -> memref<8x8x128xf32, #tpu.memory_space<vmem>>
    %dma_wait3A_516 = arith.constant 0 : i32
    %dma_wait3A_517 = arith.constant 0 : i32
    %dma_wait3A_518 = arith.constant 0 : i32
    %dma_wait3A_519 = tpu.memref_slice %arg4[%select_n3A_495, %dma_wait3A_516, %select_n3A_511, %dma_wait3A_517, %dma_wait3A_518] : memref<200x8x32x8x128xf32, #tpu.memory_space<hbm>> -> memref<1x8x1x8x128xf32, #tpu.memory_space<hbm>>
    %dma_wait3A_520 = tpu.memref_squeeze %dma_wait3A_519 : memref<1x8x1x8x128xf32, #tpu.memory_space<hbm>> -> memref<8x8x128xf32, #tpu.memory_space<hbm>>
    %dma_wait3A_521 = arith.constant 0 : i32
    %dma_wait3A_522 = arith.constant 0 : i32
    %dma_wait3A_523 = arith.constant 0 : i32
    %dma_wait3A_524 = tpu.memref_slice %arg4[%select_n3A_495, %dma_wait3A_521, %select_n3A_511, %dma_wait3A_522, %dma_wait3A_523] : memref<200x8x32x8x128xf32, #tpu.memory_space<hbm>> -> memref<1x8x1x8x128xf32, #tpu.memory_space<hbm>>
    %dma_wait3A_525 = tpu.memref_squeeze %dma_wait3A_524 : memref<1x8x1x8x128xf32, #tpu.memory_space<hbm>> -> memref<8x8x128xf32, #tpu.memory_space<hbm>>
    %dma_wait3A_526 = arith.constant 0 : i32
    %dma_wait3A_527 = arith.constant 0 : i32
    %dma_wait3A_528 = arith.constant 0 : i32
    %dma_wait3A_529 = tpu.memref_slice %arg9[%dma_wait3A_526, %dma_wait3A_527, %dma_wait3A_528] : memref<8x8x129xf32, #tpu.memory_space<vmem>> -> memref<8x8x128xf32, #tpu.memory_space<vmem>>
    tpu.wait_dma2 semaphore(%arg13 : memref<!tpu.dma_semaphore, #tpu.memory_space<semaphore_mem>>) src(%dma_wait3A_529 : memref<8x8x128xf32, #tpu.memory_space<vmem>>) dst(%dma_wait3A_525 : memref<8x8x128xf32, #tpu.memory_space<hbm>>)
    %parallel_loop3A_530 = arith.constant 0 : i32
    %parallel_loop3A_531 = arith.constant 128 : i32
    %parallel_loop3A_532 = arith.constant 2 : i32
    scf.for %parallel_loop3A_719 = %parallel_loop3A_530 to %parallel_loop3A_531 step %parallel_loop3A_532  : i32 {
      %parallel_loop3A_720 = arith.constant 0 : i32
      %parallel_loop3A_721 = arith.addi %parallel_loop3A_719, %parallel_loop3A_720 : i32
      %parallel_loop3A_722 = vector.broadcast %parallel_loop3A_721 : i32 to vector<16xi32>
      %parallel_loop3A_723 = arith.constant 0 : i32
      %parallel_loop3A_724 = arith.addi %parallel_loop3A_719, %parallel_loop3A_723 : i32
      %parallel_loop3A_725 = arith.index_cast %parallel_loop3A_724 : i32 to index
      %parallel_loop3A_726 = arith.constant 0 : index
      %parallel_loop3A_727 = tpu.vector_load %arg7[%parallel_loop3A_725, %parallel_loop3A_726] {strides = array<i32>} : memref<128x64xf32, #tpu.memory_space<vmem>>, vector<16xf32>,
      %parallel_loop3A_728 = arith.constant 0 : i32
      %parallel_loop3A_729 = arith.addi %parallel_loop3A_719, %parallel_loop3A_728 : i32
      %parallel_loop3A_730 = arith.index_cast %parallel_loop3A_729 : i32 to index
      %parallel_loop3A_731 = arith.constant 16 : index
      %parallel_loop3A_732 = tpu.vector_load %arg7[%parallel_loop3A_730, %parallel_loop3A_731] {strides = array<i32>} : memref<128x64xf32, #tpu.memory_space<vmem>>, vector<16xf32>,
      %parallel_loop3A_733 = arith.constant 0 : i32
      %parallel_loop3A_734 = arith.addi %parallel_loop3A_719, %parallel_loop3A_733 : i32
      %parallel_loop3A_735 = arith.index_cast %parallel_loop3A_734 : i32 to index
      %parallel_loop3A_736 = arith.constant 32 : index
      %parallel_loop3A_737 = tpu.vector_load %arg7[%parallel_loop3A_735, %parallel_loop3A_736] {strides = array<i32>} : memref<128x64xf32, #tpu.memory_space<vmem>>, vector<16xf32>,
      %parallel_loop3A_738 = arith.constant 0 : i32
      %parallel_loop3A_739 = arith.addi %parallel_loop3A_719, %parallel_loop3A_738 : i32
      %parallel_loop3A_740 = arith.index_cast %parallel_loop3A_739 : i32 to index
      %parallel_loop3A_741 = arith.constant 48 : index
      %parallel_loop3A_742 = tpu.vector_load %arg7[%parallel_loop3A_740, %parallel_loop3A_741] {strides = array<i32>} : memref<128x64xf32, #tpu.memory_space<vmem>>, vector<16xf32>,
      %parallel_loop3A_743 = arith.constant 1 : i32
      %parallel_loop3A_744 = arith.addi %parallel_loop3A_719, %parallel_loop3A_743 : i32
      %parallel_loop3A_745 = vector.broadcast %parallel_loop3A_744 : i32 to vector<16xi32>
      %parallel_loop3A_746 = arith.constant 1 : i32
      %parallel_loop3A_747 = arith.addi %parallel_loop3A_719, %parallel_loop3A_746 : i32
      %parallel_loop3A_748 = arith.index_cast %parallel_loop3A_747 : i32 to index
      %parallel_loop3A_749 = arith.constant 0 : index
      %parallel_loop3A_750 = tpu.vector_load %arg7[%parallel_loop3A_748, %parallel_loop3A_749] {strides = array<i32>} : memref<128x64xf32, #tpu.memory_space<vmem>>, vector<16xf32>,
      %parallel_loop3A_751 = arith.constant 1 : i32
      %parallel_loop3A_752 = arith.addi %parallel_loop3A_719, %parallel_loop3A_751 : i32
      %parallel_loop3A_753 = arith.index_cast %parallel_loop3A_752 : i32 to index
      %parallel_loop3A_754 = arith.constant 16 : index
      %parallel_loop3A_755 = tpu.vector_load %arg7[%parallel_loop3A_753, %parallel_loop3A_754] {strides = array<i32>} : memref<128x64xf32, #tpu.memory_space<vmem>>, vector<16xf32>,
      %parallel_loop3A_756 = arith.constant 1 : i32
      %parallel_loop3A_757 = arith.addi %parallel_loop3A_719, %parallel_loop3A_756 : i32
      %parallel_loop3A_758 = arith.index_cast %parallel_loop3A_757 : i32 to index
      %parallel_loop3A_759 = arith.constant 32 : index
      %parallel_loop3A_760 = tpu.vector_load %arg7[%parallel_loop3A_758, %parallel_loop3A_759] {strides = array<i32>} : memref<128x64xf32, #tpu.memory_space<vmem>>, vector<16xf32>,
      %parallel_loop3A_761 = arith.constant 1 : i32
      %parallel_loop3A_762 = arith.addi %parallel_loop3A_719, %parallel_loop3A_761 : i32
      %parallel_loop3A_763 = arith.index_cast %parallel_loop3A_762 : i32 to index
      %parallel_loop3A_764 = arith.constant 48 : index
      %parallel_loop3A_765 = tpu.vector_load %arg7[%parallel_loop3A_763, %parallel_loop3A_764] {strides = array<i32>} : memref<128x64xf32, #tpu.memory_space<vmem>>, vector<16xf32>,
      tpu.vector_store_idx %arg9[%select_n3A, %rem3A_138, %parallel_loop3A_722], %parallel_loop3A_727 : memref<8x8x129xf32, #tpu.memory_space<vmem>>[vector<16xi32>, vector<16xi32>, vector<16xi32>], vector<16xf32>,
      tpu.vector_store_idx %arg9[%select_n3A_67, %rem3A_138, %parallel_loop3A_722], %parallel_loop3A_732 : memref<8x8x129xf32, #tpu.memory_space<vmem>>[vector<16xi32>, vector<16xi32>, vector<16xi32>], vector<16xf32>,
      tpu.vector_store_idx %arg9[%select_n3A_101, %rem3A_138, %parallel_loop3A_722], %parallel_loop3A_737 : memref<8x8x129xf32, #tpu.memory_space<vmem>>[vector<16xi32>, vector<16xi32>, vector<16xi32>], vector<16xf32>,
      tpu.vector_store_idx %arg9[%select_n3A_135, %rem3A_138, %parallel_loop3A_722], %parallel_loop3A_742 : memref<8x8x129xf32, #tpu.memory_space<vmem>>[vector<16xi32>, vector<16xi32>, vector<16xi32>], vector<16xf32>,
      tpu.vector_store_idx %arg9[%select_n3A, %rem3A_138, %parallel_loop3A_745], %parallel_loop3A_750 : memref<8x8x129xf32, #tpu.memory_space<vmem>>[vector<16xi32>, vector<16xi32>, vector<16xi32>], vector<16xf32>,
      tpu.vector_store_idx %arg9[%select_n3A_67, %rem3A_138, %parallel_loop3A_745], %parallel_loop3A_755 : memref<8x8x129xf32, #tpu.memory_space<vmem>>[vector<16xi32>, vector<16xi32>, vector<16xi32>], vector<16xf32>,
      tpu.vector_store_idx %arg9[%select_n3A_101, %rem3A_138, %parallel_loop3A_745], %parallel_loop3A_760 : memref<8x8x129xf32, #tpu.memory_space<vmem>>[vector<16xi32>, vector<16xi32>, vector<16xi32>], vector<16xf32>,
      tpu.vector_store_idx %arg9[%select_n3A_135, %rem3A_138, %parallel_loop3A_745], %parallel_loop3A_765 : memref<8x8x129xf32, #tpu.memory_space<vmem>>[vector<16xi32>, vector<16xi32>, vector<16xi32>], vector<16xf32>,
    } {sc.loop_unroll_factor = 8 : i64, sc.parallel_access}
    %jit3A_533 = arith.constant 32 : i32
    %div3A_534 = arith.divsi %add3A_461, %jit3A_533 : i32
    %sign3A_535 = arith.constant 0 : i32
    %sign3A_536 = arith.cmpi sgt, %add3A_461, %sign3A_535 : i32
    %sign3A_537 = arith.extui %sign3A_536 : i1 to i32
    %sign3A_538 = arith.constant 0 : i32
    %sign3A_539 = arith.cmpi slt, %add3A_461, %sign3A_538 : i32
    %sign3A_540 = arith.extui %sign3A_539 : i1 to i32
    %sign3A_541 = arith.subi %sign3A_537, %sign3A_540 : i32
    %sign3A_542 = arith.constant 0 : i32
    %sign3A_543 = arith.cmpi sgt, %jit3A_533, %sign3A_542 : i32
    %sign3A_544 = arith.extui %sign3A_543 : i1 to i32
    %sign3A_545 = arith.constant 0 : i32
    %sign3A_546 = arith.cmpi slt, %jit3A_533, %sign3A_545 : i32
    %sign3A_547 = arith.extui %sign3A_546 : i1 to i32
    %sign3A_548 = arith.subi %sign3A_544, %sign3A_547 : i32
    %ne3A_549 = arith.cmpi ne, %sign3A_541, %sign3A_548 : i32
    %rem3A_550 = arith.remsi %add3A_461, %jit3A_533 : i32
    %ne3A_551 = arith.constant 0 : i32
    %ne3A_552 = arith.cmpi ne, %rem3A_550, %ne3A_551 : i32
    %and3A_553 = arith.andi %ne3A_549, %ne3A_552 : i1
    %sub3A_554 = arith.constant 1 : i32
    %sub3A_555 = arith.subi %div3A_534, %sub3A_554 : i32
    %select_n3A_556 = arith.select %and3A_553, %sub3A_555, %div3A_534 : i32
    %jit3A_557 = arith.constant 32 : i32
    %eq3A_558 = arith.constant 0 : i32
    %eq3A_559 = arith.cmpi eq, %jit3A_557, %eq3A_558 : i32
    %jit3A_560 = arith.constant 1 : i32
    %select_n3A_561 = arith.select %eq3A_559, %jit3A_560, %jit3A_557 : i32
    %rem3A_562 = arith.remsi %add3A_461, %select_n3A_561 : i32
    %ne3A_563 = arith.constant 0 : i32
    %ne3A_564 = arith.cmpi ne, %rem3A_562, %ne3A_563 : i32
    %lt3A_565 = arith.constant 0 : i32
    %lt3A_566 = arith.cmpi slt, %rem3A_562, %lt3A_565 : i32
    %lt3A_567 = arith.constant 0 : i32
    %lt3A_568 = arith.cmpi slt, %select_n3A_561, %lt3A_567 : i32
    %ne3A_569 = arith.xori %lt3A_566, %lt3A_568 : i1
    %and3A_570 = arith.andi %ne3A_569, %ne3A_564 : i1
    %add3A_571 = arith.addi %rem3A_562, %select_n3A_561 : i32
    %select_n3A_572 = arith.select %and3A_570, %add3A_571, %rem3A_562 : i32
    %dma_start3A_573 = arith.constant 0 : i32
    %dma_start3A_574 = arith.constant 0 : i32
    %dma_start3A_575 = arith.constant 0 : i32
    %dma_start3A_576 = tpu.memref_slice %arg9[%dma_start3A_573, %dma_start3A_574, %dma_start3A_575] : memref<8x8x129xf32, #tpu.memory_space<vmem>> -> memref<8x8x128xf32, #tpu.memory_space<vmem>>
    %dma_start3A_577 = arith.constant 0 : i32
    %dma_start3A_578 = arith.constant 0 : i32
    %dma_start3A_579 = arith.constant 0 : i32
    %dma_start3A_580 = tpu.memref_slice %arg4[%select_n3A_556, %dma_start3A_577, %select_n3A_572, %dma_start3A_578, %dma_start3A_579] : memref<200x8x32x8x128xf32, #tpu.memory_space<hbm>> -> memref<1x8x1x8x128xf32, #tpu.memory_space<hbm>>
    %dma_start3A_581 = tpu.memref_squeeze %dma_start3A_580 : memref<1x8x1x8x128xf32, #tpu.memory_space<hbm>> -> memref<8x8x128xf32, #tpu.memory_space<hbm>>
    %dma_start3A_582 = arith.constant 0 : i32
    %dma_start3A_583 = arith.constant 0 : i32
    %dma_start3A_584 = arith.constant 0 : i32
    %dma_start3A_585 = tpu.memref_slice %arg4[%select_n3A_556, %dma_start3A_582, %select_n3A_572, %dma_start3A_583, %dma_start3A_584] : memref<200x8x32x8x128xf32, #tpu.memory_space<hbm>> -> memref<1x8x1x8x128xf32, #tpu.memory_space<hbm>>
    %dma_start3A_586 = tpu.memref_squeeze %dma_start3A_585 : memref<1x8x1x8x128xf32, #tpu.memory_space<hbm>> -> memref<8x8x128xf32, #tpu.memory_space<hbm>>
    %dma_start3A_587 = arith.constant 0 : i32
    %dma_start3A_588 = arith.constant 0 : i32
    %dma_start3A_589 = arith.constant 0 : i32
    %dma_start3A_590 = tpu.memref_slice %arg9[%dma_start3A_587, %dma_start3A_588, %dma_start3A_589] : memref<8x8x129xf32, #tpu.memory_space<vmem>> -> memref<8x8x128xf32, #tpu.memory_space<vmem>>
    tpu.enqueue_dma source(%dma_start3A_590 : memref<8x8x128xf32, #tpu.memory_space<vmem>>) target(%dma_start3A_586 : memref<8x8x128xf32, #tpu.memory_space<hbm>>) target_semaphore(%arg13 : memref<!tpu.dma_semaphore, #tpu.memory_space<semaphore_mem>>)
    %add3A_591 = arith.constant 200 : i32
    %add3A_592 = arith.addi %mul3A_2, %add3A_591 : i32
    %sub3A_593 = arith.constant 2 : i32
    %sub3A_594 = arith.subi %add3A_592, %sub3A_593 : i32
    %add3A_595 = arith.constant 0 : i32
    %add3A_596 = arith.addi %sub3A_594, %add3A_595 : i32
    %jit3A_597 = arith.constant 32 : i32
    %div3A_598 = arith.divsi %add3A_596, %jit3A_597 : i32
    %sign3A_599 = arith.constant 0 : i32
    %sign3A_600 = arith.cmpi sgt, %add3A_596, %sign3A_599 : i32
    %sign3A_601 = arith.extui %sign3A_600 : i1 to i32
    %sign3A_602 = arith.constant 0 : i32
    %sign3A_603 = arith.cmpi slt, %add3A_596, %sign3A_602 : i32
    %sign3A_604 = arith.extui %sign3A_603 : i1 to i32
    %sign3A_605 = arith.subi %sign3A_601, %sign3A_604 : i32
    %sign3A_606 = arith.constant 0 : i32
    %sign3A_607 = arith.cmpi sgt, %jit3A_597, %sign3A_606 : i32
    %sign3A_608 = arith.extui %sign3A_607 : i1 to i32
    %sign3A_609 = arith.constant 0 : i32
    %sign3A_610 = arith.cmpi slt, %jit3A_597, %sign3A_609 : i32
    %sign3A_611 = arith.extui %sign3A_610 : i1 to i32
    %sign3A_612 = arith.subi %sign3A_608, %sign3A_611 : i32
    %ne3A_613 = arith.cmpi ne, %sign3A_605, %sign3A_612 : i32
    %rem3A_614 = arith.remsi %add3A_596, %jit3A_597 : i32
    %ne3A_615 = arith.constant 0 : i32
    %ne3A_616 = arith.cmpi ne, %rem3A_614, %ne3A_615 : i32
    %and3A_617 = arith.andi %ne3A_613, %ne3A_616 : i1
    %sub3A_618 = arith.constant 1 : i32
    %sub3A_619 = arith.subi %div3A_598, %sub3A_618 : i32
    %select_n3A_620 = arith.select %and3A_617, %sub3A_619, %div3A_598 : i32
    %jit3A_621 = arith.constant 32 : i32
    %eq3A_622 = arith.constant 0 : i32
    %eq3A_623 = arith.cmpi eq, %jit3A_621, %eq3A_622 : i32
    %jit3A_624 = arith.constant 1 : i32
    %select_n3A_625 = arith.select %eq3A_623, %jit3A_624, %jit3A_621 : i32
    %rem3A_626 = arith.remsi %add3A_596, %select_n3A_625 : i32
    %ne3A_627 = arith.constant 0 : i32
    %ne3A_628 = arith.cmpi ne, %rem3A_626, %ne3A_627 : i32
    %lt3A_629 = arith.constant 0 : i32
    %lt3A_630 = arith.cmpi slt, %rem3A_626, %lt3A_629 : i32
    %lt3A_631 = arith.constant 0 : i32
    %lt3A_632 = arith.cmpi slt, %select_n3A_625, %lt3A_631 : i32
    %ne3A_633 = arith.xori %lt3A_630, %lt3A_632 : i1
    %and3A_634 = arith.andi %ne3A_633, %ne3A_628 : i1
    %add3A_635 = arith.addi %rem3A_626, %select_n3A_625 : i32
    %select_n3A_636 = arith.select %and3A_634, %add3A_635, %rem3A_626 : i32
    %dma_wait3A_637 = arith.constant 0 : i32
    %dma_wait3A_638 = arith.constant 0 : i32
    %dma_wait3A_639 = arith.constant 0 : i32
    %dma_wait3A_640 = tpu.memref_slice %arg8[%dma_wait3A_637, %dma_wait3A_638, %dma_wait3A_639] : memref<8x8x129xf32, #tpu.memory_space<vmem>> -> memref<8x8x128xf32, #tpu.memory_space<vmem>>
    %dma_wait3A_641 = arith.constant 0 : i32
    %dma_wait3A_642 = arith.constant 0 : i32
    %dma_wait3A_643 = arith.constant 0 : i32
    %dma_wait3A_644 = tpu.memref_slice %arg4[%select_n3A_620, %dma_wait3A_641, %select_n3A_636, %dma_wait3A_642, %dma_wait3A_643] : memref<200x8x32x8x128xf32, #tpu.memory_space<hbm>> -> memref<1x8x1x8x128xf32, #tpu.memory_space<hbm>>
    %dma_wait3A_645 = tpu.memref_squeeze %dma_wait3A_644 : memref<1x8x1x8x128xf32, #tpu.memory_space<hbm>> -> memref<8x8x128xf32, #tpu.memory_space<hbm>>
    %dma_wait3A_646 = arith.constant 0 : i32
    %dma_wait3A_647 = arith.constant 0 : i32
    %dma_wait3A_648 = arith.constant 0 : i32
    %dma_wait3A_649 = tpu.memref_slice %arg4[%select_n3A_620, %dma_wait3A_646, %select_n3A_636, %dma_wait3A_647, %dma_wait3A_648] : memref<200x8x32x8x128xf32, #tpu.memory_space<hbm>> -> memref<1x8x1x8x128xf32, #tpu.memory_space<hbm>>
    %dma_wait3A_650 = tpu.memref_squeeze %dma_wait3A_649 : memref<1x8x1x8x128xf32, #tpu.memory_space<hbm>> -> memref<8x8x128xf32, #tpu.memory_space<hbm>>
    %dma_wait3A_651 = arith.constant 0 : i32
    %dma_wait3A_652 = arith.constant 0 : i32
    %dma_wait3A_653 = arith.constant 0 : i32
    %dma_wait3A_654 = tpu.memref_slice %arg8[%dma_wait3A_651, %dma_wait3A_652, %dma_wait3A_653] : memref<8x8x129xf32, #tpu.memory_space<vmem>> -> memref<8x8x128xf32, #tpu.memory_space<vmem>>
    tpu.wait_dma2 semaphore(%arg12 : memref<!tpu.dma_semaphore, #tpu.memory_space<semaphore_mem>>) src(%dma_wait3A_654 : memref<8x8x128xf32, #tpu.memory_space<vmem>>) dst(%dma_wait3A_650 : memref<8x8x128xf32, #tpu.memory_space<hbm>>)
    %add3A_655 = arith.constant 200 : i32
    %add3A_656 = arith.addi %mul3A_2, %add3A_655 : i32
    %sub3A_657 = arith.constant 2 : i32
    %sub3A_658 = arith.subi %add3A_656, %sub3A_657 : i32
    %add3A_659 = arith.constant 1 : i32
    %add3A_660 = arith.addi %sub3A_658, %add3A_659 : i32
    %jit3A_661 = arith.constant 32 : i32
    %div3A_662 = arith.divsi %add3A_660, %jit3A_661 : i32
    %sign3A_663 = arith.constant 0 : i32
    %sign3A_664 = arith.cmpi sgt, %add3A_660, %sign3A_663 : i32
    %sign3A_665 = arith.extui %sign3A_664 : i1 to i32
    %sign3A_666 = arith.constant 0 : i32
    %sign3A_667 = arith.cmpi slt, %add3A_660, %sign3A_666 : i32
    %sign3A_668 = arith.extui %sign3A_667 : i1 to i32
    %sign3A_669 = arith.subi %sign3A_665, %sign3A_668 : i32
    %sign3A_670 = arith.constant 0 : i32
    %sign3A_671 = arith.cmpi sgt, %jit3A_661, %sign3A_670 : i32
    %sign3A_672 = arith.extui %sign3A_671 : i1 to i32
    %sign3A_673 = arith.constant 0 : i32
    %sign3A_674 = arith.cmpi slt, %jit3A_661, %sign3A_673 : i32
    %sign3A_675 = arith.extui %sign3A_674 : i1 to i32
    %sign3A_676 = arith.subi %sign3A_672, %sign3A_675 : i32
    %ne3A_677 = arith.cmpi ne, %sign3A_669, %sign3A_676 : i32
    %rem3A_678 = arith.remsi %add3A_660, %jit3A_661 : i32
    %ne3A_679 = arith.constant 0 : i32
    %ne3A_680 = arith.cmpi ne, %rem3A_678, %ne3A_679 : i32
    %and3A_681 = arith.andi %ne3A_677, %ne3A_680 : i1
    %sub3A_682 = arith.constant 1 : i32
    %sub3A_683 = arith.subi %div3A_662, %sub3A_682 : i32
    %select_n3A_684 = arith.select %and3A_681, %sub3A_683, %div3A_662 : i32
    %jit3A_685 = arith.constant 32 : i32
    %eq3A_686 = arith.constant 0 : i32
    %eq3A_687 = arith.cmpi eq, %jit3A_685, %eq3A_686 : i32
    %jit3A_688 = arith.constant 1 : i32
    %select_n3A_689 = arith.select %eq3A_687, %jit3A_688, %jit3A_685 : i32
    %rem3A_690 = arith.remsi %add3A_660, %select_n3A_689 : i32
    %ne3A_691 = arith.constant 0 : i32
    %ne3A_692 = arith.cmpi ne, %rem3A_690, %ne3A_691 : i32
    %lt3A_693 = arith.constant 0 : i32
    %lt3A_694 = arith.cmpi slt, %rem3A_690, %lt3A_693 : i32
    %lt3A_695 = arith.constant 0 : i32
    %lt3A_696 = arith.cmpi slt, %select_n3A_689, %lt3A_695 : i32
    %ne3A_697 = arith.xori %lt3A_694, %lt3A_696 : i1
    %and3A_698 = arith.andi %ne3A_697, %ne3A_692 : i1
    %add3A_699 = arith.addi %rem3A_690, %select_n3A_689 : i32
    %select_n3A_700 = arith.select %and3A_698, %add3A_699, %rem3A_690 : i32
    %dma_wait3A_701 = arith.constant 0 : i32
    %dma_wait3A_702 = arith.constant 0 : i32
    %dma_wait3A_703 = arith.constant 0 : i32
    %dma_wait3A_704 = tpu.memref_slice %arg9[%dma_wait3A_701, %dma_wait3A_702, %dma_wait3A_703] : memref<8x8x129xf32, #tpu.memory_space<vmem>> -> memref<8x8x128xf32, #tpu.memory_space<vmem>>
    %dma_wait3A_705 = arith.constant 0 : i32
    %dma_wait3A_706 = arith.constant 0 : i32
    %dma_wait3A_707 = arith.constant 0 : i32
    %dma_wait3A_708 = tpu.memref_slice %arg4[%select_n3A_684, %dma_wait3A_705, %select_n3A_700, %dma_wait3A_706, %dma_wait3A_707] : memref<200x8x32x8x128xf32, #tpu.memory_space<hbm>> -> memref<1x8x1x8x128xf32, #tpu.memory_space<hbm>>
    %dma_wait3A_709 = tpu.memref_squeeze %dma_wait3A_708 : memref<1x8x1x8x128xf32, #tpu.memory_space<hbm>> -> memref<8x8x128xf32, #tpu.memory_space<hbm>>
    %dma_wait3A_710 = arith.constant 0 : i32
    %dma_wait3A_711 = arith.constant 0 : i32
    %dma_wait3A_712 = arith.constant 0 : i32
    %dma_wait3A_713 = tpu.memref_slice %arg4[%select_n3A_684, %dma_wait3A_710, %select_n3A_700, %dma_wait3A_711, %dma_wait3A_712] : memref<200x8x32x8x128xf32, #tpu.memory_space<hbm>> -> memref<1x8x1x8x128xf32, #tpu.memory_space<hbm>>
    %dma_wait3A_714 = tpu.memref_squeeze %dma_wait3A_713 : memref<1x8x1x8x128xf32, #tpu.memory_space<hbm>> -> memref<8x8x128xf32, #tpu.memory_space<hbm>>
    %dma_wait3A_715 = arith.constant 0 : i32
    %dma_wait3A_716 = arith.constant 0 : i32
    %dma_wait3A_717 = arith.constant 0 : i32
    %dma_wait3A_718 = tpu.memref_slice %arg9[%dma_wait3A_715, %dma_wait3A_716, %dma_wait3A_717] : memref<8x8x129xf32, #tpu.memory_space<vmem>> -> memref<8x8x128xf32, #tpu.memory_space<vmem>>
    tpu.wait_dma2 semaphore(%arg13 : memref<!tpu.dma_semaphore, #tpu.memory_space<semaphore_mem>>) src(%dma_wait3A_718 : memref<8x8x128xf32, #tpu.memory_space<vmem>>) dst(%dma_wait3A_714 : memref<8x8x128xf32, #tpu.memory_space<hbm>>)
    return
  }
}

</mosaic_0001>

<sc_bundles>
// kernel: kernel.3.cloned.1.call-start
scs
__scs_entry_jumppad:
0x0: {  	(pc) =	sbr.rel $0x88, $3  }
0x1: {  	(tag) =	ssettag $0x0;
	lr =	simm.s32 $0x1  }
0x2: {  	[smem:$0x3F9F] =	sst lr;
	_ =	strace $0xD0000000  }
0x3: {  	_ = 	snop  }
0x4: {  	_ = 	snop  }
0x5: {  	_ = 	snop  }
0x6: {  	_ = 	snop  }
0x7: {  	_ = 	snop  }
__scs_overlays_trampoline_lowered:
0x8: {  	[smem:$0x3FAE] =	sst s0  }
0x9: {  	[smem:$0x3FAF] =	sst s1  }
0xa: {  	[smem:$0x3FB0] =	sst s2  }
0xb: {  	[smem:$0x3FB1] =	sst s3  }
0xc: {  	[smem:$0x3FB2] =	sst s4  }
0xd: {  	[smem:$0x3FB3] =	sst s5  }
0xe: {  	[smem:$0x3FB4] =	sst s6  }
0xf: {  	[smem:$0x3FB5] =	sst s7  }
0x10: {  	[smem:$0x3FB6] =	sst s8  }
0x11: {  	[smem:$0x3FB7] =	sst s9;
	s0 =	simm.s32 @!p0 $0x0  }
0x12: {  	s1 =	sld [smem:$0x3F9D];
	s0 =	simm.s32 @p0 $0x1  }
0x13: {  	[smem:$0x3FB8] =	sst s0;
	s0 =	simm.s32 @!p1 $0x0  }
0x14: {  	s2 =	sld [smem:$0x3F9C];
	s0 =	simm.s32 @p1 $0x1  }
0x15: {  	[smem:$0x3FB9] =	sst s0;
	s0 =	simm.s32 @!p2 $0x0  }
0x16: {  	s3 =	sld [smem:$0x3FDB];
	s0 =	simm.s32 @p2 $0x1  }
0x17: {  	s4 =	simm.s32 $0x1BF5;
	[smem:$0x3FBB] =	sst s0  }
0x18: {  	s0 =	sld [smem:$0x3F9E];
	_ =	swait.ge [sflag:s4], $0x0  }
0x19: {  	s7 =	sld [smem:$0x3F9F]  }
0x1a: {  	s8 =	sadd.s32 $0xFFFFE003, lr  }
0x1b: {  	s9 =	sadd.s32 $0xFFFFFEF7, lr;
	s5 =	simm.s32 $0xFFFFFFFF;
	p2 =	slt.u32 s8, $0xFFFFF086  }
0x1c: {  	p1 =	slt.u32 s9, $0xF7A;
	s5 =	simm.s32 @!p2 $0x0  }
0x1d: {  	s5 =	simm.s32 @p1 $0x1;
	p0 =	seq.s32 s7, s2  }
0x1e: {  	s7 =	smul.u32 @!p0 $0xF7A, s2;
	p2 =	seq.s32 @!p0 s5, $0x0  }
0x1f: {  	s9 =	smul.u32 $0xF7A, s1;
	s8 =	simm.s32 @!p0 $0x1BF5;
	p2 =	por !p2, p0  }
0x20: {  	[sflag:s8] =	ssyncset.s32 @!p0 $0xFFFFF086;
	s6 =	sadd.s32 @!p0 s3, s7;
	s7 =	simm.s32 @!p0 $0x108  }
0x21: {  	s3 =	sadd.s32 s3, s9;
	s6 =	sadd.s32 @!p0 $0x88, s6;
	s7 =	simm.s32 @p2 $0x1082  }
0x22: {  	[simem:s7], [sflag:s8] =	dma.local @!p0 [hbm:s6], $0xF7A  }
0x23: {  	s9 =	sor.u32 $0xD0000000, s2;
	s6 =	simm.s32 $0x108;
	_ =	swait.ge @!p0 [sflag:s8], $0x0  }
0x24: {  	s3 =	sadd.s32 $0x88, s3;
	s6 =	simm.s32 @!p1 $0x1082;
	[sflag:s4] =	ssyncset.s32 $0xFFFFF086  }
0x25: {  	[simem:s6], [sflag:s4] =	dma.local [hbm:s3], $0xF7A  }
0x26: {  	[smem:$0x3F9F] =	sst s1;
	(tag) =	ssettag s2;
	_ =	strace s9  }
0x27: {  	s1 =	sld [smem:$0x3FAF]  }
0x28: {  	s2 =	sld [smem:$0x3FB0]  }
0x29: {  	s4 =	sld [smem:$0x3FB2]  }
0x2a: {  	p0 =	seq.s32 s5, $0x0;
	s5 =	sld [smem:$0x3FB3]  }
0x2b: {  	s6 =	sld [smem:$0x3FB4]  }
0x2c: {  	s7 =	sld [smem:$0x3FB5]  }
0x2d: {  	s3 =	simm.s32 $0x108;
	s8 =	sld [smem:$0x3FB6]  }
0x2e: {  	s3 =	simm.s32 @!p0 $0x1082;
	s9 =	sld [smem:$0x3FB7]  }
0x2f: {  	lr =	sadd.s32 s0, s3;
	s0 =	sld [smem:$0x3FAE]  }
0x30: {  	s3 =	sld [smem:$0x3FB1]  }
0x31: {  	[smem:$0x3FBA] =	sst s10  }
0x32: {  	s10 =	sld [smem:$0x3FB8];
	_ =	sdelay $0x3  }
0x33: {  	p0 =	seq.s32 s10, $0x1;
	s10 =	sld [smem:$0x3FBA];
	_ =	sdelay $0x3  }
0x34: {  	[smem:$0x3FBA] =	sst s10  }
0x35: {  	s10 =	sld [smem:$0x3FB9];
	_ =	sdelay $0x3  }
0x36: {  	p1 =	seq.s32 s10, $0x1;
	s10 =	sld [smem:$0x3FBA];
	_ =	sdelay $0x3  }
0x37: {  	[smem:$0x3FBA] =	sst s10  }
0x38: {  	s10 =	sld [smem:$0x3FBB]  }
0x39: {  	_ = 	snop;
	(pc) =	sbr.ind lr, $3  }
0x3a: {  	_ = 	snop  }
0x3b: {  	_ = 	snop  }
0x3c: {  	p2 =	seq.s32 s10, $0x1;
	s10 =	sld [smem:$0x3FBA]  }
0x3d: {  	_ =	shalt  }
0x3e: {  	_ =	shalt  }
0x3f: {  	_ =	shalt  }
0x40: {  	_ =	shalt  }
0x41: {  	_ =	shalt  }
0x42: {  	_ =	shalt  }
0x43: {  	_ =	shalt  }
0x44: {  	_ =	shalt  }
0x45: {  	_ =	shalt  }
0x46: {  	_ =	shalt  }
0x47: {  	_ =	shalt  }
0x48: {  	_ =	shalt  }
0x49: {  	_ =	shalt  }
0x4a: {  	_ =	shalt  }
0x4b: {  	_ =	shalt  }
0x4c: {  	_ =	shalt  }
0x4d: {  	_ =	shalt  }
0x4e: {  	_ =	shalt  }
0x4f: {  	_ =	shalt  }
0x50: {  	_ =	shalt  }
0x51: {  	_ =	shalt  }
0x52: {  	_ =	shalt  }
0x53: {  	_ =	shalt  }
0x54: {  	_ =	shalt  }
0x55: {  	_ =	shalt  }
0x56: {  	_ =	shalt  }
0x57: {  	_ =	shalt  }
0x58: {  	_ =	shalt  }
0x59: {  	_ =	shalt  }
0x5a: {  	_ =	shalt  }
0x5b: {  	_ =	shalt  }
0x5c: {  	_ =	shalt  }
0x5d: {  	_ =	shalt  }
0x5e: {  	_ =	shalt  }
0x5f: {  	_ =	shalt  }
0x60: {  	_ =	shalt  }
0x61: {  	_ =	shalt  }
0x62: {  	_ =	shalt  }
0x63: {  	_ =	shalt  }
0x64: {  	_ =	shalt  }
0x65: {  	_ =	shalt  }
0x66: {  	_ =	shalt  }
0x67: {  	_ =	shalt  }
0x68: {  	_ =	shalt  }
0x69: {  	_ =	shalt  }
0x6a: {  	_ =	shalt  }
0x6b: {  	_ =	shalt  }
0x6c: {  	_ =	shalt  }
0x6d: {  	_ =	shalt  }
0x6e: {  	_ =	shalt  }
0x6f: {  	_ =	shalt  }
0x70: {  	_ =	shalt  }
0x71: {  	_ =	shalt  }
0x72: {  	_ =	shalt  }
0x73: {  	_ =	shalt  }
0x74: {  	_ =	shalt  }
0x75: {  	_ =	shalt  }
0x76: {  	_ =	shalt  }
0x77: {  	_ =	shalt  }
0x78: {  	_ =	shalt  }
0x79: {  	_ =	shalt  }
0x7a: {  	_ =	shalt  }
0x7b: {  	_ =	shalt  }
0x7c: {  	_ =	shalt  }
0x7d: {  	_ =	shalt  }
0x7e: {  	_ =	shalt  }
0x7f: {  	_ =	shalt  }
0x80: {  	_ =	shalt  }
0x81: {  	_ =	shalt  }
0x82: {  	_ =	shalt  }
0x83: {  	_ =	shalt  }
0x84: {  	_ =	shalt  }
0x85: {  	_ =	shalt  }
0x86: {  	_ =	shalt  }
0x87: {  	_ =	shalt  }
.Lfunc_end0:
.L_simem_size_0:
called_computation_lowered:
.L_overlay_start_0:
0x88: {  	s2 =	sld [smem:$0x3FD9]  }
0x89: {  	s3 =	sld [smem:$0x3FFE];
	_ =	sdelay $0x1  }
0x8a: {  	s1 =	srdreg.scid  }
0x8b: {  	s0 =	sand.u32 $0x1, s1  }
0x8c: {  	s17 =	sshll.u32 s0, $0xA;
	s2 =	sadd.s32 s3, s2  }
0x8d: {  	s2 =	sadd.s32 s2, s17  }
0x8e: {  	[smem:$0x3FC6] =	sst s2  }
0x8f: {  	_ = 	snop  }
0x90: {  	s2 =	sld [smem:$0x3FD0];
	(tm) =	ssettm $0x1  }
0x91: {  	s18 =	sld [smem:$0x3FFB];
	_ =	sdelay $0x3  }
0x92: {  	_ =	strace s18  }
0x93: {  	s3 =	sld [smem:$0x3FFC];
	_ =	sdelay $0x3  }
0x94: {  	_ =	strace s3  }
0x95: {  	s3 =	sld [smem:$0x3FFD];
	_ =	sdelay $0x3  }
0x96: {  	_ =	strace s3  }
0x97: {  	_ =	strace $0x8FFFFFFF  }
0x98: {  	s19 =	sld [smem:$0x3FDB];
	_ =	sdelay $0x1  }
0x99: {  	s4 =	simm.s32 $_scs_section_size  }
0x9a: {  	s5 =	simm.s32 $_size__tile_overlayer_lowered;
	s6 =	simm.s32 $_tile_overlayer_lowered  }
0x9b: {  	s22 =	simm.s32 $0x1BFF;
	s21 =	sshll.u32 s6, $0x1;
	s3 =	sadd.s32 s4, s19  }
0x9c: {  	s7 =	simm.s32 $0x0;
	s20 =	sshll.u32 s5, $0x1;
	s5 =	sadd.s32 s21, s3  }
0x9d: {  	[timem:s7], [sflag:s22] =	dma.local [hbm:s5], s20  }
0x9e: {  	_ =	swait.ge [sflag:s22], s20  }
0x9f: {  	s4 =	ssub.s32 $0x0, s20;
	[sflag:s22] =	ssyncset.done $0x0  }
0xa0: {  	[sflag:s22] =	ssyncadd.s32 s4;
	_ =	sdelay $0x1  }
0xa1: {  	s23 =	simm.s32 $0x1B8B  }
0xa2: {  	_ =	swait.ge [sflag:s23], $0x1  }
0xa3: {  	[sflag:s23] =	ssyncset.done $0x0  }
0xa4: {  	s25 =	simm.s32 $0x1B8E;
	s24 =	sld [smem:$0x3FFE];
	[sflag:s23] =	ssyncadd.s32 $0xFFFFFFFF  }
0xa5: {  	s26 =	simm.s32 $execute0_lowered;
	[smem:$0x3FD2] =	sst s25  }
0xa6: {  	s5 =	sshll.u32 s26, $0x1;
	_ =	strace $0x80000046;
	[dreg:$0x1] =	wrdreg $0xFFFFFFFF  }
0xa7: {  	s28 =	simm.s32 $_size_execute0_lowered;
	s3 =	sadd.s32 s3, s5;
	[dreg:$0x0] =	wrdreg $0x0  }
0xa8: {  	s5 =	sshll.u32 s28, $0x1;
	[dreg:$0x2] =	wrdreg s3  }
0xa9: {  	[dreg:$0x3] =	wrdreg s5  }
0xaa: {  	[dreg:$0x4] =	wrdreg $0xC0  }
0xab: {  	_ =	task [dreg:s7], $0x5FFFF  }
0xac: {  	[dreg:$0x1] =	wrdreg $0xFFFFFFFF  }
0xad: {  	[dreg:$0x0] =	wrdreg $0x60  }
0xae: {  	[dreg:$0x2] =	wrdreg s24  }
0xaf: {  	[dreg:$0x3] =	wrdreg s2  }
0xb0: {  	[dreg:$0x4] =	wrdreg $0xE8000  }
0xb1: {  	[dreg:$0x5] =	wrdreg $0x9  }
0xb2: {  	_ =	task.clear_ibuf [dreg:s7], $0x6FFFF;
	_ =	strace $0x90000046  }
0xb3: {  	s29 =	simm.s32 $0x9;
	_ =	strace $0x80000048  }
0xb4: {  	_ =	swait.ge [sflag:s29], $0x1  }
0xb5: {  	[sflag:s29] =	ssyncadd.s32 $0xFFFFFFFF  }
0xb6: {  	_ =	strace $0x90000048  }
0xb7: {  	_ =	sfence  }
0xb8: {  	s30 =	sld [smem:$0x0];
	_ =	sdelay $0x2  }
0xb9: {  	s31 =	sshll.u32 s1, $0xD;
	s1 =	sshrl.u32 s1, $0x2  }
0xba: {  	s3 =	sand.u32 $0x4000, s31;
	s1 =	sadd.s32 s1, s30  }
0xbb: {  	s0 =	sor.u32 s3, s0;
	s1 =	sshll.u32 s1, $0x11  }
0xbc: {  	s0 =	sor.u32 s1, s0  }
0xbd: {  	s0 =	sadd.s32 $0x8F2B, s0  }
0xbe: {  	[sflag:s0] =	ssyncadd.remote.s32 $0x1  }
0xbf: {  	_ =	sfence.sel $0xFFFF  }
0xc0: {  	[dreg:$0x0] =	wrdreg $0xFFFFFFFF;
	(pc) =	sbr.abs _section_cstart, $3  }
0xc1: {  	[dreg:$0x1] =	wrdreg $0xFFFFFFFF  }
0xc2: {  	_ =	task.clear_ibuf [dreg:s7], $0x2FFFF;
	_ =	strace $0x9FFFFFFF  }
0xc3: {  	(tm) =	ssettm $0x7FFFFFFF  }
tec
execute0_lowered:
.L_overlay_start_1:
0x0: {  	(tag) =	ssettag $0x1  }
0x1: {  	s0 =	rddreg [dreg:$0x0]  }
0x2: {  	s2 =	rddreg [dreg:$0x1];
	s1 =	srdreg.scid  }
0x3: {  	s11 =	stileid.u32;
	s3 =	rddreg [dreg:$0x2];
	s4 =	simm.s32 $0x0  }
0x4: {  	s14 =	simm.s32 $0x5;
	s15 =	simm.s32 $0x6400;
	s16 =	simm.s32 $0x80  }
0x5: {  	s17 =	simm.s32 $0x8400;
	s18 =	simm.s32 $0x1;
	s19 =	simm.s32 $0xA400  }
0x6: {  	s21 =	simm.s32 $0x2;
	s22 =	simm.s32 $0xC600;
	s24 =	simm.s32 $0x3  }
0x7: {  	v0 =	vlaneseq.u32;
	s1 =	sand.u32 $0x1, s1;
	s5 =	sshll.u32 s11, $0x1;
	[smem:$0x7FF] =	sst s4  }
0x8: {  	s9 =	sshll.u32 s11, $0xA;
	v0 =	vmul.u32 $0x88, v0;
	s26 =	sshll.u32 s11, $0xD;
	s5 =	sor.u32 s1, s5  }
0x9: {  	v1 =	vimm.s32 $0x0;
	vm0 =	vcmask $0x300;
	_ =	strace $0x80000047;
	s1 =	ssub.s32 $0x2, s1;
	s6 =	smul.u32 $0xC80, s5  }
0xa: {  	v1 =	vsel vm0, $0x3, v1;
	s7 =	smul.u32 $0x190000, s5;
	s8 =	sshll.u32 s5, $0xD;
	s10 =	sshrl.u32 s1, $0x1;
	v2 =	vadd.s32 $0x880, v0  }
0xb: {  	s5 =	smul.u32 $0xC8, s5;
	v3 =	vadd.s32 $0x1100, v0;
	v4 =	vadd.s32 $0x1980, v0;
	v5 =	vor.u32 $0x1, v0;
	s1 =	ssub.s32 s1, s10;
	s6 =	sadd.s32 s6, s0  }
0xc: {  	v6 =	vadd.s32 $0x881, v0;
	v7 =	vadd.s32 $0x1101, v0;
	v8 =	vadd.s32 $0x1981, v0;
	s7 =	sor.u32 s8, s7;
	s0 =	sadd.s32 s9, s0;
	s9 =	sadd.s32 s26, s3  }
0xd: {  	v9 =	vor.u32 $0x2, v0;
	v10 =	vadd.s32 $0x882, v0;
	v11 =	vadd.s32 $0x1102, v0;
	s28 =	sadd.s32 $0xC6, s5;
	s12 =	sadd.s32 $0xC7, s5;
	s26 =	simm.s32 $0x0  }
0xe: {  	v12 =	vadd.s32 $0x1982, v0;
	v13 =	vor.u32 $0x3, v0;
	v14 =	vadd.s32 $0x883, v0;
	s7 =	sand.u32 $0x3FC6000, s7;
	s6 =	sadd.s32 $0x4400, s6;
	s29 =	sshll.u32 s28, $0xA  }
0xf: {  	v15 =	vadd.s32 $0x1103, v0;
	v16 =	vadd.s32 $0x1983, v0;
	v17 =	vor.u32 $0x4, v0;
	s13 =	sshll.u32 s12, $0x7;
	s12 =	sshll.u32 s12, $0xA;
	[dreg:$0x4] =	wrdreg s6  }
0x10: {  	v18 =	vadd.s32 $0x884, v0;
	v19 =	vadd.s32 $0x1104, v0;
	v20 =	vadd.s32 $0x1984, v0;
	s25 =	sshrl.u32 s7, $0x3;
	s7 =	sadd.s32 $0x400, s0;
	s0 =	sshll.u32 s28, $0x7  }
0x11: {  	v21 =	vor.u32 $0x5, v0;
	v22 =	vadd.s32 $0x885, v0;
	v23 =	vadd.s32 $0x1105, v0;
	s11 =	sand.u32 $0xFF8000, s29;
	s13 =	sand.u32 $0xF80, s13;
	s30 =	sand.u32 $0xFF8000, s12  }
0x12: {  	v24 =	vadd.s32 $0x1985, v0;
	v25 =	vor.u32 $0x6, v0;
	v26 =	vadd.s32 $0x886, v0;
	s8 =	sadd.s32 s2, s25;
	s0 =	sand.u32 $0xF00, s0;
	s31 =	sadd.s32 s2, s13  }
0x13: {  	v27 =	vadd.s32 $0x1106, v0;
	v28 =	vadd.s32 $0x1986, v0;
	v29 =	vor.u32 $0x7, v0;
	s13 =	smax.u32 s1, $0x1;
	s25 =	simm.s32 $0x4;
	s0 =	sadd.s32 s2, s0  }
0x14: {  	v30 =	vadd.s32 $0x887, v0;
	v31 =	vadd.s32 $0x1107, v0;
	v32 =	vadd.s32 $0x1987, v0;
	s10 =	sadd.s32 $0x80, s8;
	s12 =	sadd.s32 s30, s31;
	s11 =	sadd.s32 s11, s0  }
.LBB2_1:
0x15: {  	s0 =	rddreg [dreg:$0x4]  }
0x16: {  	[tilespmem:s4], [sflag:$0x5] =	stream.linear.gather [hbm4b:s0+s4], $0x6400, $0x38;
	[tilespmem:$0x10800] =	vst v63  }
0x17: {  	_ =	swait.ge [sflag:s14], $0x6400  }
0x18: {  	[sflag:s14] =	ssyncset.done $0x0  }
0x19: {  	[sflag:s14] =	ssyncadd.s32 $0xFFFF9C00  }
0x1a: {  	[tilespmem:s15], [sflag:$0x5] =	stream.linear.gather [hbm4b:s7+s4], $0x2000, $0x38;
	[tilespmem:$0x10800] =	vst v63  }
0x1b: {  	_ =	swait.ge [sflag:s14], $0x2000  }
0x1c: {  	[sflag:s14] =	ssyncset.done $0x0  }
0x1d: {  	[sflag:s14] =	ssyncadd.s32 $0xFFFFE000  }
0x1e: {  	[spmem:s9] =	stream.linear.scatter [tilespmem:s15], [sflag:$0x5], $0x2000, $0x38;
	[tilespmem:$0x10800] =	vst v63  }
0x1f: {  	_ =	swait.ge [sflag:s14], $0x2000  }
0x20: {  	[sflag:s14] =	ssyncset.done $0x0  }
0x21: {  	[sflag:s14] =	ssyncadd.s32 $0xFFFFE000  }
0x22: {  	[bflag:$0x0] =	sbarrier.arrive $0xFFFF  }
0x23: {  	[tilespmem:s15], [sflag:$0x1] =	stream.indirect.gather [spmem:s3], $0x40, s4, s16, $0xb8;
	[tilespmem:$0x10800] =	vst v63  }
0x24: {  	_ = 	snop  }
0x25: {  	[tilespmem:s17], [sflag:$0x2] =	stream.indirect.gather [spmem:s3], $0x40, s16, s16, $0xb8;
	[tilespmem:$0x10800] =	vst v63  }
0x26: {  	_ =	swait.ge [sflag:s18], $0x2000  }
0x27: {  	[sflag:s18] =	ssyncset.done $0x0  }
0x28: {  	s28 =	simm.s32 $0x6600;
	s1 =	simm.s32 $0x0;
	[sflag:s18] =	ssyncadd.s32 $0xFFFFE000  }
.LBB2_2:
0x29: {  	v34 =	vld [tilespmem:s28+$0xFFFFFE00]  }
0x2a: {  	v35 =	vld [tilespmem:s28+$0xFFFFFE10]  }
0x2b: {  	v33 =	vmov s1;
	v36 =	vld [tilespmem:s28+$0xFFFFFE20]  }
0x2c: {  	v38 =	vld [tilespmem:s28+$0xFFFFFE30];
	v33 =	vshrl.u32 v33, $0x3  }
0x2d: {  	v40 =	vld [tilespmem:s28+$0xFFFFFE40];
	s30 =	sadd.s32 $0x2, s1;
	v33 =	vshll.u32 v33, v1  }
0x2e: {  	v42 =	vld [tilespmem:s28+$0xFFFFFE50];
	v45 =	vmov s30;
	v33 =	vbroadcast v33, $0x0  }
0x2f: {  	v44 =	vld [tilespmem:s28+$0xFFFFFE60];
	v45 =	vshrl.u32 v45, $0x3  }
0x30: {  	s0 =	sadd.s32 $0x1, s1;
	v46 =	vld [tilespmem:s28+$0xFFFFFE70];
	v45 =	vshll.u32 v45, v1;
	v39 =	vadd.s32 v0, v33  }
0x31: {  	v61 =	vld [tilespmem:s28+$0xFFFFFE80];
	v37 =	vmov s0;
	v45 =	vbroadcast v45, $0x0;
	v41 =	vadd.s32 v2, v33  }
0x32: {  	v63 =	vld [tilespmem:s28+$0xFFFFFE90];
	v37 =	vshrl.u32 v37, $0x3;
	v43 =	vadd.s32 v3, v33  }
0x33: {  	v49 =	vld [tilespmem:s28+$0xFFFFFEA0];
	v37 =	vshll.u32 v37, v1;
	v52 =	vadd.s32 v9, v45  }
0x34: {  	v51 =	vld [tilespmem:s28+$0xFFFFFEB0];
	v37 =	vbroadcast v37, $0x0;
	v33 =	vadd.s32 v4, v33  }
0x35: {  	v53 =	vld [tilespmem:s28+$0xFFFFFEC0];
	v54 =	vadd.s32 v10, v45;
	[tilespmem:v39+s19+$0x0] =	vst.idx.msk $0xffff, v34  }
0x36: {  	s31 =	sadd.s32 $0x3, s1;
	v55 =	vld [tilespmem:s28+$0xFFFFFED0];
	v47 =	vadd.s32 v5, v37;
	[tilespmem:v41+s19+$0x0] =	vst.idx.msk $0xffff, v35  }
0x37: {  	v50 =	vmov s31;
	v56 =	vadd.s32 v11, v45;
	v35 =	vld [tilespmem:s28+$0xFFFFFEE0];
	[tilespmem:v43+s19+$0x0] =	vst.idx.msk $0xffff, v36  }
0x38: {  	v60 =	vadd.s32 v6, v37;
	v43 =	vshrl.u32 v50, $0x3;
	v36 =	vld [tilespmem:s28+$0xFFFFFEF0];
	[tilespmem:v52+s19+$0x0] =	vst.idx.msk $0xffff, v61  }
0x39: {  	v62 =	vadd.s32 v7, v37;
	[tilespmem:v33+s19+$0x0] =	vst.idx.msk $0xffff, v38;
	v43 =	vshll.u32 v43, v1  }
0x3a: {  	s6 =	sadd.s32 $0x4, s1;
	v48 =	vadd.s32 v8, v37;
	[tilespmem:v54+s19+$0x0] =	vst.idx.msk $0xffff, v63;
	v43 =	vbroadcast v43, $0x0  }
0x3b: {  	v58 =	vmov s6;
	v57 =	vadd.s32 v12, v45;
	[tilespmem:v47+s19+$0x0] =	vst.idx.msk $0xffff, v40  }
0x3c: {  	v45 =	vshrl.u32 v58, $0x3;
	[tilespmem:v56+s19+$0x0] =	vst.idx.msk $0xffff, v49;
	v59 =	vadd.s32 v13, v43  }
0x3d: {  	v45 =	vshll.u32 v45, v1;
	v61 =	vld [tilespmem:s28+$0xFFFFFF00];
	[tilespmem:v60+s19+$0x0] =	vst.idx.msk $0xffff, v42;
	v60 =	vadd.s32 v14, v43  }
0x3e: {  	s20 =	sadd.s32 $0x5, s1;
	v45 =	vbroadcast v45, $0x0;
	v63 =	vld [tilespmem:s28+$0xFFFFFF10];
	[tilespmem:v62+s19+$0x0] =	vst.idx.msk $0xffff, v44;
	v62 =	vadd.s32 v15, v43  }
0x3f: {  	v50 =	vmov s20;
	v49 =	vld [tilespmem:s28+$0xFFFFFF20];
	[tilespmem:v48+s19+$0x0] =	vst.idx.msk $0xffff, v46;
	v48 =	vadd.s32 v16, v43  }
0x40: {  	v52 =	vadd.s32 v17, v45;
	[tilespmem:v57+s19+$0x0] =	vst.idx.msk $0xffff, v51;
	v51 =	vld [tilespmem:s28+$0xFFFFFF30];
	v43 =	vshrl.u32 v50, $0x3  }
0x41: {  	v54 =	vadd.s32 v18, v45;
	v43 =	vshll.u32 v43, v1;
	[tilespmem:v59+s19+$0x0] =	vst.idx.msk $0xffff, v53;
	v53 =	vld [tilespmem:s28+$0xFFFFFF40]  }
0x42: {  	s23 =	sadd.s32 $0x6, s1;
	v56 =	vadd.s32 v19, v45;
	v43 =	vbroadcast v43, $0x0;
	[tilespmem:v60+s19+$0x0] =	vst.idx.msk $0xffff, v55;
	v55 =	vld [tilespmem:s28+$0xFFFFFF50]  }
0x43: {  	v58 =	vmov s23;
	v57 =	vadd.s32 v20, v45;
	[tilespmem:v62+s19+$0x0] =	vst.idx.msk $0xffff, v35;
	v35 =	vld [tilespmem:s28+$0xFFFFFF60]  }
0x44: {  	v45 =	vshrl.u32 v58, $0x3;
	v59 =	vadd.s32 v21, v43;
	[tilespmem:v48+s19+$0x0] =	vst.idx.msk $0xffff, v36;
	v36 =	vld [tilespmem:s28+$0xFFFFFF70]  }
0x45: {  	v45 =	vshll.u32 v45, v1;
	v60 =	vadd.s32 v22, v43;
	[tilespmem:v52+s19+$0x0] =	vst.idx.msk $0xffff, v61;
	v61 =	vld [tilespmem:s28+$0xFFFFFF80]  }
0x46: {  	s29 =	sadd.s32 $0x7, s1;
	v45 =	vbroadcast v45, $0x0;
	v62 =	vadd.s32 v23, v43;
	[tilespmem:v54+s19+$0x0] =	vst.idx.msk $0xffff, v63;
	v63 =	vld [tilespmem:s28+$0xFFFFFF90]  }
0x47: {  	v50 =	vmov s29;
	v48 =	vadd.s32 v24, v43;
	[tilespmem:v56+s19+$0x0] =	vst.idx.msk $0xffff, v49;
	v49 =	vld [tilespmem:s28+$0xFFFFFFA0]  }
0x48: {  	v52 =	vadd.s32 v25, v45;
	v43 =	vshrl.u32 v50, $0x3;
	[tilespmem:v57+s19+$0x0] =	vst.idx.msk $0xffff, v51;
	v51 =	vld [tilespmem:s28+$0xFFFFFFB0]  }
0x49: {  	v54 =	vadd.s32 v26, v45;
	v43 =	vshll.u32 v43, v1;
	v57 =	vld [tilespmem:s28+$0xFFFFFFE0];
	[tilespmem:v59+s19+$0x0] =	vst.idx.msk $0xffff, v53  }
0x4a: {  	s30 =	sadd.s32 $0x8, s1;
	v56 =	vadd.s32 v27, v45;
	v43 =	vbroadcast v43, $0x0;
	v53 =	vld [tilespmem:s28+$0xFFFFFFC0];
	[tilespmem:v60+s19+$0x0] =	vst.idx.msk $0xffff, v55  }
0x4b: {  	v58 =	vmov s30;
	v45 =	vadd.s32 v28, v45;
	v55 =	vld [tilespmem:s28+$0xFFFFFFD0];
	[tilespmem:v62+s19+$0x0] =	vst.idx.msk $0xffff, v35  }
0x4c: {  	v46 =	vshrl.u32 v58, $0x3;
	v59 =	vadd.s32 v29, v43;
	v35 =	vld [tilespmem:s28+$0x60];
	[tilespmem:v48+s19+$0x0] =	vst.idx.msk $0xffff, v36  }
0x4d: {  	v46 =	vshll.u32 v46, v1;
	v60 =	vadd.s32 v30, v43;
	v36 =	vld [tilespmem:s28+$0xFFFFFFF0];
	[tilespmem:v52+s19+$0x0] =	vst.idx.msk $0xffff, v61  }
0x4e: {  	s31 =	sadd.s32 $0x9, s1;
	v46 =	vbroadcast v46, $0x0;
	v62 =	vadd.s32 v31, v43;
	v61 =	vld [tilespmem:s28+$0x0];
	[tilespmem:v54+s19+$0x0] =	vst.idx.msk $0xffff, v63  }
0x4f: {  	v50 =	vmov s31;
	v48 =	vadd.s32 v32, v43;
	v63 =	vld [tilespmem:s28+$0x10];
	[tilespmem:v56+s19+$0x0] =	vst.idx.msk $0xffff, v49  }
0x50: {  	v52 =	vadd.s32 v0, v46;
	v43 =	vshrl.u32 v50, $0x3;
	v49 =	vld [tilespmem:s28+$0x20];
	[tilespmem:v45+s19+$0x0] =	vst.idx.msk $0xffff, v51  }
0x51: {  	v54 =	vadd.s32 v2, v46;
	v43 =	vshll.u32 v43, v1;
	v51 =	vld [tilespmem:s28+$0x30];
	[tilespmem:v59+s19+$0x0] =	vst.idx.msk $0xffff, v53  }
0x52: {  	s6 =	sadd.s32 $0xA, s1;
	v56 =	vadd.s32 v3, v46;
	v43 =	vbroadcast v43, $0x0;
	v53 =	vld [tilespmem:s28+$0x40];
	[tilespmem:v60+s19+$0x0] =	vst.idx.msk $0xffff, v55  }
0x53: {  	v58 =	vmov s6;
	v55 =	vld [tilespmem:s28+$0x50];
	[tilespmem:v62+s19+$0x0] =	vst.idx.msk $0xffff, v57;
	v57 =	vadd.s32 v4, v46  }
0x54: {  	v59 =	vadd.s32 v5, v43;
	v46 =	vshrl.u32 v58, $0x3;
	[tilespmem:v48+s19+$0x0] =	vst.idx.msk $0xffff, v36;
	v36 =	vld [tilespmem:s28+$0x70]  }
0x55: {  	v60 =	vadd.s32 v6, v43;
	[tilespmem:v52+s19+$0x0] =	vst.idx.msk $0xffff, v61;
	v61 =	vld [tilespmem:s28+$0x80];
	v46 =	vshll.u32 v46, v1  }
0x56: {  	s20 =	sadd.s32 $0xB, s1;
	v62 =	vadd.s32 v7, v43;
	[tilespmem:v54+s19+$0x0] =	vst.idx.msk $0xffff, v63;
	v63 =	vld [tilespmem:s28+$0x90];
	v46 =	vbroadcast v46, $0x0  }
0x57: {  	v50 =	vmov s20;
	v48 =	vadd.s32 v8, v43;
	[tilespmem:v56+s19+$0x0] =	vst.idx.msk $0xffff, v49;
	v49 =	vld [tilespmem:s28+$0xA0]  }
0x58: {  	v43 =	vshrl.u32 v50, $0x3;
	v52 =	vadd.s32 v9, v46;
	[tilespmem:v57+s19+$0x0] =	vst.idx.msk $0xffff, v51;
	v51 =	vld [tilespmem:s28+$0xB0]  }
0x59: {  	v43 =	vshll.u32 v43, v1;
	v54 =	vadd.s32 v10, v46;
	[tilespmem:v59+s19+$0x0] =	vst.idx.msk $0xffff, v53;
	v53 =	vld [tilespmem:s28+$0xC0]  }
0x5a: {  	s23 =	sadd.s32 $0xC, s1;
	v43 =	vbroadcast v43, $0x0;
	v56 =	vadd.s32 v11, v46;
	[tilespmem:v60+s19+$0x0] =	vst.idx.msk $0xffff, v55;
	v55 =	vld [tilespmem:s28+$0xD0]  }
0x5b: {  	v58 =	vmov s23;
	v57 =	vadd.s32 v12, v46;
	[tilespmem:v62+s19+$0x0] =	vst.idx.msk $0xffff, v35;
	v35 =	vld [tilespmem:s28+$0xE0]  }
0x5c: {  	v46 =	vshrl.u32 v58, $0x3;
	v59 =	vadd.s32 v13, v43;
	[tilespmem:v48+s19+$0x0] =	vst.idx.msk $0xffff, v36;
	v36 =	vld [tilespmem:s28+$0xF0]  }
0x5d: {  	v46 =	vshll.u32 v46, v1;
	v60 =	vadd.s32 v14, v43;
	[tilespmem:v52+s19+$0x0] =	vst.idx.msk $0xffff, v61;
	v61 =	vld [tilespmem:s28+$0x100]  }
0x5e: {  	v46 =	vbroadcast v46, $0x0;
	v62 =	vadd.s32 v15, v43;
	[tilespmem:v54+s19+$0x0] =	vst.idx.msk $0xffff, v63;
	v63 =	vld [tilespmem:s28+$0x110]  }
0x5f: {  	s29 =	sadd.s32 $0xD, s1;
	v48 =	vadd.s32 v16, v43;
	[tilespmem:v56+s19+$0x0] =	vst.idx.msk $0xffff, v49;
	v49 =	vld [tilespmem:s28+$0x120]  }
0x60: {  	v50 =	vmov s29;
	v52 =	vadd.s32 v17, v46;
	[tilespmem:v57+s19+$0x0] =	vst.idx.msk $0xffff, v51;
	v51 =	vld [tilespmem:s28+$0x130]  }
0x61: {  	s30 =	sadd.s32 $0xE, s1;
	v44 =	vshrl.u32 v50, $0x3;
	v54 =	vadd.s32 v18, v46;
	[tilespmem:v59+s19+$0x0] =	vst.idx.msk $0xffff, v53;
	v53 =	vld [tilespmem:s28+$0x140]  }
0x62: {  	v44 =	vshll.u32 v44, v1;
	v58 =	vmov s30;
	v56 =	vadd.s32 v19, v46;
	[tilespmem:v60+s19+$0x0] =	vst.idx.msk $0xffff, v55;
	v55 =	vld [tilespmem:s28+$0x150]  }
0x63: {  	v44 =	vbroadcast v44, $0x0;
	v57 =	vadd.s32 v20, v46;
	v46 =	vshrl.u32 v58, $0x3;
	[tilespmem:v62+s19+$0x0] =	vst.idx.msk $0xffff, v35;
	v35 =	vld [tilespmem:s28+$0x160]  }
0x64: {  	v46 =	vshll.u32 v46, v1;
	[tilespmem:v48+s19+$0x0] =	vst.idx.msk $0xffff, v36;
	v36 =	vld [tilespmem:s28+$0x170]  }
0x65: {  	v59 =	vadd.s32 v21, v44;
	v46 =	vbroadcast v46, $0x0;
	[tilespmem:v52+s19+$0x0] =	vst.idx.msk $0xffff, v61;
	v61 =	vld [tilespmem:s28+$0x180]  }
0x66: {  	v60 =	vadd.s32 v22, v44;
	[tilespmem:v54+s19+$0x0] =	vst.idx.msk $0xffff, v63;
	v63 =	vld [tilespmem:s28+$0x190]  }
0x67: {  	s31 =	sadd.s32 $0xF, s1;
	v52 =	vadd.s32 v25, v46;
	[tilespmem:v56+s19+$0x0] =	vst.idx.msk $0xffff, v49;
	v49 =	vld [tilespmem:s28+$0x1A0]  }
0x68: {  	v50 =	vmov s31;
	v62 =	vadd.s32 v23, v44;
	[tilespmem:v57+s19+$0x0] =	vst.idx.msk $0xffff, v51;
	v51 =	vld [tilespmem:s28+$0x1B0]  }
0x69: {  	v48 =	vadd.s32 v24, v44;
	v44 =	vshrl.u32 v50, $0x3;
	v54 =	vadd.s32 v26, v46;
	v57 =	vld [tilespmem:s28+$0x1E0]  }
0x6a: {  	v44 =	vshll.u32 v44, v1;
	[tilespmem:v59+s19+$0x0] =	vst.idx.msk $0xffff, v53;
	v53 =	vld [tilespmem:s28+$0x1C0]  }
0x6b: {  	v56 =	vadd.s32 v27, v46;
	v44 =	vbroadcast v44, $0x0;
	v59 =	vld [tilespmem:s28+$0x1F0];
	[tilespmem:v60+s19+$0x0] =	vst.idx.msk $0xffff, v55  }
0x6c: {  	v58 =	vadd.s32 v28, v46;
	v55 =	vld [tilespmem:s28+$0x1D0];
	[tilespmem:v52+s19+$0x0] =	vst.idx.msk $0xffff, v61  }
0x6d: {  	v60 =	vadd.s32 v29, v44;
	[tilespmem:v62+s19+$0x0] =	vst.idx.msk $0xffff, v35  }
0x6e: {  	v61 =	vadd.s32 v30, v44;
	[tilespmem:v54+s19+$0x0] =	vst.idx.msk $0xffff, v63  }
0x6f: {  	v62 =	vadd.s32 v31, v44;
	[tilespmem:v48+s19+$0x0] =	vst.idx.msk $0xffff, v36  }
0x70: {  	p0 =	slt.u32 s1, $0x70;
	v63 =	vadd.s32 v32, v44;
	[tilespmem:v56+s19+$0x0] =	vst.idx.msk $0xffff, v49  }
.Ltmp0:
0x71: {  	[tilespmem:v58+s19+$0x0] =	vst.idx.msk $0xffff, v51;
	(pc) =	sbr.rel @p0 .LBB2_2-.Ltmp0, $4  }
0x72: {  	[tilespmem:v60+s19+$0x0] =	vst.idx.msk $0xffff, v53  }
0x73: {  	[tilespmem:v61+s19+$0x0] =	vst.idx.msk $0xffff, v55  }
0x74: {  	[tilespmem:v62+s19+$0x0] =	vst.idx.msk $0xffff, v57  }
0x75: {  	s1 =	sadd.s32 $0x10, s1;
	s28 =	sadd.s32 $0x400, s28;
	[tilespmem:v63+s19+$0x0] =	vst.idx.msk $0xffff, v59  }
0x76: {  	s0 =	simm.s32 $0xA400  }
0x77: {  	[hbm4b:s8+s4] =	stream.linear.scatter [tilespmem:s0], [sflag:$0x3], $0x80, $0x38;
	[tilespmem:$0x10800] =	vst v63  }
0x78: {  	s6 =	simm.s32 $0xA488;
	s1 =	sadd.s32 $0x10, s8  }
0x79: {  	[hbm4b:s1+s4] =	stream.linear.scatter [tilespmem:s6], [sflag:$0x3], $0x80, $0x38;
	[tilespmem:$0x10800] =	vst v63  }
0x7a: {  	s20 =	simm.s32 $0xA510;
	s23 =	sadd.s32 $0x20, s8;
	s30 =	simm.s32 $0xA598  }
0x7b: {  	[hbm4b:s23+s4] =	stream.linear.scatter [tilespmem:s20], [sflag:$0x3], $0x80, $0x38;
	[tilespmem:$0x10800] =	vst v63  }
0x7c: {  	s31 =	sadd.s32 $0x30, s8;
	s28 =	simm.s32 $0x2200;
	s29 =	simm.s32 $0xA7B8  }
0x7d: {  	[hbm4b:s31+s4] =	stream.linear.scatter [tilespmem:s30], [sflag:$0x3], $0x80, $0x38;
	[tilespmem:$0x10800] =	vst v63  }
0x7e: {  	s0 =	simm.s32 $0x440;
	s1 =	simm.s32 $0xA620;
	s6 =	sadd.s32 $0x40, s8  }
0x7f: {  	[hbm4b:s6+s4] =	stream.linear.scatter [tilespmem:s1], [sflag:$0x3], $0x80, $0x38;
	[tilespmem:$0x10800] =	vst v63  }
0x80: {  	s20 =	simm.s32 $0xA6A8;
	s23 =	sadd.s32 $0x50, s8;
	s30 =	simm.s32 $0xA730  }
0x81: {  	[hbm4b:s23+s4] =	stream.linear.scatter [tilespmem:s20], [sflag:$0x3], $0x80, $0x38;
	[tilespmem:$0x10800] =	vst v63  }
0x82: {  	s31 =	sadd.s32 $0x60, s8;
	s1 =	sadd.s32 $0x1000, s8;
	s20 =	sadd.s32 $0x70, s8  }
0x83: {  	[hbm4b:s31+s4] =	stream.linear.scatter [tilespmem:s30], [sflag:$0x3], $0x80, $0x38;
	[tilespmem:$0x10800] =	vst v63  }
.LBB2_4:
0x84: {  	[hbm4b:s20+s4] =	stream.linear.scatter [tilespmem:s29], [sflag:$0x3], $0x80, $0x38;
	[tilespmem:$0x10800] =	vst v63  }
0x85: {  	s20 =	smov.u32 s0;
	s0 =	smov.u32 s28  }
0x86: {  	s23 =	sadd.s32 $0x1100, s28;
	s0 =	sshra.s32 s0, $0x2;
	s29 =	sadd.s32 $0xA400, s20  }
0x87: {  	[hbm4b:s1+s4] =	stream.linear.scatter [tilespmem:s29], [sflag:$0x3], $0x80, $0x38;
	[tilespmem:$0x10800] =	vst v63  }
0x88: {  	p0 =	sne.s32 s28, $0x7700;
	s28 =	sadd.s32 $0xA488, s20;
	s29 =	sadd.s32 $0x10, s1  }
0x89: {  	[hbm4b:s29+s4] =	stream.linear.scatter [tilespmem:s28], [sflag:$0x3], $0x80, $0x38;
	[tilespmem:$0x10800] =	vst v63  }
0x8a: {  	s28 =	sadd.s32 $0xA510, s20;
	s29 =	sadd.s32 $0x20, s1  }
0x8b: {  	[hbm4b:s29+s4] =	stream.linear.scatter [tilespmem:s28], [sflag:$0x3], $0x80, $0x38;
	[tilespmem:$0x10800] =	vst v63  }
0x8c: {  	s28 =	sadd.s32 $0xA598, s20;
	s29 =	sadd.s32 $0x30, s1  }
0x8d: {  	[hbm4b:s29+s4] =	stream.linear.scatter [tilespmem:s28], [sflag:$0x3], $0x80, $0x38;
	[tilespmem:$0x10800] =	vst v63  }
0x8e: {  	s28 =	sadd.s32 $0xA620, s20;
	s29 =	sadd.s32 $0x40, s1  }
0x8f: {  	[hbm4b:s29+s4] =	stream.linear.scatter [tilespmem:s28], [sflag:$0x3], $0x80, $0x38;
	[tilespmem:$0x10800] =	vst v63  }
0x90: {  	s28 =	sadd.s32 $0xA6A8, s20;
	s29 =	sadd.s32 $0x50, s1  }
0x91: {  	[hbm4b:s29+s4] =	stream.linear.scatter [tilespmem:s28], [sflag:$0x3], $0x80, $0x38;
	[tilespmem:$0x10800] =	vst v63  }
.Ltmp1:
0x92: {  	_ = 	snop;
	(pc) =	sbr.rel @p0 .LBB2_4-.Ltmp1, $4  }
0x93: {  	s28 =	sadd.s32 $0xA730, s20;
	s29 =	sadd.s32 $0x60, s1  }
0x94: {  	[hbm4b:s29+s4] =	stream.linear.scatter [tilespmem:s28], [sflag:$0x3], $0x80, $0x38;
	[tilespmem:$0x10800] =	vst v63  }
0x95: {  	s29 =	sadd.s32 $0xA7B8, s20  }
0x96: {  	s20 =	sadd.s32 $0x70, s1;
	s1 =	sadd.s32 $0x1000, s1;
	s28 =	smov.u32 s23  }
0x97: {  	[hbm4b:s20+s4] =	stream.linear.scatter [tilespmem:s29], [sflag:$0x3], $0x80, $0x38;
	[tilespmem:$0x10800] =	vst v63  }
0x98: {  	s29 =	sadd.s32 $0xA400, s0  }
0x99: {  	[hbm4b:s1+s4] =	stream.linear.scatter [tilespmem:s29], [sflag:$0x3], $0x80, $0x38;
	[tilespmem:$0x10800] =	vst v63  }
0x9a: {  	s30 =	sadd.s32 $0xA488, s0;
	s23 =	sadd.s32 $0x10, s1  }
0x9b: {  	[hbm4b:s23+s4] =	stream.linear.scatter [tilespmem:s30], [sflag:$0x3], $0x80, $0x38;
	[tilespmem:$0x10800] =	vst v63  }
0x9c: {  	s31 =	sadd.s32 $0xA510, s0;
	s6 =	sadd.s32 $0x20, s1  }
0x9d: {  	[hbm4b:s6+s4] =	stream.linear.scatter [tilespmem:s31], [sflag:$0x3], $0x80, $0x38;
	[tilespmem:$0x10800] =	vst v63  }
0x9e: {  	s29 =	sadd.s32 $0xA598, s0;
	s30 =	sadd.s32 $0x30, s1  }
0x9f: {  	[hbm4b:s30+s4] =	stream.linear.scatter [tilespmem:s29], [sflag:$0x3], $0x80, $0x38;
	[tilespmem:$0x10800] =	vst v63  }
0xa0: {  	s31 =	sadd.s32 $0xA620, s0;
	s6 =	sadd.s32 $0x40, s1  }
0xa1: {  	[hbm4b:s6+s4] =	stream.linear.scatter [tilespmem:s31], [sflag:$0x3], $0x80, $0x38;
	[tilespmem:$0x10800] =	vst v63  }
0xa2: {  	s29 =	sadd.s32 $0xA6A8, s0;
	s30 =	sadd.s32 $0x50, s1  }
0xa3: {  	[hbm4b:s30+s4] =	stream.linear.scatter [tilespmem:s29], [sflag:$0x3], $0x80, $0x38;
	[tilespmem:$0x10800] =	vst v63  }
0xa4: {  	s31 =	sadd.s32 $0xA730, s0;
	s6 =	sadd.s32 $0x60, s1  }
0xa5: {  	[hbm4b:s6+s4] =	stream.linear.scatter [tilespmem:s31], [sflag:$0x3], $0x80, $0x38;
	[tilespmem:$0x10800] =	vst v63  }
0xa6: {  	s29 =	sadd.s32 $0xA7B8, s0;
	s30 =	sadd.s32 $0x70, s1  }
0xa7: {  	[hbm4b:s30+s4] =	stream.linear.scatter [tilespmem:s29], [sflag:$0x3], $0x80, $0x38;
	[tilespmem:$0x10800] =	vst v63  }
0xa8: {  	s31 =	simm.s32 $0x100  }
0xa9: {  	[tilespmem:s15], [sflag:$0x1] =	stream.indirect.gather [spmem:s3], $0x40, s31, s16, $0xb8;
	[tilespmem:$0x10800] =	vst v63  }
0xaa: {  	_ =	swait.ge [sflag:s21], $0x2000  }
0xab: {  	[sflag:s21] =	ssyncset.done $0x0  }
0xac: {  	s28 =	simm.s32 $0x0;
	s1 =	simm.s32 $0x8600;
	[sflag:s21] =	ssyncadd.s32 $0xFFFFE000  }
.LBB2_6:
0xad: {  	v34 =	vld [tilespmem:s1+$0xFFFFFE00]  }
0xae: {  	v35 =	vld [tilespmem:s1+$0xFFFFFE10]  }
0xaf: {  	v33 =	vmov s28;
	v36 =	vld [tilespmem:s1+$0xFFFFFE20]  }
0xb0: {  	v38 =	vld [tilespmem:s1+$0xFFFFFE30];
	v33 =	vshrl.u32 v33, $0x3  }
0xb1: {  	v40 =	vld [tilespmem:s1+$0xFFFFFE40];
	s30 =	sadd.s32 $0x2, s28;
	v33 =	vshll.u32 v33, v1  }
0xb2: {  	v42 =	vld [tilespmem:s1+$0xFFFFFE50];
	v45 =	vmov s30;
	v33 =	vbroadcast v33, $0x0  }
0xb3: {  	v44 =	vld [tilespmem:s1+$0xFFFFFE60];
	v45 =	vshrl.u32 v45, $0x3  }
0xb4: {  	s0 =	sadd.s32 $0x1, s28;
	v46 =	vld [tilespmem:s1+$0xFFFFFE70];
	v45 =	vshll.u32 v45, v1;
	v39 =	vadd.s32 v0, v33  }
0xb5: {  	v61 =	vld [tilespmem:s1+$0xFFFFFE80];
	v37 =	vmov s0;
	v45 =	vbroadcast v45, $0x0;
	v41 =	vadd.s32 v2, v33  }
0xb6: {  	v63 =	vld [tilespmem:s1+$0xFFFFFE90];
	v37 =	vshrl.u32 v37, $0x3;
	v43 =	vadd.s32 v3, v33  }
0xb7: {  	v49 =	vld [tilespmem:s1+$0xFFFFFEA0];
	v37 =	vshll.u32 v37, v1;
	v52 =	vadd.s32 v9, v45  }
0xb8: {  	v51 =	vld [tilespmem:s1+$0xFFFFFEB0];
	v37 =	vbroadcast v37, $0x0;
	v33 =	vadd.s32 v4, v33  }
0xb9: {  	v53 =	vld [tilespmem:s1+$0xFFFFFEC0];
	v54 =	vadd.s32 v10, v45;
	[tilespmem:v39+s22+$0x0] =	vst.idx.msk $0xffff, v34  }
0xba: {  	s31 =	sadd.s32 $0x3, s28;
	v55 =	vld [tilespmem:s1+$0xFFFFFED0];
	v47 =	vadd.s32 v5, v37;
	[tilespmem:v41+s22+$0x0] =	vst.idx.msk $0xffff, v35  }
0xbb: {  	v50 =	vmov s31;
	v56 =	vadd.s32 v11, v45;
	v35 =	vld [tilespmem:s1+$0xFFFFFEE0];
	[tilespmem:v43+s22+$0x0] =	vst.idx.msk $0xffff, v36  }
0xbc: {  	v60 =	vadd.s32 v6, v37;
	v43 =	vshrl.u32 v50, $0x3;
	v36 =	vld [tilespmem:s1+$0xFFFFFEF0];
	[tilespmem:v52+s22+$0x0] =	vst.idx.msk $0xffff, v61  }
0xbd: {  	v62 =	vadd.s32 v7, v37;
	[tilespmem:v33+s22+$0x0] =	vst.idx.msk $0xffff, v38;
	v43 =	vshll.u32 v43, v1  }
0xbe: {  	s6 =	sadd.s32 $0x4, s28;
	v48 =	vadd.s32 v8, v37;
	[tilespmem:v54+s22+$0x0] =	vst.idx.msk $0xffff, v63;
	v43 =	vbroadcast v43, $0x0  }
0xbf: {  	v58 =	vmov s6;
	v57 =	vadd.s32 v12, v45;
	[tilespmem:v47+s22+$0x0] =	vst.idx.msk $0xffff, v40  }
0xc0: {  	v45 =	vshrl.u32 v58, $0x3;
	[tilespmem:v56+s22+$0x0] =	vst.idx.msk $0xffff, v49;
	v59 =	vadd.s32 v13, v43  }
0xc1: {  	v45 =	vshll.u32 v45, v1;
	v61 =	vld [tilespmem:s1+$0xFFFFFF00];
	[tilespmem:v60+s22+$0x0] =	vst.idx.msk $0xffff, v42;
	v60 =	vadd.s32 v14, v43  }
0xc2: {  	s20 =	sadd.s32 $0x5, s28;
	v45 =	vbroadcast v45, $0x0;
	v63 =	vld [tilespmem:s1+$0xFFFFFF10];
	[tilespmem:v62+s22+$0x0] =	vst.idx.msk $0xffff, v44;
	v62 =	vadd.s32 v15, v43  }
0xc3: {  	v50 =	vmov s20;
	v49 =	vld [tilespmem:s1+$0xFFFFFF20];
	[tilespmem:v48+s22+$0x0] =	vst.idx.msk $0xffff, v46;
	v48 =	vadd.s32 v16, v43  }
0xc4: {  	v52 =	vadd.s32 v17, v45;
	[tilespmem:v57+s22+$0x0] =	vst.idx.msk $0xffff, v51;
	v51 =	vld [tilespmem:s1+$0xFFFFFF30];
	v43 =	vshrl.u32 v50, $0x3  }
0xc5: {  	v54 =	vadd.s32 v18, v45;
	v43 =	vshll.u32 v43, v1;
	[tilespmem:v59+s22+$0x0] =	vst.idx.msk $0xffff, v53;
	v53 =	vld [tilespmem:s1+$0xFFFFFF40]  }
0xc6: {  	s23 =	sadd.s32 $0x6, s28;
	v56 =	vadd.s32 v19, v45;
	v43 =	vbroadcast v43, $0x0;
	[tilespmem:v60+s22+$0x0] =	vst.idx.msk $0xffff, v55;
	v55 =	vld [tilespmem:s1+$0xFFFFFF50]  }
0xc7: {  	v58 =	vmov s23;
	v57 =	vadd.s32 v20, v45;
	[tilespmem:v62+s22+$0x0] =	vst.idx.msk $0xffff, v35;
	v35 =	vld [tilespmem:s1+$0xFFFFFF60]  }
0xc8: {  	v45 =	vshrl.u32 v58, $0x3;
	v59 =	vadd.s32 v21, v43;
	[tilespmem:v48+s22+$0x0] =	vst.idx.msk $0xffff, v36;
	v36 =	vld [tilespmem:s1+$0xFFFFFF70]  }
0xc9: {  	v45 =	vshll.u32 v45, v1;
	v60 =	vadd.s32 v22, v43;
	[tilespmem:v52+s22+$0x0] =	vst.idx.msk $0xffff, v61;
	v61 =	vld [tilespmem:s1+$0xFFFFFF80]  }
0xca: {  	s29 =	sadd.s32 $0x7, s28;
	v45 =	vbroadcast v45, $0x0;
	v62 =	vadd.s32 v23, v43;
	[tilespmem:v54+s22+$0x0] =	vst.idx.msk $0xffff, v63;
	v63 =	vld [tilespmem:s1+$0xFFFFFF90]  }
0xcb: {  	v50 =	vmov s29;
	v48 =	vadd.s32 v24, v43;
	[tilespmem:v56+s22+$0x0] =	vst.idx.msk $0xffff, v49;
	v49 =	vld [tilespmem:s1+$0xFFFFFFA0]  }
0xcc: {  	v52 =	vadd.s32 v25, v45;
	v43 =	vshrl.u32 v50, $0x3;
	[tilespmem:v57+s22+$0x0] =	vst.idx.msk $0xffff, v51;
	v51 =	vld [tilespmem:s1+$0xFFFFFFB0]  }
0xcd: {  	v54 =	vadd.s32 v26, v45;
	v43 =	vshll.u32 v43, v1;
	v57 =	vld [tilespmem:s1+$0xFFFFFFE0];
	[tilespmem:v59+s22+$0x0] =	vst.idx.msk $0xffff, v53  }
0xce: {  	s30 =	sadd.s32 $0x8, s28;
	v56 =	vadd.s32 v27, v45;
	v43 =	vbroadcast v43, $0x0;
	v53 =	vld [tilespmem:s1+$0xFFFFFFC0];
	[tilespmem:v60+s22+$0x0] =	vst.idx.msk $0xffff, v55  }
0xcf: {  	v58 =	vmov s30;
	v45 =	vadd.s32 v28, v45;
	v55 =	vld [tilespmem:s1+$0xFFFFFFD0];
	[tilespmem:v62+s22+$0x0] =	vst.idx.msk $0xffff, v35  }
0xd0: {  	v46 =	vshrl.u32 v58, $0x3;
	v59 =	vadd.s32 v29, v43;
	v35 =	vld [tilespmem:s1+$0x60];
	[tilespmem:v48+s22+$0x0] =	vst.idx.msk $0xffff, v36  }
0xd1: {  	v46 =	vshll.u32 v46, v1;
	v60 =	vadd.s32 v30, v43;
	v36 =	vld [tilespmem:s1+$0xFFFFFFF0];
	[tilespmem:v52+s22+$0x0] =	vst.idx.msk $0xffff, v61  }
0xd2: {  	s31 =	sadd.s32 $0x9, s28;
	v46 =	vbroadcast v46, $0x0;
	v62 =	vadd.s32 v31, v43;
	v61 =	vld [tilespmem:s1+$0x0];
	[tilespmem:v54+s22+$0x0] =	vst.idx.msk $0xffff, v63  }
0xd3: {  	v50 =	vmov s31;
	v48 =	vadd.s32 v32, v43;
	v63 =	vld [tilespmem:s1+$0x10];
	[tilespmem:v56+s22+$0x0] =	vst.idx.msk $0xffff, v49  }
0xd4: {  	v52 =	vadd.s32 v0, v46;
	v43 =	vshrl.u32 v50, $0x3;
	v49 =	vld [tilespmem:s1+$0x20];
	[tilespmem:v45+s22+$0x0] =	vst.idx.msk $0xffff, v51  }
0xd5: {  	v54 =	vadd.s32 v2, v46;
	v43 =	vshll.u32 v43, v1;
	v51 =	vld [tilespmem:s1+$0x30];
	[tilespmem:v59+s22+$0x0] =	vst.idx.msk $0xffff, v53  }
0xd6: {  	s6 =	sadd.s32 $0xA, s28;
	v56 =	vadd.s32 v3, v46;
	v43 =	vbroadcast v43, $0x0;
	v53 =	vld [tilespmem:s1+$0x40];
	[tilespmem:v60+s22+$0x0] =	vst.idx.msk $0xffff, v55  }
0xd7: {  	v58 =	vmov s6;
	v55 =	vld [tilespmem:s1+$0x50];
	[tilespmem:v62+s22+$0x0] =	vst.idx.msk $0xffff, v57;
	v57 =	vadd.s32 v4, v46  }
0xd8: {  	v59 =	vadd.s32 v5, v43;
	v46 =	vshrl.u32 v58, $0x3;
	[tilespmem:v48+s22+$0x0] =	vst.idx.msk $0xffff, v36;
	v36 =	vld [tilespmem:s1+$0x70]  }
0xd9: {  	v60 =	vadd.s32 v6, v43;
	[tilespmem:v52+s22+$0x0] =	vst.idx.msk $0xffff, v61;
	v61 =	vld [tilespmem:s1+$0x80];
	v46 =	vshll.u32 v46, v1  }
0xda: {  	s20 =	sadd.s32 $0xB, s28;
	v62 =	vadd.s32 v7, v43;
	[tilespmem:v54+s22+$0x0] =	vst.idx.msk $0xffff, v63;
	v63 =	vld [tilespmem:s1+$0x90];
	v46 =	vbroadcast v46, $0x0  }
0xdb: {  	v50 =	vmov s20;
	v48 =	vadd.s32 v8, v43;
	[tilespmem:v56+s22+$0x0] =	vst.idx.msk $0xffff, v49;
	v49 =	vld [tilespmem:s1+$0xA0]  }
0xdc: {  	v43 =	vshrl.u32 v50, $0x3;
	v52 =	vadd.s32 v9, v46;
	[tilespmem:v57+s22+$0x0] =	vst.idx.msk $0xffff, v51;
	v51 =	vld [tilespmem:s1+$0xB0]  }
0xdd: {  	v43 =	vshll.u32 v43, v1;
	v54 =	vadd.s32 v10, v46;
	[tilespmem:v59+s22+$0x0] =	vst.idx.msk $0xffff, v53;
	v53 =	vld [tilespmem:s1+$0xC0]  }
0xde: {  	s23 =	sadd.s32 $0xC, s28;
	v43 =	vbroadcast v43, $0x0;
	v56 =	vadd.s32 v11, v46;
	[tilespmem:v60+s22+$0x0] =	vst.idx.msk $0xffff, v55;
	v55 =	vld [tilespmem:s1+$0xD0]  }
0xdf: {  	v58 =	vmov s23;
	v57 =	vadd.s32 v12, v46;
	[tilespmem:v62+s22+$0x0] =	vst.idx.msk $0xffff, v35;
	v35 =	vld [tilespmem:s1+$0xE0]  }
0xe0: {  	v46 =	vshrl.u32 v58, $0x3;
	v59 =	vadd.s32 v13, v43;
	[tilespmem:v48+s22+$0x0] =	vst.idx.msk $0xffff, v36;
	v36 =	vld [tilespmem:s1+$0xF0]  }
0xe1: {  	v46 =	vshll.u32 v46, v1;
	v60 =	vadd.s32 v14, v43;
	[tilespmem:v52+s22+$0x0] =	vst.idx.msk $0xffff, v61;
	v61 =	vld [tilespmem:s1+$0x100]  }
0xe2: {  	v46 =	vbroadcast v46, $0x0;
	v62 =	vadd.s32 v15, v43;
	[tilespmem:v54+s22+$0x0] =	vst.idx.msk $0xffff, v63;
	v63 =	vld [tilespmem:s1+$0x110]  }
0xe3: {  	s29 =	sadd.s32 $0xD, s28;
	v48 =	vadd.s32 v16, v43;
	[tilespmem:v56+s22+$0x0] =	vst.idx.msk $0xffff, v49;
	v49 =	vld [tilespmem:s1+$0x120]  }
0xe4: {  	v50 =	vmov s29;
	v52 =	vadd.s32 v17, v46;
	[tilespmem:v57+s22+$0x0] =	vst.idx.msk $0xffff, v51;
	v51 =	vld [tilespmem:s1+$0x130]  }
0xe5: {  	s30 =	sadd.s32 $0xE, s28;
	v44 =	vshrl.u32 v50, $0x3;
	v54 =	vadd.s32 v18, v46;
	[tilespmem:v59+s22+$0x0] =	vst.idx.msk $0xffff, v53;
	v53 =	vld [tilespmem:s1+$0x140]  }
0xe6: {  	v44 =	vshll.u32 v44, v1;
	v58 =	vmov s30;
	v56 =	vadd.s32 v19, v46;
	[tilespmem:v60+s22+$0x0] =	vst.idx.msk $0xffff, v55;
	v55 =	vld [tilespmem:s1+$0x150]  }
0xe7: {  	v44 =	vbroadcast v44, $0x0;
	v57 =	vadd.s32 v20, v46;
	v46 =	vshrl.u32 v58, $0x3;
	[tilespmem:v62+s22+$0x0] =	vst.idx.msk $0xffff, v35;
	v35 =	vld [tilespmem:s1+$0x160]  }
0xe8: {  	v46 =	vshll.u32 v46, v1;
	[tilespmem:v48+s22+$0x0] =	vst.idx.msk $0xffff, v36;
	v36 =	vld [tilespmem:s1+$0x170]  }
0xe9: {  	v59 =	vadd.s32 v21, v44;
	v46 =	vbroadcast v46, $0x0;
	[tilespmem:v52+s22+$0x0] =	vst.idx.msk $0xffff, v61;
	v61 =	vld [tilespmem:s1+$0x180]  }
0xea: {  	v60 =	vadd.s32 v22, v44;
	[tilespmem:v54+s22+$0x0] =	vst.idx.msk $0xffff, v63;
	v63 =	vld [tilespmem:s1+$0x190]  }
0xeb: {  	s31 =	sadd.s32 $0xF, s28;
	v52 =	vadd.s32 v25, v46;
	[tilespmem:v56+s22+$0x0] =	vst.idx.msk $0xffff, v49;
	v49 =	vld [tilespmem:s1+$0x1A0]  }
0xec: {  	v50 =	vmov s31;
	v62 =	vadd.s32 v23, v44;
	[tilespmem:v57+s22+$0x0] =	vst.idx.msk $0xffff, v51;
	v51 =	vld [tilespmem:s1+$0x1B0]  }
0xed: {  	v48 =	vadd.s32 v24, v44;
	v44 =	vshrl.u32 v50, $0x3;
	v54 =	vadd.s32 v26, v46;
	v57 =	vld [tilespmem:s1+$0x1E0]  }
0xee: {  	v44 =	vshll.u32 v44, v1;
	[tilespmem:v59+s22+$0x0] =	vst.idx.msk $0xffff, v53;
	v53 =	vld [tilespmem:s1+$0x1C0]  }
0xef: {  	v56 =	vadd.s32 v27, v46;
	v44 =	vbroadcast v44, $0x0;
	v59 =	vld [tilespmem:s1+$0x1F0];
	[tilespmem:v60+s22+$0x0] =	vst.idx.msk $0xffff, v55  }
0xf0: {  	v58 =	vadd.s32 v28, v46;
	v55 =	vld [tilespmem:s1+$0x1D0];
	[tilespmem:v52+s22+$0x0] =	vst.idx.msk $0xffff, v61  }
0xf1: {  	v60 =	vadd.s32 v29, v44;
	[tilespmem:v62+s22+$0x0] =	vst.idx.msk $0xffff, v35  }
0xf2: {  	v61 =	vadd.s32 v30, v44;
	[tilespmem:v54+s22+$0x0] =	vst.idx.msk $0xffff, v63  }
0xf3: {  	v62 =	vadd.s32 v31, v44;
	[tilespmem:v48+s22+$0x0] =	vst.idx.msk $0xffff, v36  }
0xf4: {  	p0 =	slt.u32 s28, $0x70;
	v63 =	vadd.s32 v32, v44;
	[tilespmem:v56+s22+$0x0] =	vst.idx.msk $0xffff, v49  }
.Ltmp2:
0xf5: {  	[tilespmem:v58+s22+$0x0] =	vst.idx.msk $0xffff, v51;
	(pc) =	sbr.rel @p0 .LBB2_6-.Ltmp2, $4  }
0xf6: {  	[tilespmem:v60+s22+$0x0] =	vst.idx.msk $0xffff, v53  }
0xf7: {  	[tilespmem:v61+s22+$0x0] =	vst.idx.msk $0xffff, v55  }
0xf8: {  	[tilespmem:v62+s22+$0x0] =	vst.idx.msk $0xffff, v57  }
0xf9: {  	s28 =	sadd.s32 $0x10, s28;
	s1 =	sadd.s32 $0x400, s1;
	[tilespmem:v63+s22+$0x0] =	vst.idx.msk $0xffff, v59  }
0xfa: {  	s0 =	simm.s32 $0xC600  }
0xfb: {  	[hbm4b:s10+s4] =	stream.linear.scatter [tilespmem:s0], [sflag:$0x4], $0x80, $0x38;
	[tilespmem:$0x10800] =	vst v63  }
0xfc: {  	s6 =	simm.s32 $0xC688;
	s1 =	sadd.s32 $0x10, s10  }
0xfd: {  	[hbm4b:s1+s4] =	stream.linear.scatter [tilespmem:s6], [sflag:$0x4], $0x80, $0x38;
	[tilespmem:$0x10800] =	vst v63  }
0xfe: {  	s20 =	simm.s32 $0xC710;
	s23 =	sadd.s32 $0x20, s10;
	s30 =	simm.s32 $0xC798  }
0xff: {  	[hbm4b:s23+s4] =	stream.linear.scatter [tilespmem:s20], [sflag:$0x4], $0x80, $0x38;
	[tilespmem:$0x10800] =	vst v63  }
0x100: {  	s31 =	sadd.s32 $0x30, s10;
	s28 =	simm.s32 $0x2200;
	s29 =	simm.s32 $0xC9B8  }
0x101: {  	[hbm4b:s31+s4] =	stream.linear.scatter [tilespmem:s30], [sflag:$0x4], $0x80, $0x38;
	[tilespmem:$0x10800] =	vst v63  }
0x102: {  	s0 =	simm.s32 $0x440;
	s1 =	simm.s32 $0xC820;
	s6 =	sadd.s32 $0x40, s10  }
0x103: {  	[hbm4b:s6+s4] =	stream.linear.scatter [tilespmem:s1], [sflag:$0x4], $0x80, $0x38;
	[tilespmem:$0x10800] =	vst v63  }
0x104: {  	s20 =	simm.s32 $0xC8A8;
	s23 =	sadd.s32 $0x50, s10;
	s30 =	simm.s32 $0xC930  }
0x105: {  	[hbm4b:s23+s4] =	stream.linear.scatter [tilespmem:s20], [sflag:$0x4], $0x80, $0x38;
	[tilespmem:$0x10800] =	vst v63  }
0x106: {  	s31 =	sadd.s32 $0x60, s10;
	s1 =	sadd.s32 $0x1000, s10;
	s20 =	sadd.s32 $0x70, s10  }
0x107: {  	[hbm4b:s31+s4] =	stream.linear.scatter [tilespmem:s30], [sflag:$0x4], $0x80, $0x38;
	[tilespmem:$0x10800] =	vst v63  }
.LBB2_8:
0x108: {  	[hbm4b:s20+s4] =	stream.linear.scatter [tilespmem:s29], [sflag:$0x4], $0x80, $0x38;
	[tilespmem:$0x10800] =	vst v63  }
0x109: {  	s20 =	smov.u32 s0;
	s0 =	smov.u32 s28  }
0x10a: {  	s23 =	sadd.s32 $0x1100, s28;
	s0 =	sshra.s32 s0, $0x2;
	s29 =	sadd.s32 $0xC600, s20  }
0x10b: {  	[hbm4b:s1+s4] =	stream.linear.scatter [tilespmem:s29], [sflag:$0x4], $0x80, $0x38;
	[tilespmem:$0x10800] =	vst v63  }
0x10c: {  	p0 =	sne.s32 s28, $0x7700;
	s28 =	sadd.s32 $0xC688, s20;
	s29 =	sadd.s32 $0x10, s1  }
0x10d: {  	[hbm4b:s29+s4] =	stream.linear.scatter [tilespmem:s28], [sflag:$0x4], $0x80, $0x38;
	[tilespmem:$0x10800] =	vst v63  }
0x10e: {  	s28 =	sadd.s32 $0xC710, s20;
	s29 =	sadd.s32 $0x20, s1  }
0x10f: {  	[hbm4b:s29+s4] =	stream.linear.scatter [tilespmem:s28], [sflag:$0x4], $0x80, $0x38;
	[tilespmem:$0x10800] =	vst v63  }
0x110: {  	s28 =	sadd.s32 $0xC798, s20;
	s29 =	sadd.s32 $0x30, s1  }
0x111: {  	[hbm4b:s29+s4] =	stream.linear.scatter [tilespmem:s28], [sflag:$0x4], $0x80, $0x38;
	[tilespmem:$0x10800] =	vst v63  }
0x112: {  	s28 =	sadd.s32 $0xC820, s20;
	s29 =	sadd.s32 $0x40, s1  }
0x113: {  	[hbm4b:s29+s4] =	stream.linear.scatter [tilespmem:s28], [sflag:$0x4], $0x80, $0x38;
	[tilespmem:$0x10800] =	vst v63  }
0x114: {  	s28 =	sadd.s32 $0xC8A8, s20;
	s29 =	sadd.s32 $0x50, s1  }
0x115: {  	[hbm4b:s29+s4] =	stream.linear.scatter [tilespmem:s28], [sflag:$0x4], $0x80, $0x38;
	[tilespmem:$0x10800] =	vst v63  }
.Ltmp3:
0x116: {  	_ = 	snop;
	(pc) =	sbr.rel @p0 .LBB2_8-.Ltmp3, $4  }
0x117: {  	s28 =	sadd.s32 $0xC930, s20;
	s29 =	sadd.s32 $0x60, s1  }
0x118: {  	[hbm4b:s29+s4] =	stream.linear.scatter [tilespmem:s28], [sflag:$0x4], $0x80, $0x38;
	[tilespmem:$0x10800] =	vst v63  }
0x119: {  	s29 =	sadd.s32 $0xC9B8, s20  }
0x11a: {  	s20 =	sadd.s32 $0x70, s1;
	s1 =	sadd.s32 $0x1000, s1;
	s28 =	smov.u32 s23  }
0x11b: {  	[hbm4b:s20+s4] =	stream.linear.scatter [tilespmem:s29], [sflag:$0x4], $0x80, $0x38;
	[tilespmem:$0x10800] =	vst v63  }
0x11c: {  	s29 =	sadd.s32 $0xC600, s0  }
0x11d: {  	[hbm4b:s1+s4] =	stream.linear.scatter [tilespmem:s29], [sflag:$0x4], $0x80, $0x38;
	[tilespmem:$0x10800] =	vst v63  }
0x11e: {  	s30 =	sadd.s32 $0xC688, s0;
	s23 =	sadd.s32 $0x10, s1  }
0x11f: {  	[hbm4b:s23+s4] =	stream.linear.scatter [tilespmem:s30], [sflag:$0x4], $0x80, $0x38;
	[tilespmem:$0x10800] =	vst v63  }
0x120: {  	s31 =	sadd.s32 $0xC710, s0;
	s6 =	sadd.s32 $0x20, s1  }
0x121: {  	[hbm4b:s6+s4] =	stream.linear.scatter [tilespmem:s31], [sflag:$0x4], $0x80, $0x38;
	[tilespmem:$0x10800] =	vst v63  }
0x122: {  	s29 =	sadd.s32 $0xC798, s0;
	s30 =	sadd.s32 $0x30, s1  }
0x123: {  	[hbm4b:s30+s4] =	stream.linear.scatter [tilespmem:s29], [sflag:$0x4], $0x80, $0x38;
	[tilespmem:$0x10800] =	vst v63  }
0x124: {  	s31 =	sadd.s32 $0xC820, s0;
	s6 =	sadd.s32 $0x40, s1  }
0x125: {  	[hbm4b:s6+s4] =	stream.linear.scatter [tilespmem:s31], [sflag:$0x4], $0x80, $0x38;
	[tilespmem:$0x10800] =	vst v63  }
0x126: {  	s29 =	sadd.s32 $0xC8A8, s0;
	s30 =	sadd.s32 $0x50, s1  }
0x127: {  	[hbm4b:s30+s4] =	stream.linear.scatter [tilespmem:s29], [sflag:$0x4], $0x80, $0x38;
	[tilespmem:$0x10800] =	vst v63  }
0x128: {  	s31 =	sadd.s32 $0xC930, s0;
	s6 =	sadd.s32 $0x60, s1  }
0x129: {  	[hbm4b:s6+s4] =	stream.linear.scatter [tilespmem:s31], [sflag:$0x4], $0x80, $0x38;
	[tilespmem:$0x10800] =	vst v63  }
0x12a: {  	s29 =	sadd.s32 $0xC9B8, s0;
	s30 =	sadd.s32 $0x70, s1  }
0x12b: {  	[hbm4b:s30+s4] =	stream.linear.scatter [tilespmem:s29], [sflag:$0x4], $0x80, $0x38;
	[tilespmem:$0x10800] =	vst v63  }
0x12c: {  	s28 =	simm.s32 $0x1;
	s31 =	simm.s32 $0x180  }
0x12d: {  	[tilespmem:s17], [sflag:$0x2] =	stream.indirect.gather [spmem:s3], $0x40, s31, s16, $0xb8;
	[tilespmem:$0x10800] =	vst v63  }
.LBB2_10:
0x12e: {  	_ =	swait.ge [sflag:s18], $0x2000  }
0x12f: {  	[sflag:s18] =	ssyncset.done $0x0  }
0x130: {  	[sflag:s18] =	ssyncadd.s32 $0xFFFFE000  }
0x131: {  	_ =	swait.ge [sflag:s24], $0x2000  }
0x132: {  	[sflag:s24] =	ssyncset.done $0x0  }
0x133: {  	s29 =	simm.s32 $0x0;
	s1 =	simm.s32 $0x6600;
	[sflag:s24] =	ssyncadd.s32 $0xFFFFE000  }
.LBB2_11:
0x134: {  	v34 =	vld [tilespmem:s1+$0xFFFFFE00]  }
0x135: {  	v35 =	vld [tilespmem:s1+$0xFFFFFE10]  }
0x136: {  	v33 =	vmov s29;
	v36 =	vld [tilespmem:s1+$0xFFFFFE20]  }
0x137: {  	v38 =	vld [tilespmem:s1+$0xFFFFFE30];
	v33 =	vshrl.u32 v33, $0x3  }
0x138: {  	v40 =	vld [tilespmem:s1+$0xFFFFFE40];
	s20 =	sadd.s32 $0x2, s29;
	v33 =	vshll.u32 v33, v1  }
0x139: {  	v42 =	vld [tilespmem:s1+$0xFFFFFE50];
	v45 =	vmov s20;
	v33 =	vbroadcast v33, $0x0  }
0x13a: {  	v44 =	vld [tilespmem:s1+$0xFFFFFE60];
	v45 =	vshrl.u32 v45, $0x3  }
0x13b: {  	s0 =	sadd.s32 $0x1, s29;
	v46 =	vld [tilespmem:s1+$0xFFFFFE70];
	v45 =	vshll.u32 v45, v1;
	v39 =	vadd.s32 v0, v33  }
0x13c: {  	v61 =	vld [tilespmem:s1+$0xFFFFFE80];
	v37 =	vmov s0;
	v45 =	vbroadcast v45, $0x0;
	v41 =	vadd.s32 v2, v33  }
0x13d: {  	v63 =	vld [tilespmem:s1+$0xFFFFFE90];
	v37 =	vshrl.u32 v37, $0x3;
	v43 =	vadd.s32 v3, v33  }
0x13e: {  	v49 =	vld [tilespmem:s1+$0xFFFFFEA0];
	v37 =	vshll.u32 v37, v1;
	v52 =	vadd.s32 v9, v45  }
0x13f: {  	v51 =	vld [tilespmem:s1+$0xFFFFFEB0];
	v37 =	vbroadcast v37, $0x0;
	v33 =	vadd.s32 v4, v33  }
0x140: {  	v53 =	vld [tilespmem:s1+$0xFFFFFEC0];
	v54 =	vadd.s32 v10, v45;
	[tilespmem:v39+s19+$0x0] =	vst.idx.msk $0xffff, v34  }
0x141: {  	s23 =	sadd.s32 $0x3, s29;
	v55 =	vld [tilespmem:s1+$0xFFFFFED0];
	v47 =	vadd.s32 v5, v37;
	[tilespmem:v41+s19+$0x0] =	vst.idx.msk $0xffff, v35  }
0x142: {  	v50 =	vmov s23;
	v56 =	vadd.s32 v11, v45;
	v35 =	vld [tilespmem:s1+$0xFFFFFEE0];
	[tilespmem:v43+s19+$0x0] =	vst.idx.msk $0xffff, v36  }
0x143: {  	v60 =	vadd.s32 v6, v37;
	v43 =	vshrl.u32 v50, $0x3;
	v36 =	vld [tilespmem:s1+$0xFFFFFEF0];
	[tilespmem:v52+s19+$0x0] =	vst.idx.msk $0xffff, v61  }
0x144: {  	v62 =	vadd.s32 v7, v37;
	[tilespmem:v33+s19+$0x0] =	vst.idx.msk $0xffff, v38;
	v43 =	vshll.u32 v43, v1  }
0x145: {  	s30 =	sadd.s32 $0x4, s29;
	v48 =	vadd.s32 v8, v37;
	[tilespmem:v54+s19+$0x0] =	vst.idx.msk $0xffff, v63;
	v43 =	vbroadcast v43, $0x0  }
0x146: {  	v58 =	vmov s30;
	v57 =	vadd.s32 v12, v45;
	[tilespmem:v47+s19+$0x0] =	vst.idx.msk $0xffff, v40  }
0x147: {  	v45 =	vshrl.u32 v58, $0x3;
	[tilespmem:v56+s19+$0x0] =	vst.idx.msk $0xffff, v49;
	v59 =	vadd.s32 v13, v43  }
0x148: {  	v45 =	vshll.u32 v45, v1;
	v61 =	vld [tilespmem:s1+$0xFFFFFF00];
	[tilespmem:v60+s19+$0x0] =	vst.idx.msk $0xffff, v42;
	v60 =	vadd.s32 v14, v43  }
0x149: {  	s31 =	sadd.s32 $0x5, s29;
	v45 =	vbroadcast v45, $0x0;
	v63 =	vld [tilespmem:s1+$0xFFFFFF10];
	[tilespmem:v62+s19+$0x0] =	vst.idx.msk $0xffff, v44;
	v62 =	vadd.s32 v15, v43  }
0x14a: {  	v50 =	vmov s31;
	v49 =	vld [tilespmem:s1+$0xFFFFFF20];
	[tilespmem:v48+s19+$0x0] =	vst.idx.msk $0xffff, v46;
	v48 =	vadd.s32 v16, v43  }
0x14b: {  	v52 =	vadd.s32 v17, v45;
	[tilespmem:v57+s19+$0x0] =	vst.idx.msk $0xffff, v51;
	v51 =	vld [tilespmem:s1+$0xFFFFFF30];
	v43 =	vshrl.u32 v50, $0x3  }
0x14c: {  	v54 =	vadd.s32 v18, v45;
	v43 =	vshll.u32 v43, v1;
	[tilespmem:v59+s19+$0x0] =	vst.idx.msk $0xffff, v53;
	v53 =	vld [tilespmem:s1+$0xFFFFFF40]  }
0x14d: {  	s6 =	sadd.s32 $0x6, s29;
	v56 =	vadd.s32 v19, v45;
	v43 =	vbroadcast v43, $0x0;
	[tilespmem:v60+s19+$0x0] =	vst.idx.msk $0xffff, v55;
	v55 =	vld [tilespmem:s1+$0xFFFFFF50]  }
0x14e: {  	v58 =	vmov s6;
	v57 =	vadd.s32 v20, v45;
	[tilespmem:v62+s19+$0x0] =	vst.idx.msk $0xffff, v35;
	v35 =	vld [tilespmem:s1+$0xFFFFFF60]  }
0x14f: {  	v45 =	vshrl.u32 v58, $0x3;
	v59 =	vadd.s32 v21, v43;
	[tilespmem:v48+s19+$0x0] =	vst.idx.msk $0xffff, v36;
	v36 =	vld [tilespmem:s1+$0xFFFFFF70]  }
0x150: {  	v45 =	vshll.u32 v45, v1;
	v60 =	vadd.s32 v22, v43;
	[tilespmem:v52+s19+$0x0] =	vst.idx.msk $0xffff, v61;
	v61 =	vld [tilespmem:s1+$0xFFFFFF80]  }
0x151: {  	s20 =	sadd.s32 $0x7, s29;
	v45 =	vbroadcast v45, $0x0;
	v62 =	vadd.s32 v23, v43;
	[tilespmem:v54+s19+$0x0] =	vst.idx.msk $0xffff, v63;
	v63 =	vld [tilespmem:s1+$0xFFFFFF90]  }
0x152: {  	v50 =	vmov s20;
	v48 =	vadd.s32 v24, v43;
	[tilespmem:v56+s19+$0x0] =	vst.idx.msk $0xffff, v49;
	v49 =	vld [tilespmem:s1+$0xFFFFFFA0]  }
0x153: {  	v52 =	vadd.s32 v25, v45;
	v43 =	vshrl.u32 v50, $0x3;
	[tilespmem:v57+s19+$0x0] =	vst.idx.msk $0xffff, v51;
	v51 =	vld [tilespmem:s1+$0xFFFFFFB0]  }
0x154: {  	v54 =	vadd.s32 v26, v45;
	v43 =	vshll.u32 v43, v1;
	v57 =	vld [tilespmem:s1+$0xFFFFFFE0];
	[tilespmem:v59+s19+$0x0] =	vst.idx.msk $0xffff, v53  }
0x155: {  	s23 =	sadd.s32 $0x8, s29;
	v56 =	vadd.s32 v27, v45;
	v43 =	vbroadcast v43, $0x0;
	v53 =	vld [tilespmem:s1+$0xFFFFFFC0];
	[tilespmem:v60+s19+$0x0] =	vst.idx.msk $0xffff, v55  }
0x156: {  	v58 =	vmov s23;
	v45 =	vadd.s32 v28, v45;
	v55 =	vld [tilespmem:s1+$0xFFFFFFD0];
	[tilespmem:v62+s19+$0x0] =	vst.idx.msk $0xffff, v35  }
0x157: {  	v46 =	vshrl.u32 v58, $0x3;
	v59 =	vadd.s32 v29, v43;
	v35 =	vld [tilespmem:s1+$0x60];
	[tilespmem:v48+s19+$0x0] =	vst.idx.msk $0xffff, v36  }
0x158: {  	v46 =	vshll.u32 v46, v1;
	v60 =	vadd.s32 v30, v43;
	v36 =	vld [tilespmem:s1+$0xFFFFFFF0];
	[tilespmem:v52+s19+$0x0] =	vst.idx.msk $0xffff, v61  }
0x159: {  	s30 =	sadd.s32 $0x9, s29;
	v46 =	vbroadcast v46, $0x0;
	v62 =	vadd.s32 v31, v43;
	v61 =	vld [tilespmem:s1+$0x0];
	[tilespmem:v54+s19+$0x0] =	vst.idx.msk $0xffff, v63  }
0x15a: {  	v50 =	vmov s30;
	v48 =	vadd.s32 v32, v43;
	v63 =	vld [tilespmem:s1+$0x10];
	[tilespmem:v56+s19+$0x0] =	vst.idx.msk $0xffff, v49  }
0x15b: {  	v52 =	vadd.s32 v0, v46;
	v43 =	vshrl.u32 v50, $0x3;
	v49 =	vld [tilespmem:s1+$0x20];
	[tilespmem:v45+s19+$0x0] =	vst.idx.msk $0xffff, v51  }
0x15c: {  	v54 =	vadd.s32 v2, v46;
	v43 =	vshll.u32 v43, v1;
	v51 =	vld [tilespmem:s1+$0x30];
	[tilespmem:v59+s19+$0x0] =	vst.idx.msk $0xffff, v53  }
0x15d: {  	s31 =	sadd.s32 $0xA, s29;
	v56 =	vadd.s32 v3, v46;
	v43 =	vbroadcast v43, $0x0;
	v53 =	vld [tilespmem:s1+$0x40];
	[tilespmem:v60+s19+$0x0] =	vst.idx.msk $0xffff, v55  }
0x15e: {  	v58 =	vmov s31;
	v55 =	vld [tilespmem:s1+$0x50];
	[tilespmem:v62+s19+$0x0] =	vst.idx.msk $0xffff, v57;
	v57 =	vadd.s32 v4, v46  }
0x15f: {  	v59 =	vadd.s32 v5, v43;
	v46 =	vshrl.u32 v58, $0x3;
	[tilespmem:v48+s19+$0x0] =	vst.idx.msk $0xffff, v36;
	v36 =	vld [tilespmem:s1+$0x70]  }
0x160: {  	v60 =	vadd.s32 v6, v43;
	[tilespmem:v52+s19+$0x0] =	vst.idx.msk $0xffff, v61;
	v61 =	vld [tilespmem:s1+$0x80];
	v46 =	vshll.u32 v46, v1  }
0x161: {  	s6 =	sadd.s32 $0xB, s29;
	v62 =	vadd.s32 v7, v43;
	[tilespmem:v54+s19+$0x0] =	vst.idx.msk $0xffff, v63;
	v63 =	vld [tilespmem:s1+$0x90];
	v46 =	vbroadcast v46, $0x0  }
0x162: {  	v50 =	vmov s6;
	v48 =	vadd.s32 v8, v43;
	[tilespmem:v56+s19+$0x0] =	vst.idx.msk $0xffff, v49;
	v49 =	vld [tilespmem:s1+$0xA0]  }
0x163: {  	v43 =	vshrl.u32 v50, $0x3;
	v52 =	vadd.s32 v9, v46;
	[tilespmem:v57+s19+$0x0] =	vst.idx.msk $0xffff, v51;
	v51 =	vld [tilespmem:s1+$0xB0]  }
0x164: {  	v43 =	vshll.u32 v43, v1;
	v54 =	vadd.s32 v10, v46;
	[tilespmem:v59+s19+$0x0] =	vst.idx.msk $0xffff, v53;
	v53 =	vld [tilespmem:s1+$0xC0]  }
0x165: {  	s20 =	sadd.s32 $0xC, s29;
	v43 =	vbroadcast v43, $0x0;
	v56 =	vadd.s32 v11, v46;
	[tilespmem:v60+s19+$0x0] =	vst.idx.msk $0xffff, v55;
	v55 =	vld [tilespmem:s1+$0xD0]  }
0x166: {  	v58 =	vmov s20;
	v57 =	vadd.s32 v12, v46;
	[tilespmem:v62+s19+$0x0] =	vst.idx.msk $0xffff, v35;
	v35 =	vld [tilespmem:s1+$0xE0]  }
0x167: {  	v46 =	vshrl.u32 v58, $0x3;
	v59 =	vadd.s32 v13, v43;
	[tilespmem:v48+s19+$0x0] =	vst.idx.msk $0xffff, v36;
	v36 =	vld [tilespmem:s1+$0xF0]  }
0x168: {  	v46 =	vshll.u32 v46, v1;
	v60 =	vadd.s32 v14, v43;
	[tilespmem:v52+s19+$0x0] =	vst.idx.msk $0xffff, v61;
	v61 =	vld [tilespmem:s1+$0x100]  }
0x169: {  	v46 =	vbroadcast v46, $0x0;
	v62 =	vadd.s32 v15, v43;
	[tilespmem:v54+s19+$0x0] =	vst.idx.msk $0xffff, v63;
	v63 =	vld [tilespmem:s1+$0x110]  }
0x16a: {  	s23 =	sadd.s32 $0xD, s29;
	v48 =	vadd.s32 v16, v43;
	[tilespmem:v56+s19+$0x0] =	vst.idx.msk $0xffff, v49;
	v49 =	vld [tilespmem:s1+$0x120]  }
0x16b: {  	v50 =	vmov s23;
	v52 =	vadd.s32 v17, v46;
	[tilespmem:v57+s19+$0x0] =	vst.idx.msk $0xffff, v51;
	v51 =	vld [tilespmem:s1+$0x130]  }
0x16c: {  	s30 =	sadd.s32 $0xE, s29;
	v44 =	vshrl.u32 v50, $0x3;
	v54 =	vadd.s32 v18, v46;
	[tilespmem:v59+s19+$0x0] =	vst.idx.msk $0xffff, v53;
	v53 =	vld [tilespmem:s1+$0x140]  }
0x16d: {  	v44 =	vshll.u32 v44, v1;
	v58 =	vmov s30;
	v56 =	vadd.s32 v19, v46;
	[tilespmem:v60+s19+$0x0] =	vst.idx.msk $0xffff, v55;
	v55 =	vld [tilespmem:s1+$0x150]  }
0x16e: {  	v44 =	vbroadcast v44, $0x0;
	v57 =	vadd.s32 v20, v46;
	v46 =	vshrl.u32 v58, $0x3;
	[tilespmem:v62+s19+$0x0] =	vst.idx.msk $0xffff, v35;
	v35 =	vld [tilespmem:s1+$0x160]  }
0x16f: {  	v46 =	vshll.u32 v46, v1;
	[tilespmem:v48+s19+$0x0] =	vst.idx.msk $0xffff, v36;
	v36 =	vld [tilespmem:s1+$0x170]  }
0x170: {  	v59 =	vadd.s32 v21, v44;
	v46 =	vbroadcast v46, $0x0;
	[tilespmem:v52+s19+$0x0] =	vst.idx.msk $0xffff, v61;
	v61 =	vld [tilespmem:s1+$0x180]  }
0x171: {  	v60 =	vadd.s32 v22, v44;
	[tilespmem:v54+s19+$0x0] =	vst.idx.msk $0xffff, v63;
	v63 =	vld [tilespmem:s1+$0x190]  }
0x172: {  	s31 =	sadd.s32 $0xF, s29;
	v52 =	vadd.s32 v25, v46;
	[tilespmem:v56+s19+$0x0] =	vst.idx.msk $0xffff, v49;
	v49 =	vld [tilespmem:s1+$0x1A0]  }
0x173: {  	v50 =	vmov s31;
	v62 =	vadd.s32 v23, v44;
	[tilespmem:v57+s19+$0x0] =	vst.idx.msk $0xffff, v51;
	v51 =	vld [tilespmem:s1+$0x1B0]  }
0x174: {  	v48 =	vadd.s32 v24, v44;
	v44 =	vshrl.u32 v50, $0x3;
	v54 =	vadd.s32 v26, v46;
	v57 =	vld [tilespmem:s1+$0x1E0]  }
0x175: {  	v44 =	vshll.u32 v44, v1;
	[tilespmem:v59+s19+$0x0] =	vst.idx.msk $0xffff, v53;
	v53 =	vld [tilespmem:s1+$0x1C0]  }
0x176: {  	v56 =	vadd.s32 v27, v46;
	v44 =	vbroadcast v44, $0x0;
	v59 =	vld [tilespmem:s1+$0x1F0];
	[tilespmem:v60+s19+$0x0] =	vst.idx.msk $0xffff, v55  }
0x177: {  	v58 =	vadd.s32 v28, v46;
	v55 =	vld [tilespmem:s1+$0x1D0];
	[tilespmem:v52+s19+$0x0] =	vst.idx.msk $0xffff, v61  }
0x178: {  	v60 =	vadd.s32 v29, v44;
	[tilespmem:v62+s19+$0x0] =	vst.idx.msk $0xffff, v35  }
0x179: {  	v61 =	vadd.s32 v30, v44;
	[tilespmem:v54+s19+$0x0] =	vst.idx.msk $0xffff, v63  }
0x17a: {  	v62 =	vadd.s32 v31, v44;
	[tilespmem:v48+s19+$0x0] =	vst.idx.msk $0xffff, v36  }
0x17b: {  	p0 =	slt.u32 s29, $0x70;
	v63 =	vadd.s32 v32, v44;
	[tilespmem:v56+s19+$0x0] =	vst.idx.msk $0xffff, v49  }
.Ltmp4:
0x17c: {  	[tilespmem:v58+s19+$0x0] =	vst.idx.msk $0xffff, v51;
	(pc) =	sbr.rel @p0 .LBB2_11-.Ltmp4, $4  }
0x17d: {  	[tilespmem:v60+s19+$0x0] =	vst.idx.msk $0xffff, v53  }
0x17e: {  	[tilespmem:v61+s19+$0x0] =	vst.idx.msk $0xffff, v55  }
0x17f: {  	[tilespmem:v62+s19+$0x0] =	vst.idx.msk $0xffff, v57  }
0x180: {  	s29 =	sadd.s32 $0x10, s29;
	s1 =	sadd.s32 $0x400, s1;
	[tilespmem:v63+s19+$0x0] =	vst.idx.msk $0xffff, v59  }
0x181: {  	s0 =	sshll.u32 s28, $0x1  }
0x182: {  	s0 =	sadd.s32 s5, s0  }
0x183: {  	s1 =	sshll.u32 s0, $0x7  }
0x184: {  	s0 =	sshll.u32 s0, $0xA;
	s29 =	sand.u32 $0xF00, s1  }
0x185: {  	s30 =	sand.u32 $0xFFF8000, s0;
	s20 =	sadd.s32 s2, s29  }
0x186: {  	s23 =	simm.s32 $0xA400;
	s1 =	sadd.s32 s30, s20  }
0x187: {  	[hbm4b:s1+s4] =	stream.linear.scatter [tilespmem:s23], [sflag:$0x3], $0x80, $0x38;
	[tilespmem:$0x10800] =	vst v63  }
0x188: {  	s6 =	simm.s32 $0xA488;
	s20 =	sadd.s32 $0x10, s1  }
0x189: {  	[hbm4b:s20+s4] =	stream.linear.scatter [tilespmem:s6], [sflag:$0x3], $0x80, $0x38;
	[tilespmem:$0x10800] =	vst v63  }
0x18a: {  	s23 =	simm.s32 $0xA510;
	s6 =	sadd.s32 $0x20, s1  }
0x18b: {  	[hbm4b:s6+s4] =	stream.linear.scatter [tilespmem:s23], [sflag:$0x3], $0x80, $0x38;
	[tilespmem:$0x10800] =	vst v63  }
0x18c: {  	s23 =	simm.s32 $0xA598;
	s6 =	sadd.s32 $0x30, s1  }
0x18d: {  	[hbm4b:s6+s4] =	stream.linear.scatter [tilespmem:s23], [sflag:$0x3], $0x80, $0x38;
	[tilespmem:$0x10800] =	vst v63  }
0x18e: {  	s23 =	simm.s32 $0xA620;
	s6 =	sadd.s32 $0x40, s1  }
0x18f: {  	[hbm4b:s6+s4] =	stream.linear.scatter [tilespmem:s23], [sflag:$0x3], $0x80, $0x38;
	[tilespmem:$0x10800] =	vst v63  }
0x190: {  	s31 =	simm.s32 $0x2200;
	s23 =	simm.s32 $0xA6A8;
	s6 =	sadd.s32 $0x50, s1  }
0x191: {  	[hbm4b:s6+s4] =	stream.linear.scatter [tilespmem:s23], [sflag:$0x3], $0x80, $0x38;
	[tilespmem:$0x10800] =	vst v63  }
0x192: {  	s0 =	simm.s32 $0x440;
	s20 =	simm.s32 $0xA730;
	s23 =	sadd.s32 $0x60, s1  }
0x193: {  	[hbm4b:s23+s4] =	stream.linear.scatter [tilespmem:s20], [sflag:$0x3], $0x80, $0x38;
	[tilespmem:$0x10800] =	vst v63  }
0x194: {  	s20 =	simm.s32 $0xA7B8;
	s23 =	sadd.s32 $0x70, s1;
	s1 =	sadd.s32 $0x1000, s1  }
.LBB2_13:
0x195: {  	[hbm4b:s23+s4] =	stream.linear.scatter [tilespmem:s20], [sflag:$0x3], $0x80, $0x38;
	[tilespmem:$0x10800] =	vst v63  }
0x196: {  	s20 =	smov.u32 s0;
	s0 =	smov.u32 s31  }
0x197: {  	s6 =	sadd.s32 $0x1100, s31;
	s0 =	sshra.s32 s0, $0x2;
	s23 =	sadd.s32 $0xA400, s20  }
0x198: {  	[hbm4b:s1+s4] =	stream.linear.scatter [tilespmem:s23], [sflag:$0x3], $0x80, $0x38;
	[tilespmem:$0x10800] =	vst v63  }
0x199: {  	p0 =	sne.s32 s31, $0x7700;
	s31 =	sadd.s32 $0x10, s1;
	s23 =	sadd.s32 $0xA488, s20  }
0x19a: {  	[hbm4b:s31+s4] =	stream.linear.scatter [tilespmem:s23], [sflag:$0x3], $0x80, $0x38;
	[tilespmem:$0x10800] =	vst v63  }
0x19b: {  	s23 =	sadd.s32 $0xA510, s20;
	s31 =	sadd.s32 $0x20, s1  }
0x19c: {  	[hbm4b:s31+s4] =	stream.linear.scatter [tilespmem:s23], [sflag:$0x3], $0x80, $0x38;
	[tilespmem:$0x10800] =	vst v63  }
0x19d: {  	s23 =	sadd.s32 $0xA598, s20;
	s31 =	sadd.s32 $0x30, s1  }
0x19e: {  	[hbm4b:s31+s4] =	stream.linear.scatter [tilespmem:s23], [sflag:$0x3], $0x80, $0x38;
	[tilespmem:$0x10800] =	vst v63  }
0x19f: {  	s23 =	sadd.s32 $0xA620, s20;
	s31 =	sadd.s32 $0x40, s1  }
0x1a0: {  	[hbm4b:s31+s4] =	stream.linear.scatter [tilespmem:s23], [sflag:$0x3], $0x80, $0x38;
	[tilespmem:$0x10800] =	vst v63  }
.Ltmp5:
0x1a1: {  	s23 =	sadd.s32 $0xA6A8, s20;
	s31 =	sadd.s32 $0x50, s1;
	(pc) =	sbr.rel @p0 .LBB2_13-.Ltmp5, $4  }
0x1a2: {  	[hbm4b:s31+s4] =	stream.linear.scatter [tilespmem:s23], [sflag:$0x3], $0x80, $0x38;
	[tilespmem:$0x10800] =	vst v63  }
0x1a3: {  	s23 =	sadd.s32 $0xA730, s20;
	s31 =	sadd.s32 $0x60, s1;
	s20 =	sadd.s32 $0xA7B8, s20  }
0x1a4: {  	[hbm4b:s31+s4] =	stream.linear.scatter [tilespmem:s23], [sflag:$0x3], $0x80, $0x38;
	[tilespmem:$0x10800] =	vst v63  }
0x1a5: {  	s23 =	sadd.s32 $0x70, s1;
	s1 =	sadd.s32 $0x1000, s1;
	s31 =	smov.u32 s6  }
0x1a6: {  	[hbm4b:s23+s4] =	stream.linear.scatter [tilespmem:s20], [sflag:$0x3], $0x80, $0x38;
	[tilespmem:$0x10800] =	vst v63  }
0x1a7: {  	s6 =	sadd.s32 $0xA400, s0  }
0x1a8: {  	[hbm4b:s1+s4] =	stream.linear.scatter [tilespmem:s6], [sflag:$0x3], $0x80, $0x38;
	[tilespmem:$0x10800] =	vst v63  }
0x1a9: {  	s20 =	sadd.s32 $0xA488, s0;
	s23 =	sadd.s32 $0x10, s1  }
0x1aa: {  	[hbm4b:s23+s4] =	stream.linear.scatter [tilespmem:s20], [sflag:$0x3], $0x80, $0x38;
	[tilespmem:$0x10800] =	vst v63  }
0x1ab: {  	s20 =	sadd.s32 $0xA510, s0;
	s23 =	sadd.s32 $0x20, s1  }
0x1ac: {  	[hbm4b:s23+s4] =	stream.linear.scatter [tilespmem:s20], [sflag:$0x3], $0x80, $0x38;
	[tilespmem:$0x10800] =	vst v63  }
0x1ad: {  	s20 =	sadd.s32 $0xA598, s0;
	s23 =	sadd.s32 $0x30, s1  }
0x1ae: {  	[hbm4b:s23+s4] =	stream.linear.scatter [tilespmem:s20], [sflag:$0x3], $0x80, $0x38;
	[tilespmem:$0x10800] =	vst v63  }
0x1af: {  	s20 =	sadd.s32 $0xA620, s0;
	s23 =	sadd.s32 $0x40, s1  }
0x1b0: {  	[hbm4b:s23+s4] =	stream.linear.scatter [tilespmem:s20], [sflag:$0x3], $0x80, $0x38;
	[tilespmem:$0x10800] =	vst v63  }
0x1b1: {  	s20 =	sadd.s32 $0xA6A8, s0;
	s23 =	sadd.s32 $0x50, s1  }
0x1b2: {  	[hbm4b:s23+s4] =	stream.linear.scatter [tilespmem:s20], [sflag:$0x3], $0x80, $0x38;
	[tilespmem:$0x10800] =	vst v63  }
0x1b3: {  	s20 =	sadd.s32 $0xA730, s0;
	s23 =	sadd.s32 $0x60, s1  }
0x1b4: {  	[hbm4b:s23+s4] =	stream.linear.scatter [tilespmem:s20], [sflag:$0x3], $0x80, $0x38;
	[tilespmem:$0x10800] =	vst v63  }
0x1b5: {  	s23 =	sshll.u32 s28, $0xA  }
0x1b6: {  	s6 =	sadd.s32 $0xA7B8, s0;
	s20 =	sadd.s32 $0x70, s1;
	s31 =	sshra.s32 s23, $0x2  }
0x1b7: {  	[hbm4b:s20+s4] =	stream.linear.scatter [tilespmem:s6], [sflag:$0x3], $0x80, $0x38;
	[tilespmem:$0x10800] =	vst v63  }
0x1b8: {  	s0 =	sadd.s32 $0x100, s31  }
0x1b9: {  	[tilespmem:s15], [sflag:$0x1] =	stream.indirect.gather [spmem:s3], $0x40, s0, s16, $0xb8;
	[tilespmem:$0x10800] =	vst v63  }
0x1ba: {  	_ =	swait.ge [sflag:s21], $0x2000  }
0x1bb: {  	[sflag:s21] =	ssyncset.done $0x0  }
0x1bc: {  	[sflag:s21] =	ssyncadd.s32 $0xFFFFE000  }
0x1bd: {  	_ =	swait.ge [sflag:s25], $0x2000  }
0x1be: {  	[sflag:s25] =	ssyncset.done $0x0  }
0x1bf: {  	s1 =	simm.s32 $0x0;
	s0 =	simm.s32 $0x8600;
	[sflag:s25] =	ssyncadd.s32 $0xFFFFE000  }
.LBB2_15:
0x1c0: {  	v34 =	vld [tilespmem:s0+$0xFFFFFE00]  }
0x1c1: {  	v35 =	vld [tilespmem:s0+$0xFFFFFE10]  }
0x1c2: {  	v33 =	vmov s1;
	v36 =	vld [tilespmem:s0+$0xFFFFFE20]  }
0x1c3: {  	v38 =	vld [tilespmem:s0+$0xFFFFFE30];
	v33 =	vshrl.u32 v33, $0x3  }
0x1c4: {  	v40 =	vld [tilespmem:s0+$0xFFFFFE40];
	s20 =	sadd.s32 $0x2, s1;
	v33 =	vshll.u32 v33, v1  }
0x1c5: {  	v42 =	vld [tilespmem:s0+$0xFFFFFE50];
	v45 =	vmov s20;
	v33 =	vbroadcast v33, $0x0  }
0x1c6: {  	v44 =	vld [tilespmem:s0+$0xFFFFFE60];
	v45 =	vshrl.u32 v45, $0x3  }
0x1c7: {  	s6 =	sadd.s32 $0x1, s1;
	v46 =	vld [tilespmem:s0+$0xFFFFFE70];
	v45 =	vshll.u32 v45, v1;
	v39 =	vadd.s32 v0, v33  }
0x1c8: {  	v61 =	vld [tilespmem:s0+$0xFFFFFE80];
	v37 =	vmov s6;
	v45 =	vbroadcast v45, $0x0;
	v41 =	vadd.s32 v2, v33  }
0x1c9: {  	v63 =	vld [tilespmem:s0+$0xFFFFFE90];
	v37 =	vshrl.u32 v37, $0x3;
	v43 =	vadd.s32 v3, v33  }
0x1ca: {  	v49 =	vld [tilespmem:s0+$0xFFFFFEA0];
	v37 =	vshll.u32 v37, v1;
	v52 =	vadd.s32 v9, v45  }
0x1cb: {  	v51 =	vld [tilespmem:s0+$0xFFFFFEB0];
	v37 =	vbroadcast v37, $0x0;
	v33 =	vadd.s32 v4, v33  }
0x1cc: {  	v53 =	vld [tilespmem:s0+$0xFFFFFEC0];
	v54 =	vadd.s32 v10, v45;
	[tilespmem:v39+s22+$0x0] =	vst.idx.msk $0xffff, v34  }
0x1cd: {  	s23 =	sadd.s32 $0x3, s1;
	v55 =	vld [tilespmem:s0+$0xFFFFFED0];
	v47 =	vadd.s32 v5, v37;
	[tilespmem:v41+s22+$0x0] =	vst.idx.msk $0xffff, v35  }
0x1ce: {  	v50 =	vmov s23;
	v56 =	vadd.s32 v11, v45;
	v35 =	vld [tilespmem:s0+$0xFFFFFEE0];
	[tilespmem:v43+s22+$0x0] =	vst.idx.msk $0xffff, v36  }
0x1cf: {  	v60 =	vadd.s32 v6, v37;
	v43 =	vshrl.u32 v50, $0x3;
	v36 =	vld [tilespmem:s0+$0xFFFFFEF0];
	[tilespmem:v52+s22+$0x0] =	vst.idx.msk $0xffff, v61  }
0x1d0: {  	v62 =	vadd.s32 v7, v37;
	[tilespmem:v33+s22+$0x0] =	vst.idx.msk $0xffff, v38;
	v43 =	vshll.u32 v43, v1  }
0x1d1: {  	s20 =	sadd.s32 $0x4, s1;
	v48 =	vadd.s32 v8, v37;
	[tilespmem:v54+s22+$0x0] =	vst.idx.msk $0xffff, v63;
	v43 =	vbroadcast v43, $0x0  }
0x1d2: {  	v58 =	vmov s20;
	v57 =	vadd.s32 v12, v45;
	[tilespmem:v47+s22+$0x0] =	vst.idx.msk $0xffff, v40  }
0x1d3: {  	v45 =	vshrl.u32 v58, $0x3;
	[tilespmem:v56+s22+$0x0] =	vst.idx.msk $0xffff, v49;
	v59 =	vadd.s32 v13, v43  }
0x1d4: {  	v45 =	vshll.u32 v45, v1;
	v61 =	vld [tilespmem:s0+$0xFFFFFF00];
	[tilespmem:v60+s22+$0x0] =	vst.idx.msk $0xffff, v42;
	v60 =	vadd.s32 v14, v43  }
0x1d5: {  	s23 =	sadd.s32 $0x5, s1;
	v45 =	vbroadcast v45, $0x0;
	v63 =	vld [tilespmem:s0+$0xFFFFFF10];
	[tilespmem:v62+s22+$0x0] =	vst.idx.msk $0xffff, v44;
	v62 =	vadd.s32 v15, v43  }
0x1d6: {  	v50 =	vmov s23;
	v49 =	vld [tilespmem:s0+$0xFFFFFF20];
	[tilespmem:v48+s22+$0x0] =	vst.idx.msk $0xffff, v46;
	v48 =	vadd.s32 v16, v43  }
0x1d7: {  	v52 =	vadd.s32 v17, v45;
	[tilespmem:v57+s22+$0x0] =	vst.idx.msk $0xffff, v51;
	v51 =	vld [tilespmem:s0+$0xFFFFFF30];
	v43 =	vshrl.u32 v50, $0x3  }
0x1d8: {  	v54 =	vadd.s32 v18, v45;
	v43 =	vshll.u32 v43, v1;
	[tilespmem:v59+s22+$0x0] =	vst.idx.msk $0xffff, v53;
	v53 =	vld [tilespmem:s0+$0xFFFFFF40]  }
0x1d9: {  	s20 =	sadd.s32 $0x6, s1;
	v56 =	vadd.s32 v19, v45;
	v43 =	vbroadcast v43, $0x0;
	[tilespmem:v60+s22+$0x0] =	vst.idx.msk $0xffff, v55;
	v55 =	vld [tilespmem:s0+$0xFFFFFF50]  }
0x1da: {  	v58 =	vmov s20;
	v57 =	vadd.s32 v20, v45;
	[tilespmem:v62+s22+$0x0] =	vst.idx.msk $0xffff, v35;
	v35 =	vld [tilespmem:s0+$0xFFFFFF60]  }
0x1db: {  	v45 =	vshrl.u32 v58, $0x3;
	v59 =	vadd.s32 v21, v43;
	[tilespmem:v48+s22+$0x0] =	vst.idx.msk $0xffff, v36;
	v36 =	vld [tilespmem:s0+$0xFFFFFF70]  }
0x1dc: {  	v45 =	vshll.u32 v45, v1;
	v60 =	vadd.s32 v22, v43;
	[tilespmem:v52+s22+$0x0] =	vst.idx.msk $0xffff, v61;
	v61 =	vld [tilespmem:s0+$0xFFFFFF80]  }
0x1dd: {  	s23 =	sadd.s32 $0x7, s1;
	v45 =	vbroadcast v45, $0x0;
	v62 =	vadd.s32 v23, v43;
	[tilespmem:v54+s22+$0x0] =	vst.idx.msk $0xffff, v63;
	v63 =	vld [tilespmem:s0+$0xFFFFFF90]  }
0x1de: {  	v50 =	vmov s23;
	v48 =	vadd.s32 v24, v43;
	[tilespmem:v56+s22+$0x0] =	vst.idx.msk $0xffff, v49;
	v49 =	vld [tilespmem:s0+$0xFFFFFFA0]  }
0x1df: {  	v52 =	vadd.s32 v25, v45;
	v43 =	vshrl.u32 v50, $0x3;
	[tilespmem:v57+s22+$0x0] =	vst.idx.msk $0xffff, v51;
	v51 =	vld [tilespmem:s0+$0xFFFFFFB0]  }
0x1e0: {  	v54 =	vadd.s32 v26, v45;
	v43 =	vshll.u32 v43, v1;
	v57 =	vld [tilespmem:s0+$0xFFFFFFE0];
	[tilespmem:v59+s22+$0x0] =	vst.idx.msk $0xffff, v53  }
0x1e1: {  	s20 =	sadd.s32 $0x8, s1;
	v56 =	vadd.s32 v27, v45;
	v43 =	vbroadcast v43, $0x0;
	v53 =	vld [tilespmem:s0+$0xFFFFFFC0];
	[tilespmem:v60+s22+$0x0] =	vst.idx.msk $0xffff, v55  }
0x1e2: {  	v58 =	vmov s20;
	v45 =	vadd.s32 v28, v45;
	v55 =	vld [tilespmem:s0+$0xFFFFFFD0];
	[tilespmem:v62+s22+$0x0] =	vst.idx.msk $0xffff, v35  }
0x1e3: {  	v46 =	vshrl.u32 v58, $0x3;
	v59 =	vadd.s32 v29, v43;
	v35 =	vld [tilespmem:s0+$0x60];
	[tilespmem:v48+s22+$0x0] =	vst.idx.msk $0xffff, v36  }
0x1e4: {  	v46 =	vshll.u32 v46, v1;
	v60 =	vadd.s32 v30, v43;
	v36 =	vld [tilespmem:s0+$0xFFFFFFF0];
	[tilespmem:v52+s22+$0x0] =	vst.idx.msk $0xffff, v61  }
0x1e5: {  	s23 =	sadd.s32 $0x9, s1;
	v46 =	vbroadcast v46, $0x0;
	v62 =	vadd.s32 v31, v43;
	v61 =	vld [tilespmem:s0+$0x0];
	[tilespmem:v54+s22+$0x0] =	vst.idx.msk $0xffff, v63  }
0x1e6: {  	v50 =	vmov s23;
	v48 =	vadd.s32 v32, v43;
	v63 =	vld [tilespmem:s0+$0x10];
	[tilespmem:v56+s22+$0x0] =	vst.idx.msk $0xffff, v49  }
0x1e7: {  	v52 =	vadd.s32 v0, v46;
	v43 =	vshrl.u32 v50, $0x3;
	v49 =	vld [tilespmem:s0+$0x20];
	[tilespmem:v45+s22+$0x0] =	vst.idx.msk $0xffff, v51  }
0x1e8: {  	v54 =	vadd.s32 v2, v46;
	v43 =	vshll.u32 v43, v1;
	v51 =	vld [tilespmem:s0+$0x30];
	[tilespmem:v59+s22+$0x0] =	vst.idx.msk $0xffff, v53  }
0x1e9: {  	s20 =	sadd.s32 $0xA, s1;
	v56 =	vadd.s32 v3, v46;
	v43 =	vbroadcast v43, $0x0;
	v53 =	vld [tilespmem:s0+$0x40];
	[tilespmem:v60+s22+$0x0] =	vst.idx.msk $0xffff, v55  }
0x1ea: {  	v58 =	vmov s20;
	v55 =	vld [tilespmem:s0+$0x50];
	[tilespmem:v62+s22+$0x0] =	vst.idx.msk $0xffff, v57;
	v57 =	vadd.s32 v4, v46  }
0x1eb: {  	v59 =	vadd.s32 v5, v43;
	v46 =	vshrl.u32 v58, $0x3;
	[tilespmem:v48+s22+$0x0] =	vst.idx.msk $0xffff, v36;
	v36 =	vld [tilespmem:s0+$0x70]  }
0x1ec: {  	v60 =	vadd.s32 v6, v43;
	[tilespmem:v52+s22+$0x0] =	vst.idx.msk $0xffff, v61;
	v61 =	vld [tilespmem:s0+$0x80];
	v46 =	vshll.u32 v46, v1  }
0x1ed: {  	s23 =	sadd.s32 $0xB, s1;
	v62 =	vadd.s32 v7, v43;
	[tilespmem:v54+s22+$0x0] =	vst.idx.msk $0xffff, v63;
	v63 =	vld [tilespmem:s0+$0x90];
	v46 =	vbroadcast v46, $0x0  }
0x1ee: {  	v50 =	vmov s23;
	v48 =	vadd.s32 v8, v43;
	[tilespmem:v56+s22+$0x0] =	vst.idx.msk $0xffff, v49;
	v49 =	vld [tilespmem:s0+$0xA0]  }
0x1ef: {  	v43 =	vshrl.u32 v50, $0x3;
	v52 =	vadd.s32 v9, v46;
	[tilespmem:v57+s22+$0x0] =	vst.idx.msk $0xffff, v51;
	v51 =	vld [tilespmem:s0+$0xB0]  }
0x1f0: {  	v43 =	vshll.u32 v43, v1;
	v54 =	vadd.s32 v10, v46;
	[tilespmem:v59+s22+$0x0] =	vst.idx.msk $0xffff, v53;
	v53 =	vld [tilespmem:s0+$0xC0]  }
0x1f1: {  	s20 =	sadd.s32 $0xC, s1;
	v43 =	vbroadcast v43, $0x0;
	v56 =	vadd.s32 v11, v46;
	[tilespmem:v60+s22+$0x0] =	vst.idx.msk $0xffff, v55;
	v55 =	vld [tilespmem:s0+$0xD0]  }
0x1f2: {  	v58 =	vmov s20;
	v57 =	vadd.s32 v12, v46;
	[tilespmem:v62+s22+$0x0] =	vst.idx.msk $0xffff, v35;
	v35 =	vld [tilespmem:s0+$0xE0]  }
0x1f3: {  	v46 =	vshrl.u32 v58, $0x3;
	v59 =	vadd.s32 v13, v43;
	[tilespmem:v48+s22+$0x0] =	vst.idx.msk $0xffff, v36;
	v36 =	vld [tilespmem:s0+$0xF0]  }
0x1f4: {  	v46 =	vshll.u32 v46, v1;
	v60 =	vadd.s32 v14, v43;
	[tilespmem:v52+s22+$0x0] =	vst.idx.msk $0xffff, v61;
	v61 =	vld [tilespmem:s0+$0x100]  }
0x1f5: {  	v46 =	vbroadcast v46, $0x0;
	v62 =	vadd.s32 v15, v43;
	[tilespmem:v54+s22+$0x0] =	vst.idx.msk $0xffff, v63;
	v63 =	vld [tilespmem:s0+$0x110]  }
0x1f6: {  	s23 =	sadd.s32 $0xD, s1;
	v48 =	vadd.s32 v16, v43;
	[tilespmem:v56+s22+$0x0] =	vst.idx.msk $0xffff, v49;
	v49 =	vld [tilespmem:s0+$0x120]  }
0x1f7: {  	v50 =	vmov s23;
	v52 =	vadd.s32 v17, v46;
	[tilespmem:v57+s22+$0x0] =	vst.idx.msk $0xffff, v51;
	v51 =	vld [tilespmem:s0+$0x130]  }
0x1f8: {  	s20 =	sadd.s32 $0xE, s1;
	v44 =	vshrl.u32 v50, $0x3;
	v54 =	vadd.s32 v18, v46;
	[tilespmem:v59+s22+$0x0] =	vst.idx.msk $0xffff, v53;
	v53 =	vld [tilespmem:s0+$0x140]  }
0x1f9: {  	v44 =	vshll.u32 v44, v1;
	v58 =	vmov s20;
	v56 =	vadd.s32 v19, v46;
	[tilespmem:v60+s22+$0x0] =	vst.idx.msk $0xffff, v55;
	v55 =	vld [tilespmem:s0+$0x150]  }
0x1fa: {  	v44 =	vbroadcast v44, $0x0;
	v57 =	vadd.s32 v20, v46;
	v46 =	vshrl.u32 v58, $0x3;
	[tilespmem:v62+s22+$0x0] =	vst.idx.msk $0xffff, v35;
	v35 =	vld [tilespmem:s0+$0x160]  }
0x1fb: {  	v46 =	vshll.u32 v46, v1;
	[tilespmem:v48+s22+$0x0] =	vst.idx.msk $0xffff, v36;
	v36 =	vld [tilespmem:s0+$0x170]  }
0x1fc: {  	v59 =	vadd.s32 v21, v44;
	v46 =	vbroadcast v46, $0x0;
	[tilespmem:v52+s22+$0x0] =	vst.idx.msk $0xffff, v61;
	v61 =	vld [tilespmem:s0+$0x180]  }
0x1fd: {  	v60 =	vadd.s32 v22, v44;
	[tilespmem:v54+s22+$0x0] =	vst.idx.msk $0xffff, v63;
	v63 =	vld [tilespmem:s0+$0x190]  }
0x1fe: {  	s23 =	sadd.s32 $0xF, s1;
	v52 =	vadd.s32 v25, v46;
	[tilespmem:v56+s22+$0x0] =	vst.idx.msk $0xffff, v49;
	v49 =	vld [tilespmem:s0+$0x1A0]  }
0x1ff: {  	v50 =	vmov s23;
	v62 =	vadd.s32 v23, v44;
	[tilespmem:v57+s22+$0x0] =	vst.idx.msk $0xffff, v51;
	v51 =	vld [tilespmem:s0+$0x1B0]  }
0x200: {  	v48 =	vadd.s32 v24, v44;
	v44 =	vshrl.u32 v50, $0x3;
	v54 =	vadd.s32 v26, v46;
	v57 =	vld [tilespmem:s0+$0x1E0]  }
0x201: {  	v44 =	vshll.u32 v44, v1;
	[tilespmem:v59+s22+$0x0] =	vst.idx.msk $0xffff, v53;
	v53 =	vld [tilespmem:s0+$0x1C0]  }
0x202: {  	v56 =	vadd.s32 v27, v46;
	v44 =	vbroadcast v44, $0x0;
	v59 =	vld [tilespmem:s0+$0x1F0];
	[tilespmem:v60+s22+$0x0] =	vst.idx.msk $0xffff, v55  }
0x203: {  	v58 =	vadd.s32 v28, v46;
	v55 =	vld [tilespmem:s0+$0x1D0];
	[tilespmem:v52+s22+$0x0] =	vst.idx.msk $0xffff, v61  }
0x204: {  	v60 =	vadd.s32 v29, v44;
	[tilespmem:v62+s22+$0x0] =	vst.idx.msk $0xffff, v35  }
0x205: {  	v61 =	vadd.s32 v30, v44;
	[tilespmem:v54+s22+$0x0] =	vst.idx.msk $0xffff, v63  }
0x206: {  	v62 =	vadd.s32 v31, v44;
	[tilespmem:v48+s22+$0x0] =	vst.idx.msk $0xffff, v36  }
0x207: {  	p0 =	slt.u32 s1, $0x70;
	v63 =	vadd.s32 v32, v44;
	[tilespmem:v56+s22+$0x0] =	vst.idx.msk $0xffff, v49  }
.Ltmp6:
0x208: {  	[tilespmem:v58+s22+$0x0] =	vst.idx.msk $0xffff, v51;
	(pc) =	sbr.rel @p0 .LBB2_15-.Ltmp6, $4  }
0x209: {  	[tilespmem:v60+s22+$0x0] =	vst.idx.msk $0xffff, v53  }
0x20a: {  	[tilespmem:v61+s22+$0x0] =	vst.idx.msk $0xffff, v55  }
0x20b: {  	[tilespmem:v62+s22+$0x0] =	vst.idx.msk $0xffff, v57  }
0x20c: {  	s1 =	sadd.s32 $0x10, s1;
	s0 =	sadd.s32 $0x400, s0;
	[tilespmem:v63+s22+$0x0] =	vst.idx.msk $0xffff, v59  }
0x20d: {  	s0 =	sadd.s32 s2, s30  }
0x20e: {  	s0 =	sadd.s32 s29, s0  }
0x20f: {  	s6 =	simm.s32 $0xC600;
	s1 =	sadd.s32 $0x80, s0  }
0x210: {  	[hbm4b:s1+s4] =	stream.linear.scatter [tilespmem:s6], [sflag:$0x4], $0x80, $0x38;
	[tilespmem:$0x10800] =	vst v63  }
0x211: {  	s20 =	simm.s32 $0xC688;
	s6 =	sadd.s32 $0x10, s1  }
0x212: {  	[hbm4b:s6+s4] =	stream.linear.scatter [tilespmem:s20], [sflag:$0x4], $0x80, $0x38;
	[tilespmem:$0x10800] =	vst v63  }
0x213: {  	s23 =	simm.s32 $0xC710;
	s30 =	sadd.s32 $0x20, s1  }
0x214: {  	[hbm4b:s30+s4] =	stream.linear.scatter [tilespmem:s23], [sflag:$0x4], $0x80, $0x38;
	[tilespmem:$0x10800] =	vst v63  }
0x215: {  	s6 =	simm.s32 $0xC798;
	s20 =	sadd.s32 $0x30, s1  }
0x216: {  	[hbm4b:s20+s4] =	stream.linear.scatter [tilespmem:s6], [sflag:$0x4], $0x80, $0x38;
	[tilespmem:$0x10800] =	vst v63  }
0x217: {  	s23 =	simm.s32 $0xC820;
	s30 =	sadd.s32 $0x40, s1  }
0x218: {  	[hbm4b:s30+s4] =	stream.linear.scatter [tilespmem:s23], [sflag:$0x4], $0x80, $0x38;
	[tilespmem:$0x10800] =	vst v63  }
0x219: {  	s29 =	simm.s32 $0x2200;
	s6 =	simm.s32 $0xC8A8;
	s20 =	sadd.s32 $0x50, s1  }
0x21a: {  	[hbm4b:s20+s4] =	stream.linear.scatter [tilespmem:s6], [sflag:$0x4], $0x80, $0x38;
	[tilespmem:$0x10800] =	vst v63  }
0x21b: {  	s0 =	simm.s32 $0x440;
	s23 =	simm.s32 $0xC930;
	s30 =	sadd.s32 $0x60, s1  }
0x21c: {  	[hbm4b:s30+s4] =	stream.linear.scatter [tilespmem:s23], [sflag:$0x4], $0x80, $0x38;
	[tilespmem:$0x10800] =	vst v63  }
0x21d: {  	s20 =	simm.s32 $0xC9B8;
	s23 =	sadd.s32 $0x70, s1;
	s1 =	sadd.s32 $0x1000, s1  }
.LBB2_17:
0x21e: {  	[hbm4b:s23+s4] =	stream.linear.scatter [tilespmem:s20], [sflag:$0x4], $0x80, $0x38;
	[tilespmem:$0x10800] =	vst v63  }
0x21f: {  	s6 =	smov.u32 s0;
	s0 =	smov.u32 s29  }
0x220: {  	s30 =	sadd.s32 $0x1100, s29;
	s0 =	sshra.s32 s0, $0x2;
	s20 =	sadd.s32 $0xC600, s6  }
0x221: {  	[hbm4b:s1+s4] =	stream.linear.scatter [tilespmem:s20], [sflag:$0x4], $0x80, $0x38;
	[tilespmem:$0x10800] =	vst v63  }
0x222: {  	p0 =	sne.s32 s29, $0x7700;
	s23 =	sadd.s32 $0x10, s1;
	s20 =	sadd.s32 $0xC688, s6  }
0x223: {  	[hbm4b:s23+s4] =	stream.linear.scatter [tilespmem:s20], [sflag:$0x4], $0x80, $0x38;
	[tilespmem:$0x10800] =	vst v63  }
0x224: {  	s20 =	sadd.s32 $0xC710, s6;
	s23 =	sadd.s32 $0x20, s1  }
0x225: {  	[hbm4b:s23+s4] =	stream.linear.scatter [tilespmem:s20], [sflag:$0x4], $0x80, $0x38;
	[tilespmem:$0x10800] =	vst v63  }
0x226: {  	s20 =	sadd.s32 $0xC798, s6;
	s23 =	sadd.s32 $0x30, s1  }
0x227: {  	[hbm4b:s23+s4] =	stream.linear.scatter [tilespmem:s20], [sflag:$0x4], $0x80, $0x38;
	[tilespmem:$0x10800] =	vst v63  }
0x228: {  	s20 =	sadd.s32 $0xC820, s6;
	s23 =	sadd.s32 $0x40, s1  }
0x229: {  	[hbm4b:s23+s4] =	stream.linear.scatter [tilespmem:s20], [sflag:$0x4], $0x80, $0x38;
	[tilespmem:$0x10800] =	vst v63  }
.Ltmp7:
0x22a: {  	s20 =	sadd.s32 $0xC8A8, s6;
	s23 =	sadd.s32 $0x50, s1;
	(pc) =	sbr.rel @p0 .LBB2_17-.Ltmp7, $4  }
0x22b: {  	[hbm4b:s23+s4] =	stream.linear.scatter [tilespmem:s20], [sflag:$0x4], $0x80, $0x38;
	[tilespmem:$0x10800] =	vst v63  }
0x22c: {  	s29 =	smov.u32 s30;
	s20 =	sadd.s32 $0xC930, s6;
	s23 =	sadd.s32 $0x60, s1  }
0x22d: {  	[hbm4b:s23+s4] =	stream.linear.scatter [tilespmem:s20], [sflag:$0x4], $0x80, $0x38;
	[tilespmem:$0x10800] =	vst v63  }
0x22e: {  	s20 =	sadd.s32 $0xC9B8, s6;
	s23 =	sadd.s32 $0x70, s1;
	s1 =	sadd.s32 $0x1000, s1  }
0x22f: {  	[hbm4b:s23+s4] =	stream.linear.scatter [tilespmem:s20], [sflag:$0x4], $0x80, $0x38;
	[tilespmem:$0x10800] =	vst v63  }
0x230: {  	s6 =	sadd.s32 $0xC600, s0  }
0x231: {  	[hbm4b:s1+s4] =	stream.linear.scatter [tilespmem:s6], [sflag:$0x4], $0x80, $0x38;
	[tilespmem:$0x10800] =	vst v63  }
0x232: {  	s29 =	sadd.s32 $0xC688, s0;
	s30 =	sadd.s32 $0x10, s1  }
0x233: {  	[hbm4b:s30+s4] =	stream.linear.scatter [tilespmem:s29], [sflag:$0x4], $0x80, $0x38;
	[tilespmem:$0x10800] =	vst v63  }
0x234: {  	s20 =	sadd.s32 $0xC710, s0;
	s23 =	sadd.s32 $0x20, s1  }
0x235: {  	[hbm4b:s23+s4] =	stream.linear.scatter [tilespmem:s20], [sflag:$0x4], $0x80, $0x38;
	[tilespmem:$0x10800] =	vst v63  }
0x236: {  	s29 =	sadd.s32 $0xC798, s0;
	s30 =	sadd.s32 $0x30, s1  }
0x237: {  	[hbm4b:s30+s4] =	stream.linear.scatter [tilespmem:s29], [sflag:$0x4], $0x80, $0x38;
	[tilespmem:$0x10800] =	vst v63  }
0x238: {  	s20 =	sadd.s32 $0xC820, s0;
	s23 =	sadd.s32 $0x40, s1  }
0x239: {  	[hbm4b:s23+s4] =	stream.linear.scatter [tilespmem:s20], [sflag:$0x4], $0x80, $0x38;
	[tilespmem:$0x10800] =	vst v63  }
0x23a: {  	s28 =	sadd.s32 $0x1, s28;
	s29 =	sadd.s32 $0xC8A8, s0;
	s30 =	sadd.s32 $0x50, s1  }
0x23b: {  	[hbm4b:s30+s4] =	stream.linear.scatter [tilespmem:s29], [sflag:$0x4], $0x80, $0x38;
	[tilespmem:$0x10800] =	vst v63  }
0x23c: {  	p0 =	sne.s32 s28, $0x63;
	s20 =	sadd.s32 $0xC930, s0;
	s23 =	sadd.s32 $0x60, s1  }
0x23d: {  	[hbm4b:s23+s4] =	stream.linear.scatter [tilespmem:s20], [sflag:$0x4], $0x80, $0x38;
	[tilespmem:$0x10800] =	vst v63  }
.Ltmp8:
0x23e: {  	_ = 	snop;
	(pc) =	sbr.rel @p0 .LBB2_10-.Ltmp8, $4  }
0x23f: {  	s29 =	sadd.s32 $0xC9B8, s0;
	s30 =	sadd.s32 $0x70, s1  }
0x240: {  	[hbm4b:s30+s4] =	stream.linear.scatter [tilespmem:s29], [sflag:$0x4], $0x80, $0x38;
	[tilespmem:$0x10800] =	vst v63  }
0x241: {  	s31 =	sadd.s32 $0x180, s31  }
0x242: {  	[tilespmem:s17], [sflag:$0x2] =	stream.indirect.gather [spmem:s3], $0x40, s31, s16, $0xb8;
	[tilespmem:$0x10800] =	vst v63  }
0x243: {  	_ =	swait.ge [sflag:s18], $0x2000  }
0x244: {  	[sflag:s18] =	ssyncset.done $0x0  }
0x245: {  	[sflag:s18] =	ssyncadd.s32 $0xFFFFE000  }
0x246: {  	_ =	swait.ge [sflag:s24], $0x2000  }
0x247: {  	[sflag:s24] =	ssyncset.done $0x0  }
0x248: {  	s1 =	simm.s32 $0x0;
	s0 =	simm.s32 $0x6600;
	[sflag:s24] =	ssyncadd.s32 $0xFFFFE000  }
.LBB2_20:
0x249: {  	v34 =	vld [tilespmem:s0+$0xFFFFFE00]  }
0x24a: {  	v35 =	vld [tilespmem:s0+$0xFFFFFE10]  }
0x24b: {  	v33 =	vmov s1;
	v36 =	vld [tilespmem:s0+$0xFFFFFE20]  }
0x24c: {  	v38 =	vld [tilespmem:s0+$0xFFFFFE30];
	v33 =	vshrl.u32 v33, $0x3  }
0x24d: {  	v40 =	vld [tilespmem:s0+$0xFFFFFE40];
	s30 =	sadd.s32 $0x2, s1;
	v33 =	vshll.u32 v33, v1  }
0x24e: {  	v42 =	vld [tilespmem:s0+$0xFFFFFE50];
	v45 =	vmov s30;
	v33 =	vbroadcast v33, $0x0  }
0x24f: {  	v44 =	vld [tilespmem:s0+$0xFFFFFE60];
	v45 =	vshrl.u32 v45, $0x3  }
0x250: {  	s6 =	sadd.s32 $0x1, s1;
	v46 =	vld [tilespmem:s0+$0xFFFFFE70];
	v45 =	vshll.u32 v45, v1;
	v39 =	vadd.s32 v0, v33  }
0x251: {  	v61 =	vld [tilespmem:s0+$0xFFFFFE80];
	v37 =	vmov s6;
	v45 =	vbroadcast v45, $0x0;
	v41 =	vadd.s32 v2, v33  }
0x252: {  	v63 =	vld [tilespmem:s0+$0xFFFFFE90];
	v37 =	vshrl.u32 v37, $0x3;
	v43 =	vadd.s32 v3, v33  }
0x253: {  	v49 =	vld [tilespmem:s0+$0xFFFFFEA0];
	v37 =	vshll.u32 v37, v1;
	v52 =	vadd.s32 v9, v45  }
0x254: {  	v51 =	vld [tilespmem:s0+$0xFFFFFEB0];
	v37 =	vbroadcast v37, $0x0;
	v33 =	vadd.s32 v4, v33  }
0x255: {  	v53 =	vld [tilespmem:s0+$0xFFFFFEC0];
	v54 =	vadd.s32 v10, v45;
	[tilespmem:v39+s19+$0x0] =	vst.idx.msk $0xffff, v34  }
0x256: {  	s31 =	sadd.s32 $0x3, s1;
	v55 =	vld [tilespmem:s0+$0xFFFFFED0];
	v47 =	vadd.s32 v5, v37;
	[tilespmem:v41+s19+$0x0] =	vst.idx.msk $0xffff, v35  }
0x257: {  	v50 =	vmov s31;
	v56 =	vadd.s32 v11, v45;
	v35 =	vld [tilespmem:s0+$0xFFFFFEE0];
	[tilespmem:v43+s19+$0x0] =	vst.idx.msk $0xffff, v36  }
0x258: {  	v60 =	vadd.s32 v6, v37;
	v43 =	vshrl.u32 v50, $0x3;
	v36 =	vld [tilespmem:s0+$0xFFFFFEF0];
	[tilespmem:v52+s19+$0x0] =	vst.idx.msk $0xffff, v61  }
0x259: {  	v62 =	vadd.s32 v7, v37;
	[tilespmem:v33+s19+$0x0] =	vst.idx.msk $0xffff, v38;
	v43 =	vshll.u32 v43, v1  }
0x25a: {  	s20 =	sadd.s32 $0x4, s1;
	v48 =	vadd.s32 v8, v37;
	[tilespmem:v54+s19+$0x0] =	vst.idx.msk $0xffff, v63;
	v43 =	vbroadcast v43, $0x0  }
0x25b: {  	v58 =	vmov s20;
	v57 =	vadd.s32 v12, v45;
	[tilespmem:v47+s19+$0x0] =	vst.idx.msk $0xffff, v40  }
0x25c: {  	v45 =	vshrl.u32 v58, $0x3;
	[tilespmem:v56+s19+$0x0] =	vst.idx.msk $0xffff, v49;
	v59 =	vadd.s32 v13, v43  }
0x25d: {  	v45 =	vshll.u32 v45, v1;
	v61 =	vld [tilespmem:s0+$0xFFFFFF00];
	[tilespmem:v60+s19+$0x0] =	vst.idx.msk $0xffff, v42;
	v60 =	vadd.s32 v14, v43  }
0x25e: {  	s23 =	sadd.s32 $0x5, s1;
	v45 =	vbroadcast v45, $0x0;
	v63 =	vld [tilespmem:s0+$0xFFFFFF10];
	[tilespmem:v62+s19+$0x0] =	vst.idx.msk $0xffff, v44;
	v62 =	vadd.s32 v15, v43  }
0x25f: {  	v50 =	vmov s23;
	v49 =	vld [tilespmem:s0+$0xFFFFFF20];
	[tilespmem:v48+s19+$0x0] =	vst.idx.msk $0xffff, v46;
	v48 =	vadd.s32 v16, v43  }
0x260: {  	v52 =	vadd.s32 v17, v45;
	[tilespmem:v57+s19+$0x0] =	vst.idx.msk $0xffff, v51;
	v51 =	vld [tilespmem:s0+$0xFFFFFF30];
	v43 =	vshrl.u32 v50, $0x3  }
0x261: {  	v54 =	vadd.s32 v18, v45;
	v43 =	vshll.u32 v43, v1;
	[tilespmem:v59+s19+$0x0] =	vst.idx.msk $0xffff, v53;
	v53 =	vld [tilespmem:s0+$0xFFFFFF40]  }
0x262: {  	s28 =	sadd.s32 $0x6, s1;
	v56 =	vadd.s32 v19, v45;
	v43 =	vbroadcast v43, $0x0;
	[tilespmem:v60+s19+$0x0] =	vst.idx.msk $0xffff, v55;
	v55 =	vld [tilespmem:s0+$0xFFFFFF50]  }
0x263: {  	v58 =	vmov s28;
	v57 =	vadd.s32 v20, v45;
	[tilespmem:v62+s19+$0x0] =	vst.idx.msk $0xffff, v35;
	v35 =	vld [tilespmem:s0+$0xFFFFFF60]  }
0x264: {  	v45 =	vshrl.u32 v58, $0x3;
	v59 =	vadd.s32 v21, v43;
	[tilespmem:v48+s19+$0x0] =	vst.idx.msk $0xffff, v36;
	v36 =	vld [tilespmem:s0+$0xFFFFFF70]  }
0x265: {  	v45 =	vshll.u32 v45, v1;
	v60 =	vadd.s32 v22, v43;
	[tilespmem:v52+s19+$0x0] =	vst.idx.msk $0xffff, v61;
	v61 =	vld [tilespmem:s0+$0xFFFFFF80]  }
0x266: {  	s29 =	sadd.s32 $0x7, s1;
	v45 =	vbroadcast v45, $0x0;
	v62 =	vadd.s32 v23, v43;
	[tilespmem:v54+s19+$0x0] =	vst.idx.msk $0xffff, v63;
	v63 =	vld [tilespmem:s0+$0xFFFFFF90]  }
0x267: {  	v50 =	vmov s29;
	v48 =	vadd.s32 v24, v43;
	[tilespmem:v56+s19+$0x0] =	vst.idx.msk $0xffff, v49;
	v49 =	vld [tilespmem:s0+$0xFFFFFFA0]  }
0x268: {  	v52 =	vadd.s32 v25, v45;
	v43 =	vshrl.u32 v50, $0x3;
	[tilespmem:v57+s19+$0x0] =	vst.idx.msk $0xffff, v51;
	v51 =	vld [tilespmem:s0+$0xFFFFFFB0]  }
0x269: {  	v54 =	vadd.s32 v26, v45;
	v43 =	vshll.u32 v43, v1;
	v57 =	vld [tilespmem:s0+$0xFFFFFFE0];
	[tilespmem:v59+s19+$0x0] =	vst.idx.msk $0xffff, v53  }
0x26a: {  	s30 =	sadd.s32 $0x8, s1;
	v56 =	vadd.s32 v27, v45;
	v43 =	vbroadcast v43, $0x0;
	v53 =	vld [tilespmem:s0+$0xFFFFFFC0];
	[tilespmem:v60+s19+$0x0] =	vst.idx.msk $0xffff, v55  }
0x26b: {  	v58 =	vmov s30;
	v45 =	vadd.s32 v28, v45;
	v55 =	vld [tilespmem:s0+$0xFFFFFFD0];
	[tilespmem:v62+s19+$0x0] =	vst.idx.msk $0xffff, v35  }
0x26c: {  	v46 =	vshrl.u32 v58, $0x3;
	v59 =	vadd.s32 v29, v43;
	v35 =	vld [tilespmem:s0+$0x60];
	[tilespmem:v48+s19+$0x0] =	vst.idx.msk $0xffff, v36  }
0x26d: {  	v46 =	vshll.u32 v46, v1;
	v60 =	vadd.s32 v30, v43;
	v36 =	vld [tilespmem:s0+$0xFFFFFFF0];
	[tilespmem:v52+s19+$0x0] =	vst.idx.msk $0xffff, v61  }
0x26e: {  	s31 =	sadd.s32 $0x9, s1;
	v46 =	vbroadcast v46, $0x0;
	v62 =	vadd.s32 v31, v43;
	v61 =	vld [tilespmem:s0+$0x0];
	[tilespmem:v54+s19+$0x0] =	vst.idx.msk $0xffff, v63  }
0x26f: {  	v50 =	vmov s31;
	v48 =	vadd.s32 v32, v43;
	v63 =	vld [tilespmem:s0+$0x10];
	[tilespmem:v56+s19+$0x0] =	vst.idx.msk $0xffff, v49  }
0x270: {  	v52 =	vadd.s32 v0, v46;
	v43 =	vshrl.u32 v50, $0x3;
	v49 =	vld [tilespmem:s0+$0x20];
	[tilespmem:v45+s19+$0x0] =	vst.idx.msk $0xffff, v51  }
0x271: {  	v54 =	vadd.s32 v2, v46;
	v43 =	vshll.u32 v43, v1;
	v51 =	vld [tilespmem:s0+$0x30];
	[tilespmem:v59+s19+$0x0] =	vst.idx.msk $0xffff, v53  }
0x272: {  	s20 =	sadd.s32 $0xA, s1;
	v56 =	vadd.s32 v3, v46;
	v43 =	vbroadcast v43, $0x0;
	v53 =	vld [tilespmem:s0+$0x40];
	[tilespmem:v60+s19+$0x0] =	vst.idx.msk $0xffff, v55  }
0x273: {  	v58 =	vmov s20;
	v55 =	vld [tilespmem:s0+$0x50];
	[tilespmem:v62+s19+$0x0] =	vst.idx.msk $0xffff, v57;
	v57 =	vadd.s32 v4, v46  }
0x274: {  	v59 =	vadd.s32 v5, v43;
	v46 =	vshrl.u32 v58, $0x3;
	[tilespmem:v48+s19+$0x0] =	vst.idx.msk $0xffff, v36;
	v36 =	vld [tilespmem:s0+$0x70]  }
0x275: {  	v60 =	vadd.s32 v6, v43;
	[tilespmem:v52+s19+$0x0] =	vst.idx.msk $0xffff, v61;
	v61 =	vld [tilespmem:s0+$0x80];
	v46 =	vshll.u32 v46, v1  }
0x276: {  	s23 =	sadd.s32 $0xB, s1;
	v62 =	vadd.s32 v7, v43;
	[tilespmem:v54+s19+$0x0] =	vst.idx.msk $0xffff, v63;
	v63 =	vld [tilespmem:s0+$0x90];
	v46 =	vbroadcast v46, $0x0  }
0x277: {  	v50 =	vmov s23;
	v48 =	vadd.s32 v8, v43;
	[tilespmem:v56+s19+$0x0] =	vst.idx.msk $0xffff, v49;
	v49 =	vld [tilespmem:s0+$0xA0]  }
0x278: {  	v43 =	vshrl.u32 v50, $0x3;
	v52 =	vadd.s32 v9, v46;
	[tilespmem:v57+s19+$0x0] =	vst.idx.msk $0xffff, v51;
	v51 =	vld [tilespmem:s0+$0xB0]  }
0x279: {  	v43 =	vshll.u32 v43, v1;
	v54 =	vadd.s32 v10, v46;
	[tilespmem:v59+s19+$0x0] =	vst.idx.msk $0xffff, v53;
	v53 =	vld [tilespmem:s0+$0xC0]  }
0x27a: {  	s28 =	sadd.s32 $0xC, s1;
	v43 =	vbroadcast v43, $0x0;
	v56 =	vadd.s32 v11, v46;
	[tilespmem:v60+s19+$0x0] =	vst.idx.msk $0xffff, v55;
	v55 =	vld [tilespmem:s0+$0xD0]  }
0x27b: {  	v58 =	vmov s28;
	v57 =	vadd.s32 v12, v46;
	[tilespmem:v62+s19+$0x0] =	vst.idx.msk $0xffff, v35;
	v35 =	vld [tilespmem:s0+$0xE0]  }
0x27c: {  	v46 =	vshrl.u32 v58, $0x3;
	v59 =	vadd.s32 v13, v43;
	[tilespmem:v48+s19+$0x0] =	vst.idx.msk $0xffff, v36;
	v36 =	vld [tilespmem:s0+$0xF0]  }
0x27d: {  	v46 =	vshll.u32 v46, v1;
	v60 =	vadd.s32 v14, v43;
	[tilespmem:v52+s19+$0x0] =	vst.idx.msk $0xffff, v61;
	v61 =	vld [tilespmem:s0+$0x100]  }
0x27e: {  	v46 =	vbroadcast v46, $0x0;
	v62 =	vadd.s32 v15, v43;
	[tilespmem:v54+s19+$0x0] =	vst.idx.msk $0xffff, v63;
	v63 =	vld [tilespmem:s0+$0x110]  }
0x27f: {  	s29 =	sadd.s32 $0xD, s1;
	v48 =	vadd.s32 v16, v43;
	[tilespmem:v56+s19+$0x0] =	vst.idx.msk $0xffff, v49;
	v49 =	vld [tilespmem:s0+$0x120]  }
0x280: {  	v50 =	vmov s29;
	v52 =	vadd.s32 v17, v46;
	[tilespmem:v57+s19+$0x0] =	vst.idx.msk $0xffff, v51;
	v51 =	vld [tilespmem:s0+$0x130]  }
0x281: {  	s30 =	sadd.s32 $0xE, s1;
	v44 =	vshrl.u32 v50, $0x3;
	v54 =	vadd.s32 v18, v46;
	[tilespmem:v59+s19+$0x0] =	vst.idx.msk $0xffff, v53;
	v53 =	vld [tilespmem:s0+$0x140]  }
0x282: {  	v44 =	vshll.u32 v44, v1;
	v58 =	vmov s30;
	v56 =	vadd.s32 v19, v46;
	[tilespmem:v60+s19+$0x0] =	vst.idx.msk $0xffff, v55;
	v55 =	vld [tilespmem:s0+$0x150]  }
0x283: {  	v44 =	vbroadcast v44, $0x0;
	v57 =	vadd.s32 v20, v46;
	v46 =	vshrl.u32 v58, $0x3;
	[tilespmem:v62+s19+$0x0] =	vst.idx.msk $0xffff, v35;
	v35 =	vld [tilespmem:s0+$0x160]  }
0x284: {  	v46 =	vshll.u32 v46, v1;
	[tilespmem:v48+s19+$0x0] =	vst.idx.msk $0xffff, v36;
	v36 =	vld [tilespmem:s0+$0x170]  }
0x285: {  	v59 =	vadd.s32 v21, v44;
	v46 =	vbroadcast v46, $0x0;
	[tilespmem:v52+s19+$0x0] =	vst.idx.msk $0xffff, v61;
	v61 =	vld [tilespmem:s0+$0x180]  }
0x286: {  	v60 =	vadd.s32 v22, v44;
	[tilespmem:v54+s19+$0x0] =	vst.idx.msk $0xffff, v63;
	v63 =	vld [tilespmem:s0+$0x190]  }
0x287: {  	s31 =	sadd.s32 $0xF, s1;
	v52 =	vadd.s32 v25, v46;
	[tilespmem:v56+s19+$0x0] =	vst.idx.msk $0xffff, v49;
	v49 =	vld [tilespmem:s0+$0x1A0]  }
0x288: {  	v50 =	vmov s31;
	v62 =	vadd.s32 v23, v44;
	[tilespmem:v57+s19+$0x0] =	vst.idx.msk $0xffff, v51;
	v51 =	vld [tilespmem:s0+$0x1B0]  }
0x289: {  	v48 =	vadd.s32 v24, v44;
	v44 =	vshrl.u32 v50, $0x3;
	v54 =	vadd.s32 v26, v46;
	v57 =	vld [tilespmem:s0+$0x1E0]  }
0x28a: {  	v44 =	vshll.u32 v44, v1;
	[tilespmem:v59+s19+$0x0] =	vst.idx.msk $0xffff, v53;
	v53 =	vld [tilespmem:s0+$0x1C0]  }
0x28b: {  	v56 =	vadd.s32 v27, v46;
	v44 =	vbroadcast v44, $0x0;
	v59 =	vld [tilespmem:s0+$0x1F0];
	[tilespmem:v60+s19+$0x0] =	vst.idx.msk $0xffff, v55  }
0x28c: {  	v58 =	vadd.s32 v28, v46;
	v55 =	vld [tilespmem:s0+$0x1D0];
	[tilespmem:v52+s19+$0x0] =	vst.idx.msk $0xffff, v61  }
0x28d: {  	v60 =	vadd.s32 v29, v44;
	[tilespmem:v62+s19+$0x0] =	vst.idx.msk $0xffff, v35  }
0x28e: {  	v61 =	vadd.s32 v30, v44;
	[tilespmem:v54+s19+$0x0] =	vst.idx.msk $0xffff, v63  }
0x28f: {  	v62 =	vadd.s32 v31, v44;
	[tilespmem:v48+s19+$0x0] =	vst.idx.msk $0xffff, v36  }
0x290: {  	p0 =	slt.u32 s1, $0x70;
	v63 =	vadd.s32 v32, v44;
	[tilespmem:v56+s19+$0x0] =	vst.idx.msk $0xffff, v49  }
.Ltmp9:
0x291: {  	[tilespmem:v58+s19+$0x0] =	vst.idx.msk $0xffff, v51;
	(pc) =	sbr.rel @p0 .LBB2_20-.Ltmp9, $4  }
0x292: {  	[tilespmem:v60+s19+$0x0] =	vst.idx.msk $0xffff, v53  }
0x293: {  	[tilespmem:v61+s19+$0x0] =	vst.idx.msk $0xffff, v55  }
0x294: {  	[tilespmem:v62+s19+$0x0] =	vst.idx.msk $0xffff, v57  }
0x295: {  	s1 =	sadd.s32 $0x10, s1;
	s0 =	sadd.s32 $0x400, s0;
	[tilespmem:v63+s19+$0x0] =	vst.idx.msk $0xffff, v59  }
0x296: {  	s0 =	simm.s32 $0xA400  }
0x297: {  	[hbm4b:s11+s4] =	stream.linear.scatter [tilespmem:s0], [sflag:$0x3], $0x80, $0x38;
	[tilespmem:$0x10800] =	vst v63  }
0x298: {  	s20 =	simm.s32 $0xA488;
	s1 =	sadd.s32 $0x10, s11  }
0x299: {  	[hbm4b:s1+s4] =	stream.linear.scatter [tilespmem:s20], [sflag:$0x3], $0x80, $0x38;
	[tilespmem:$0x10800] =	vst v63  }
0x29a: {  	s23 =	simm.s32 $0xA510;
	s29 =	sadd.s32 $0x20, s11;
	s30 =	simm.s32 $0xA598  }
0x29b: {  	[hbm4b:s29+s4] =	stream.linear.scatter [tilespmem:s23], [sflag:$0x3], $0x80, $0x38;
	[tilespmem:$0x10800] =	vst v63  }
0x29c: {  	s31 =	sadd.s32 $0x30, s11;
	s6 =	simm.s32 $0xA620;
	s28 =	simm.s32 $0x2200  }
0x29d: {  	[hbm4b:s31+s4] =	stream.linear.scatter [tilespmem:s30], [sflag:$0x3], $0x80, $0x38;
	[tilespmem:$0x10800] =	vst v63  }
0x29e: {  	s0 =	simm.s32 $0x440;
	s20 =	sadd.s32 $0x40, s11;
	s1 =	sadd.s32 $0x1000, s11  }
0x29f: {  	[hbm4b:s20+s4] =	stream.linear.scatter [tilespmem:s6], [sflag:$0x3], $0x80, $0x38;
	[tilespmem:$0x10800] =	vst v63  }
0x2a0: {  	s23 =	simm.s32 $0xA6A8;
	s29 =	sadd.s32 $0x50, s11;
	s30 =	simm.s32 $0xA730  }
0x2a1: {  	[hbm4b:s29+s4] =	stream.linear.scatter [tilespmem:s23], [sflag:$0x3], $0x80, $0x38;
	[tilespmem:$0x10800] =	vst v63  }
0x2a2: {  	s31 =	sadd.s32 $0x60, s11;
	s20 =	simm.s32 $0xA7B8;
	s23 =	sadd.s32 $0x70, s11  }
0x2a3: {  	[hbm4b:s31+s4] =	stream.linear.scatter [tilespmem:s30], [sflag:$0x3], $0x80, $0x38;
	[tilespmem:$0x10800] =	vst v63  }
.LBB2_22:
0x2a4: {  	[hbm4b:s23+s4] =	stream.linear.scatter [tilespmem:s20], [sflag:$0x3], $0x80, $0x38;
	[tilespmem:$0x10800] =	vst v63  }
0x2a5: {  	s6 =	smov.u32 s0;
	s0 =	smov.u32 s28  }
0x2a6: {  	s29 =	sadd.s32 $0x1100, s28;
	s0 =	sshra.s32 s0, $0x2;
	s20 =	sadd.s32 $0xA400, s6  }
0x2a7: {  	[hbm4b:s1+s4] =	stream.linear.scatter [tilespmem:s20], [sflag:$0x3], $0x80, $0x38;
	[tilespmem:$0x10800] =	vst v63  }
0x2a8: {  	p0 =	sne.s32 s28, $0x7700;
	s23 =	sadd.s32 $0x10, s1;
	s20 =	sadd.s32 $0xA488, s6  }
0x2a9: {  	[hbm4b:s23+s4] =	stream.linear.scatter [tilespmem:s20], [sflag:$0x3], $0x80, $0x38;
	[tilespmem:$0x10800] =	vst v63  }
0x2aa: {  	s20 =	sadd.s32 $0xA510, s6;
	s23 =	sadd.s32 $0x20, s1  }
0x2ab: {  	[hbm4b:s23+s4] =	stream.linear.scatter [tilespmem:s20], [sflag:$0x3], $0x80, $0x38;
	[tilespmem:$0x10800] =	vst v63  }
0x2ac: {  	s20 =	sadd.s32 $0xA598, s6;
	s23 =	sadd.s32 $0x30, s1  }
0x2ad: {  	[hbm4b:s23+s4] =	stream.linear.scatter [tilespmem:s20], [sflag:$0x3], $0x80, $0x38;
	[tilespmem:$0x10800] =	vst v63  }
0x2ae: {  	s20 =	sadd.s32 $0xA620, s6;
	s23 =	sadd.s32 $0x40, s1  }
0x2af: {  	[hbm4b:s23+s4] =	stream.linear.scatter [tilespmem:s20], [sflag:$0x3], $0x80, $0x38;
	[tilespmem:$0x10800] =	vst v63  }
.Ltmp10:
0x2b0: {  	s20 =	sadd.s32 $0xA6A8, s6;
	s23 =	sadd.s32 $0x50, s1;
	(pc) =	sbr.rel @p0 .LBB2_22-.Ltmp10, $4  }
0x2b1: {  	[hbm4b:s23+s4] =	stream.linear.scatter [tilespmem:s20], [sflag:$0x3], $0x80, $0x38;
	[tilespmem:$0x10800] =	vst v63  }
0x2b2: {  	s28 =	smov.u32 s29;
	s20 =	sadd.s32 $0xA730, s6;
	s23 =	sadd.s32 $0x60, s1  }
0x2b3: {  	[hbm4b:s23+s4] =	stream.linear.scatter [tilespmem:s20], [sflag:$0x3], $0x80, $0x38;
	[tilespmem:$0x10800] =	vst v63  }
0x2b4: {  	s20 =	sadd.s32 $0xA7B8, s6;
	s23 =	sadd.s32 $0x70, s1;
	s1 =	sadd.s32 $0x1000, s1  }
0x2b5: {  	[hbm4b:s23+s4] =	stream.linear.scatter [tilespmem:s20], [sflag:$0x3], $0x80, $0x38;
	[tilespmem:$0x10800] =	vst v63  }
0x2b6: {  	s6 =	sadd.s32 $0xA400, s0  }
0x2b7: {  	[hbm4b:s1+s4] =	stream.linear.scatter [tilespmem:s6], [sflag:$0x3], $0x80, $0x38;
	[tilespmem:$0x10800] =	vst v63  }
0x2b8: {  	s30 =	sadd.s32 $0xA488, s0;
	s31 =	sadd.s32 $0x10, s1  }
0x2b9: {  	[hbm4b:s31+s4] =	stream.linear.scatter [tilespmem:s30], [sflag:$0x3], $0x80, $0x38;
	[tilespmem:$0x10800] =	vst v63  }
0x2ba: {  	s20 =	sadd.s32 $0xA510, s0;
	s23 =	sadd.s32 $0x20, s1  }
0x2bb: {  	[hbm4b:s23+s4] =	stream.linear.scatter [tilespmem:s20], [sflag:$0x3], $0x80, $0x38;
	[tilespmem:$0x10800] =	vst v63  }
0x2bc: {  	s28 =	sadd.s32 $0xA598, s0;
	s29 =	sadd.s32 $0x30, s1  }
0x2bd: {  	[hbm4b:s29+s4] =	stream.linear.scatter [tilespmem:s28], [sflag:$0x3], $0x80, $0x38;
	[tilespmem:$0x10800] =	vst v63  }
0x2be: {  	s30 =	sadd.s32 $0xA620, s0;
	s31 =	sadd.s32 $0x40, s1  }
0x2bf: {  	[hbm4b:s31+s4] =	stream.linear.scatter [tilespmem:s30], [sflag:$0x3], $0x80, $0x38;
	[tilespmem:$0x10800] =	vst v63  }
0x2c0: {  	s20 =	sadd.s32 $0xA6A8, s0;
	s23 =	sadd.s32 $0x50, s1  }
0x2c1: {  	[hbm4b:s23+s4] =	stream.linear.scatter [tilespmem:s20], [sflag:$0x3], $0x80, $0x38;
	[tilespmem:$0x10800] =	vst v63  }
0x2c2: {  	s28 =	sadd.s32 $0xA730, s0;
	s29 =	sadd.s32 $0x60, s1  }
0x2c3: {  	[hbm4b:s29+s4] =	stream.linear.scatter [tilespmem:s28], [sflag:$0x3], $0x80, $0x38;
	[tilespmem:$0x10800] =	vst v63  }
0x2c4: {  	s30 =	sadd.s32 $0xA7B8, s0;
	s31 =	sadd.s32 $0x70, s1  }
0x2c5: {  	[hbm4b:s31+s4] =	stream.linear.scatter [tilespmem:s30], [sflag:$0x3], $0x80, $0x38;
	[tilespmem:$0x10800] =	vst v63  }
0x2c6: {  	_ =	swait.ge [sflag:s21], $0x2000  }
0x2c7: {  	[sflag:s21] =	ssyncset.done $0x0  }
0x2c8: {  	[sflag:s21] =	ssyncadd.s32 $0xFFFFE000  }
0x2c9: {  	_ =	swait.ge [sflag:s25], $0x2000  }
0x2ca: {  	[sflag:s25] =	ssyncset.done $0x0  }
0x2cb: {  	s1 =	simm.s32 $0x0;
	s0 =	simm.s32 $0x8600;
	[sflag:s25] =	ssyncadd.s32 $0xFFFFE000  }
.LBB2_24:
0x2cc: {  	v34 =	vld [tilespmem:s0+$0xFFFFFE00]  }
0x2cd: {  	v35 =	vld [tilespmem:s0+$0xFFFFFE10]  }
0x2ce: {  	v33 =	vmov s1;
	v36 =	vld [tilespmem:s0+$0xFFFFFE20]  }
0x2cf: {  	v38 =	vld [tilespmem:s0+$0xFFFFFE30];
	v33 =	vshrl.u32 v33, $0x3  }
0x2d0: {  	v40 =	vld [tilespmem:s0+$0xFFFFFE40];
	s30 =	sadd.s32 $0x2, s1;
	v33 =	vshll.u32 v33, v1  }
0x2d1: {  	v42 =	vld [tilespmem:s0+$0xFFFFFE50];
	v45 =	vmov s30;
	v33 =	vbroadcast v33, $0x0  }
0x2d2: {  	v44 =	vld [tilespmem:s0+$0xFFFFFE60];
	v45 =	vshrl.u32 v45, $0x3  }
0x2d3: {  	s6 =	sadd.s32 $0x1, s1;
	v46 =	vld [tilespmem:s0+$0xFFFFFE70];
	v45 =	vshll.u32 v45, v1;
	v39 =	vadd.s32 v0, v33  }
0x2d4: {  	v61 =	vld [tilespmem:s0+$0xFFFFFE80];
	v37 =	vmov s6;
	v45 =	vbroadcast v45, $0x0;
	v41 =	vadd.s32 v2, v33  }
0x2d5: {  	v63 =	vld [tilespmem:s0+$0xFFFFFE90];
	v37 =	vshrl.u32 v37, $0x3;
	v43 =	vadd.s32 v3, v33  }
0x2d6: {  	v49 =	vld [tilespmem:s0+$0xFFFFFEA0];
	v37 =	vshll.u32 v37, v1;
	v52 =	vadd.s32 v9, v45  }
0x2d7: {  	v51 =	vld [tilespmem:s0+$0xFFFFFEB0];
	v37 =	vbroadcast v37, $0x0;
	v33 =	vadd.s32 v4, v33  }
0x2d8: {  	v53 =	vld [tilespmem:s0+$0xFFFFFEC0];
	v54 =	vadd.s32 v10, v45;
	[tilespmem:v39+s22+$0x0] =	vst.idx.msk $0xffff, v34  }
0x2d9: {  	s31 =	sadd.s32 $0x3, s1;
	v55 =	vld [tilespmem:s0+$0xFFFFFED0];
	v47 =	vadd.s32 v5, v37;
	[tilespmem:v41+s22+$0x0] =	vst.idx.msk $0xffff, v35  }
0x2da: {  	v50 =	vmov s31;
	v56 =	vadd.s32 v11, v45;
	v35 =	vld [tilespmem:s0+$0xFFFFFEE0];
	[tilespmem:v43+s22+$0x0] =	vst.idx.msk $0xffff, v36  }
0x2db: {  	v60 =	vadd.s32 v6, v37;
	v43 =	vshrl.u32 v50, $0x3;
	v36 =	vld [tilespmem:s0+$0xFFFFFEF0];
	[tilespmem:v52+s22+$0x0] =	vst.idx.msk $0xffff, v61  }
0x2dc: {  	v62 =	vadd.s32 v7, v37;
	[tilespmem:v33+s22+$0x0] =	vst.idx.msk $0xffff, v38;
	v43 =	vshll.u32 v43, v1  }
0x2dd: {  	s20 =	sadd.s32 $0x4, s1;
	v48 =	vadd.s32 v8, v37;
	[tilespmem:v54+s22+$0x0] =	vst.idx.msk $0xffff, v63;
	v43 =	vbroadcast v43, $0x0  }
0x2de: {  	v58 =	vmov s20;
	v57 =	vadd.s32 v12, v45;
	[tilespmem:v47+s22+$0x0] =	vst.idx.msk $0xffff, v40  }
0x2df: {  	v45 =	vshrl.u32 v58, $0x3;
	[tilespmem:v56+s22+$0x0] =	vst.idx.msk $0xffff, v49;
	v59 =	vadd.s32 v13, v43  }
0x2e0: {  	v45 =	vshll.u32 v45, v1;
	v61 =	vld [tilespmem:s0+$0xFFFFFF00];
	[tilespmem:v60+s22+$0x0] =	vst.idx.msk $0xffff, v42;
	v60 =	vadd.s32 v14, v43  }
0x2e1: {  	s23 =	sadd.s32 $0x5, s1;
	v45 =	vbroadcast v45, $0x0;
	v63 =	vld [tilespmem:s0+$0xFFFFFF10];
	[tilespmem:v62+s22+$0x0] =	vst.idx.msk $0xffff, v44;
	v62 =	vadd.s32 v15, v43  }
0x2e2: {  	v50 =	vmov s23;
	v49 =	vld [tilespmem:s0+$0xFFFFFF20];
	[tilespmem:v48+s22+$0x0] =	vst.idx.msk $0xffff, v46;
	v48 =	vadd.s32 v16, v43  }
0x2e3: {  	v52 =	vadd.s32 v17, v45;
	[tilespmem:v57+s22+$0x0] =	vst.idx.msk $0xffff, v51;
	v51 =	vld [tilespmem:s0+$0xFFFFFF30];
	v43 =	vshrl.u32 v50, $0x3  }
0x2e4: {  	v54 =	vadd.s32 v18, v45;
	v43 =	vshll.u32 v43, v1;
	[tilespmem:v59+s22+$0x0] =	vst.idx.msk $0xffff, v53;
	v53 =	vld [tilespmem:s0+$0xFFFFFF40]  }
0x2e5: {  	s28 =	sadd.s32 $0x6, s1;
	v56 =	vadd.s32 v19, v45;
	v43 =	vbroadcast v43, $0x0;
	[tilespmem:v60+s22+$0x0] =	vst.idx.msk $0xffff, v55;
	v55 =	vld [tilespmem:s0+$0xFFFFFF50]  }
0x2e6: {  	v58 =	vmov s28;
	v57 =	vadd.s32 v20, v45;
	[tilespmem:v62+s22+$0x0] =	vst.idx.msk $0xffff, v35;
	v35 =	vld [tilespmem:s0+$0xFFFFFF60]  }
0x2e7: {  	v45 =	vshrl.u32 v58, $0x3;
	v59 =	vadd.s32 v21, v43;
	[tilespmem:v48+s22+$0x0] =	vst.idx.msk $0xffff, v36;
	v36 =	vld [tilespmem:s0+$0xFFFFFF70]  }
0x2e8: {  	v45 =	vshll.u32 v45, v1;
	v60 =	vadd.s32 v22, v43;
	[tilespmem:v52+s22+$0x0] =	vst.idx.msk $0xffff, v61;
	v61 =	vld [tilespmem:s0+$0xFFFFFF80]  }
0x2e9: {  	s29 =	sadd.s32 $0x7, s1;
	v45 =	vbroadcast v45, $0x0;
	v62 =	vadd.s32 v23, v43;
	[tilespmem:v54+s22+$0x0] =	vst.idx.msk $0xffff, v63;
	v63 =	vld [tilespmem:s0+$0xFFFFFF90]  }
0x2ea: {  	v50 =	vmov s29;
	v48 =	vadd.s32 v24, v43;
	[tilespmem:v56+s22+$0x0] =	vst.idx.msk $0xffff, v49;
	v49 =	vld [tilespmem:s0+$0xFFFFFFA0]  }
0x2eb: {  	v52 =	vadd.s32 v25, v45;
	v43 =	vshrl.u32 v50, $0x3;
	[tilespmem:v57+s22+$0x0] =	vst.idx.msk $0xffff, v51;
	v51 =	vld [tilespmem:s0+$0xFFFFFFB0]  }
0x2ec: {  	v54 =	vadd.s32 v26, v45;
	v43 =	vshll.u32 v43, v1;
	v57 =	vld [tilespmem:s0+$0xFFFFFFE0];
	[tilespmem:v59+s22+$0x0] =	vst.idx.msk $0xffff, v53  }
0x2ed: {  	s30 =	sadd.s32 $0x8, s1;
	v56 =	vadd.s32 v27, v45;
	v43 =	vbroadcast v43, $0x0;
	v53 =	vld [tilespmem:s0+$0xFFFFFFC0];
	[tilespmem:v60+s22+$0x0] =	vst.idx.msk $0xffff, v55  }
0x2ee: {  	v58 =	vmov s30;
	v45 =	vadd.s32 v28, v45;
	v55 =	vld [tilespmem:s0+$0xFFFFFFD0];
	[tilespmem:v62+s22+$0x0] =	vst.idx.msk $0xffff, v35  }
0x2ef: {  	v46 =	vshrl.u32 v58, $0x3;
	v59 =	vadd.s32 v29, v43;
	v35 =	vld [tilespmem:s0+$0x60];
	[tilespmem:v48+s22+$0x0] =	vst.idx.msk $0xffff, v36  }
0x2f0: {  	v46 =	vshll.u32 v46, v1;
	v60 =	vadd.s32 v30, v43;
	v36 =	vld [tilespmem:s0+$0xFFFFFFF0];
	[tilespmem:v52+s22+$0x0] =	vst.idx.msk $0xffff, v61  }
0x2f1: {  	s31 =	sadd.s32 $0x9, s1;
	v46 =	vbroadcast v46, $0x0;
	v62 =	vadd.s32 v31, v43;
	v61 =	vld [tilespmem:s0+$0x0];
	[tilespmem:v54+s22+$0x0] =	vst.idx.msk $0xffff, v63  }
0x2f2: {  	v50 =	vmov s31;
	v48 =	vadd.s32 v32, v43;
	v63 =	vld [tilespmem:s0+$0x10];
	[tilespmem:v56+s22+$0x0] =	vst.idx.msk $0xffff, v49  }
0x2f3: {  	v52 =	vadd.s32 v0, v46;
	v43 =	vshrl.u32 v50, $0x3;
	v49 =	vld [tilespmem:s0+$0x20];
	[tilespmem:v45+s22+$0x0] =	vst.idx.msk $0xffff, v51  }
0x2f4: {  	v54 =	vadd.s32 v2, v46;
	v43 =	vshll.u32 v43, v1;
	v51 =	vld [tilespmem:s0+$0x30];
	[tilespmem:v59+s22+$0x0] =	vst.idx.msk $0xffff, v53  }
0x2f5: {  	s20 =	sadd.s32 $0xA, s1;
	v56 =	vadd.s32 v3, v46;
	v43 =	vbroadcast v43, $0x0;
	v53 =	vld [tilespmem:s0+$0x40];
	[tilespmem:v60+s22+$0x0] =	vst.idx.msk $0xffff, v55  }
0x2f6: {  	v58 =	vmov s20;
	v55 =	vld [tilespmem:s0+$0x50];
	[tilespmem:v62+s22+$0x0] =	vst.idx.msk $0xffff, v57;
	v57 =	vadd.s32 v4, v46  }
0x2f7: {  	v59 =	vadd.s32 v5, v43;
	v46 =	vshrl.u32 v58, $0x3;
	[tilespmem:v48+s22+$0x0] =	vst.idx.msk $0xffff, v36;
	v36 =	vld [tilespmem:s0+$0x70]  }
0x2f8: {  	v60 =	vadd.s32 v6, v43;
	[tilespmem:v52+s22+$0x0] =	vst.idx.msk $0xffff, v61;
	v61 =	vld [tilespmem:s0+$0x80];
	v46 =	vshll.u32 v46, v1  }
0x2f9: {  	s23 =	sadd.s32 $0xB, s1;
	v62 =	vadd.s32 v7, v43;
	[tilespmem:v54+s22+$0x0] =	vst.idx.msk $0xffff, v63;
	v63 =	vld [tilespmem:s0+$0x90];
	v46 =	vbroadcast v46, $0x0  }
0x2fa: {  	v50 =	vmov s23;
	v48 =	vadd.s32 v8, v43;
	[tilespmem:v56+s22+$0x0] =	vst.idx.msk $0xffff, v49;
	v49 =	vld [tilespmem:s0+$0xA0]  }
0x2fb: {  	v43 =	vshrl.u32 v50, $0x3;
	v52 =	vadd.s32 v9, v46;
	[tilespmem:v57+s22+$0x0] =	vst.idx.msk $0xffff, v51;
	v51 =	vld [tilespmem:s0+$0xB0]  }
0x2fc: {  	v43 =	vshll.u32 v43, v1;
	v54 =	vadd.s32 v10, v46;
	[tilespmem:v59+s22+$0x0] =	vst.idx.msk $0xffff, v53;
	v53 =	vld [tilespmem:s0+$0xC0]  }
0x2fd: {  	s28 =	sadd.s32 $0xC, s1;
	v43 =	vbroadcast v43, $0x0;
	v56 =	vadd.s32 v11, v46;
	[tilespmem:v60+s22+$0x0] =	vst.idx.msk $0xffff, v55;
	v55 =	vld [tilespmem:s0+$0xD0]  }
0x2fe: {  	v58 =	vmov s28;
	v57 =	vadd.s32 v12, v46;
	[tilespmem:v62+s22+$0x0] =	vst.idx.msk $0xffff, v35;
	v35 =	vld [tilespmem:s0+$0xE0]  }
0x2ff: {  	v46 =	vshrl.u32 v58, $0x3;
	v59 =	vadd.s32 v13, v43;
	[tilespmem:v48+s22+$0x0] =	vst.idx.msk $0xffff, v36;
	v36 =	vld [tilespmem:s0+$0xF0]  }
0x300: {  	v46 =	vshll.u32 v46, v1;
	v60 =	vadd.s32 v14, v43;
	[tilespmem:v52+s22+$0x0] =	vst.idx.msk $0xffff, v61;
	v61 =	vld [tilespmem:s0+$0x100]  }
0x301: {  	v46 =	vbroadcast v46, $0x0;
	v62 =	vadd.s32 v15, v43;
	[tilespmem:v54+s22+$0x0] =	vst.idx.msk $0xffff, v63;
	v63 =	vld [tilespmem:s0+$0x110]  }
0x302: {  	s29 =	sadd.s32 $0xD, s1;
	v48 =	vadd.s32 v16, v43;
	[tilespmem:v56+s22+$0x0] =	vst.idx.msk $0xffff, v49;
	v49 =	vld [tilespmem:s0+$0x120]  }
0x303: {  	v50 =	vmov s29;
	v52 =	vadd.s32 v17, v46;
	[tilespmem:v57+s22+$0x0] =	vst.idx.msk $0xffff, v51;
	v51 =	vld [tilespmem:s0+$0x130]  }
0x304: {  	s30 =	sadd.s32 $0xE, s1;
	v44 =	vshrl.u32 v50, $0x3;
	v54 =	vadd.s32 v18, v46;
	[tilespmem:v59+s22+$0x0] =	vst.idx.msk $0xffff, v53;
	v53 =	vld [tilespmem:s0+$0x140]  }
0x305: {  	v44 =	vshll.u32 v44, v1;
	v58 =	vmov s30;
	v56 =	vadd.s32 v19, v46;
	[tilespmem:v60+s22+$0x0] =	vst.idx.msk $0xffff, v55;
	v55 =	vld [tilespmem:s0+$0x150]  }
0x306: {  	v44 =	vbroadcast v44, $0x0;
	v57 =	vadd.s32 v20, v46;
	v46 =	vshrl.u32 v58, $0x3;
	[tilespmem:v62+s22+$0x0] =	vst.idx.msk $0xffff, v35;
	v35 =	vld [tilespmem:s0+$0x160]  }
0x307: {  	v46 =	vshll.u32 v46, v1;
	[tilespmem:v48+s22+$0x0] =	vst.idx.msk $0xffff, v36;
	v36 =	vld [tilespmem:s0+$0x170]  }
0x308: {  	v59 =	vadd.s32 v21, v44;
	v46 =	vbroadcast v46, $0x0;
	[tilespmem:v52+s22+$0x0] =	vst.idx.msk $0xffff, v61;
	v61 =	vld [tilespmem:s0+$0x180]  }
0x309: {  	v60 =	vadd.s32 v22, v44;
	[tilespmem:v54+s22+$0x0] =	vst.idx.msk $0xffff, v63;
	v63 =	vld [tilespmem:s0+$0x190]  }
0x30a: {  	s31 =	sadd.s32 $0xF, s1;
	v52 =	vadd.s32 v25, v46;
	[tilespmem:v56+s22+$0x0] =	vst.idx.msk $0xffff, v49;
	v49 =	vld [tilespmem:s0+$0x1A0]  }
0x30b: {  	v50 =	vmov s31;
	v62 =	vadd.s32 v23, v44;
	[tilespmem:v57+s22+$0x0] =	vst.idx.msk $0xffff, v51;
	v51 =	vld [tilespmem:s0+$0x1B0]  }
0x30c: {  	v48 =	vadd.s32 v24, v44;
	v44 =	vshrl.u32 v50, $0x3;
	v54 =	vadd.s32 v26, v46;
	v57 =	vld [tilespmem:s0+$0x1E0]  }
0x30d: {  	v44 =	vshll.u32 v44, v1;
	[tilespmem:v59+s22+$0x0] =	vst.idx.msk $0xffff, v53;
	v53 =	vld [tilespmem:s0+$0x1C0]  }
0x30e: {  	v56 =	vadd.s32 v27, v46;
	v44 =	vbroadcast v44, $0x0;
	v59 =	vld [tilespmem:s0+$0x1F0];
	[tilespmem:v60+s22+$0x0] =	vst.idx.msk $0xffff, v55  }
0x30f: {  	v58 =	vadd.s32 v28, v46;
	v55 =	vld [tilespmem:s0+$0x1D0];
	[tilespmem:v52+s22+$0x0] =	vst.idx.msk $0xffff, v61  }
0x310: {  	v60 =	vadd.s32 v29, v44;
	[tilespmem:v62+s22+$0x0] =	vst.idx.msk $0xffff, v35  }
0x311: {  	v61 =	vadd.s32 v30, v44;
	[tilespmem:v54+s22+$0x0] =	vst.idx.msk $0xffff, v63  }
0x312: {  	v62 =	vadd.s32 v31, v44;
	[tilespmem:v48+s22+$0x0] =	vst.idx.msk $0xffff, v36  }
0x313: {  	p0 =	slt.u32 s1, $0x70;
	v63 =	vadd.s32 v32, v44;
	[tilespmem:v56+s22+$0x0] =	vst.idx.msk $0xffff, v49  }
.Ltmp11:
0x314: {  	[tilespmem:v58+s22+$0x0] =	vst.idx.msk $0xffff, v51;
	(pc) =	sbr.rel @p0 .LBB2_24-.Ltmp11, $4  }
0x315: {  	[tilespmem:v60+s22+$0x0] =	vst.idx.msk $0xffff, v53  }
0x316: {  	[tilespmem:v61+s22+$0x0] =	vst.idx.msk $0xffff, v55  }
0x317: {  	[tilespmem:v62+s22+$0x0] =	vst.idx.msk $0xffff, v57  }
0x318: {  	s1 =	sadd.s32 $0x10, s1;
	s0 =	sadd.s32 $0x400, s0;
	[tilespmem:v63+s22+$0x0] =	vst.idx.msk $0xffff, v59  }
0x319: {  	s0 =	simm.s32 $0xC600  }
0x31a: {  	[hbm4b:s12+s4] =	stream.linear.scatter [tilespmem:s0], [sflag:$0x4], $0x80, $0x38;
	[tilespmem:$0x10800] =	vst v63  }
0x31b: {  	s20 =	simm.s32 $0xC688;
	s1 =	sadd.s32 $0x10, s12  }
0x31c: {  	[hbm4b:s1+s4] =	stream.linear.scatter [tilespmem:s20], [sflag:$0x4], $0x80, $0x38;
	[tilespmem:$0x10800] =	vst v63  }
0x31d: {  	s23 =	simm.s32 $0xC710;
	s29 =	sadd.s32 $0x20, s12;
	s30 =	simm.s32 $0xC798  }
0x31e: {  	[hbm4b:s29+s4] =	stream.linear.scatter [tilespmem:s23], [sflag:$0x4], $0x80, $0x38;
	[tilespmem:$0x10800] =	vst v63  }
0x31f: {  	s31 =	sadd.s32 $0x30, s12;
	s6 =	simm.s32 $0xC820;
	s28 =	simm.s32 $0x2200  }
0x320: {  	[hbm4b:s31+s4] =	stream.linear.scatter [tilespmem:s30], [sflag:$0x4], $0x80, $0x38;
	[tilespmem:$0x10800] =	vst v63  }
0x321: {  	s0 =	simm.s32 $0x440;
	s20 =	sadd.s32 $0x40, s12;
	s1 =	sadd.s32 $0x1000, s12  }
0x322: {  	[hbm4b:s20+s4] =	stream.linear.scatter [tilespmem:s6], [sflag:$0x4], $0x80, $0x38;
	[tilespmem:$0x10800] =	vst v63  }
0x323: {  	s23 =	simm.s32 $0xC8A8;
	s29 =	sadd.s32 $0x50, s12;
	s30 =	simm.s32 $0xC930  }
0x324: {  	[hbm4b:s29+s4] =	stream.linear.scatter [tilespmem:s23], [sflag:$0x4], $0x80, $0x38;
	[tilespmem:$0x10800] =	vst v63  }
0x325: {  	s31 =	sadd.s32 $0x60, s12;
	s20 =	simm.s32 $0xC9B8;
	s23 =	sadd.s32 $0x70, s12  }
0x326: {  	[hbm4b:s31+s4] =	stream.linear.scatter [tilespmem:s30], [sflag:$0x4], $0x80, $0x38;
	[tilespmem:$0x10800] =	vst v63  }
.LBB2_26:
0x327: {  	[hbm4b:s23+s4] =	stream.linear.scatter [tilespmem:s20], [sflag:$0x4], $0x80, $0x38;
	[tilespmem:$0x10800] =	vst v63  }
0x328: {  	s6 =	smov.u32 s0;
	s0 =	smov.u32 s28  }
0x329: {  	s29 =	sadd.s32 $0x1100, s28;
	s0 =	sshra.s32 s0, $0x2;
	s20 =	sadd.s32 $0xC600, s6  }
0x32a: {  	[hbm4b:s1+s4] =	stream.linear.scatter [tilespmem:s20], [sflag:$0x4], $0x80, $0x38;
	[tilespmem:$0x10800] =	vst v63  }
0x32b: {  	p0 =	sne.s32 s28, $0x7700;
	s23 =	sadd.s32 $0x10, s1;
	s20 =	sadd.s32 $0xC688, s6  }
0x32c: {  	[hbm4b:s23+s4] =	stream.linear.scatter [tilespmem:s20], [sflag:$0x4], $0x80, $0x38;
	[tilespmem:$0x10800] =	vst v63  }
0x32d: {  	s20 =	sadd.s32 $0xC710, s6;
	s23 =	sadd.s32 $0x20, s1  }
0x32e: {  	[hbm4b:s23+s4] =	stream.linear.scatter [tilespmem:s20], [sflag:$0x4], $0x80, $0x38;
	[tilespmem:$0x10800] =	vst v63  }
0x32f: {  	s20 =	sadd.s32 $0xC798, s6;
	s23 =	sadd.s32 $0x30, s1  }
0x330: {  	[hbm4b:s23+s4] =	stream.linear.scatter [tilespmem:s20], [sflag:$0x4], $0x80, $0x38;
	[tilespmem:$0x10800] =	vst v63  }
0x331: {  	s20 =	sadd.s32 $0xC820, s6;
	s23 =	sadd.s32 $0x40, s1  }
0x332: {  	[hbm4b:s23+s4] =	stream.linear.scatter [tilespmem:s20], [sflag:$0x4], $0x80, $0x38;
	[tilespmem:$0x10800] =	vst v63  }
.Ltmp12:
0x333: {  	s20 =	sadd.s32 $0xC8A8, s6;
	s23 =	sadd.s32 $0x50, s1;
	(pc) =	sbr.rel @p0 .LBB2_26-.Ltmp12, $4  }
0x334: {  	[hbm4b:s23+s4] =	stream.linear.scatter [tilespmem:s20], [sflag:$0x4], $0x80, $0x38;
	[tilespmem:$0x10800] =	vst v63  }
0x335: {  	s28 =	smov.u32 s29;
	s20 =	sadd.s32 $0xC930, s6;
	s23 =	sadd.s32 $0x60, s1  }
0x336: {  	[hbm4b:s23+s4] =	stream.linear.scatter [tilespmem:s20], [sflag:$0x4], $0x80, $0x38;
	[tilespmem:$0x10800] =	vst v63  }
0x337: {  	s20 =	sadd.s32 $0xC9B8, s6;
	s23 =	sadd.s32 $0x70, s1;
	s1 =	sadd.s32 $0x1000, s1  }
0x338: {  	[hbm4b:s23+s4] =	stream.linear.scatter [tilespmem:s20], [sflag:$0x4], $0x80, $0x38;
	[tilespmem:$0x10800] =	vst v63  }
0x339: {  	s6 =	sadd.s32 $0xC600, s0  }
0x33a: {  	[hbm4b:s1+s4] =	stream.linear.scatter [tilespmem:s6], [sflag:$0x4], $0x80, $0x38;
	[tilespmem:$0x10800] =	vst v63  }
0x33b: {  	s30 =	sadd.s32 $0xC688, s0;
	s31 =	sadd.s32 $0x10, s1  }
0x33c: {  	[hbm4b:s31+s4] =	stream.linear.scatter [tilespmem:s30], [sflag:$0x4], $0x80, $0x38;
	[tilespmem:$0x10800] =	vst v63  }
0x33d: {  	s20 =	sadd.s32 $0xC710, s0;
	s23 =	sadd.s32 $0x20, s1  }
0x33e: {  	[hbm4b:s23+s4] =	stream.linear.scatter [tilespmem:s20], [sflag:$0x4], $0x80, $0x38;
	[tilespmem:$0x10800] =	vst v63  }
0x33f: {  	s28 =	sadd.s32 $0xC798, s0;
	s29 =	sadd.s32 $0x30, s1  }
0x340: {  	[hbm4b:s29+s4] =	stream.linear.scatter [tilespmem:s28], [sflag:$0x4], $0x80, $0x38;
	[tilespmem:$0x10800] =	vst v63  }
0x341: {  	s30 =	sadd.s32 $0xC820, s0;
	s31 =	sadd.s32 $0x40, s1  }
0x342: {  	[hbm4b:s31+s4] =	stream.linear.scatter [tilespmem:s30], [sflag:$0x4], $0x80, $0x38;
	[tilespmem:$0x10800] =	vst v63  }
0x343: {  	s20 =	sadd.s32 $0xC8A8, s0;
	s23 =	sadd.s32 $0x50, s1  }
0x344: {  	[hbm4b:s23+s4] =	stream.linear.scatter [tilespmem:s20], [sflag:$0x4], $0x80, $0x38;
	[tilespmem:$0x10800] =	vst v63  }
0x345: {  	s28 =	sadd.s32 $0xC930, s0;
	s29 =	sadd.s32 $0x60, s1  }
0x346: {  	[hbm4b:s29+s4] =	stream.linear.scatter [tilespmem:s28], [sflag:$0x4], $0x80, $0x38;
	[tilespmem:$0x10800] =	vst v63  }
0x347: {  	s26 =	sadd.s32 $0x1, s26;
	s30 =	sadd.s32 $0xC9B8, s0;
	s31 =	sadd.s32 $0x70, s1  }
0x348: {  	[hbm4b:s31+s4] =	stream.linear.scatter [tilespmem:s30], [sflag:$0x4], $0x80, $0x38;
	[tilespmem:$0x10800] =	vst v63  }
0x349: {  	p0 =	sne.s32 s26, s13;
	_ =	swait.ge [sflag:s24], $0x2000  }
.Ltmp13:
0x34a: {  	[sflag:s24] =	ssyncset.done $0x0;
	(pc) =	sbr.rel @p0 .LBB2_1-.Ltmp13, $4  }
0x34b: {  	[sflag:s24] =	ssyncadd.s32 $0xFFFFE000  }
0x34c: {  	_ =	swait.ge [sflag:s25], $0x2000  }
0x34d: {  	[sflag:s25] =	ssyncset.done $0x0  }
0x34e: {  	[sflag:s25] =	ssyncadd.s32 $0xFFFFE000  }
0x34f: {  	_ =	sfence.sel $0x180000  }
0x350: {  	[bflag:$0x0] =	sbarrier.arrive $0xFFFF  }
0x351: {  	_ =	strace $0x90000047  }
0x352: {  	s0 =	stileid.u32;
	[bflag:$0x2] =	sbarrier.arrive $0xFFFF  }
0x353: {  	p0 =	sne.s32 s0, $0x0;
	s0 =	rddreg [dreg:$0x3]  }
0x354: {  	s0 =	sadd.s32 @!p0 $0x100000, s0  }
0x355: {  	[sflag:s0] =	ssyncadd.tile.s32 @!p0 $0x1;
	_ =	shalt  }
.Lfunc_end2:
_tile_overlayer_lowered:
.L_overlay_start_2:
0x356: {  	(tag) =	ssettag $0x2  }
0x357: {  	s0 =	rddreg [dreg:$0x0];
	s2 =	stileid.u32  }
0x358: {  	s1 =	rddreg [dreg:$0x1];
	p0 =	sne.s32 s2, $0x0  }
0x359: {  	s3 =	rddreg [dreg:$0x2];
	[bflag:$0x3] =	sbarrier.arrive $0xFFFF;
	s2 =	simm.s32 @!p0 $0x1C05  }
0x35a: {  	[timem:s3], [sflag:s2] =	dma.local @!p0 [hbm:s0], s1  }
0x35b: {  	s0 =	simm.s32 @!p0 $0x5  }
0x35c: {  	_ =	swait.ge @!p0 [sflag:s0], s1  }
0x35d: {  	s1 =	ssub.s32 @!p0 $0x0, s1;
	[sflag:s0] =	ssyncset.done @!p0 $0x0  }
0x35e: {  	[sflag:s0] =	ssyncadd.s32 @!p0 s1  }
0x35f: {  	[bflag:$0x3] =	sbarrier.arrive $0xFFFF  }
0x360: {  	_ =	shalt  }

</sc_bundles>
